<compile_context>
chip_gen: v7x
topology: tpu7x:2x2x1
jax: 0.10.2.dev20260603
libtpu: 0.0.44.dev20260713+nightly
codegen_flags: <defaults>
</compile_context>

<pallas_src>
import functools

import jax
import jax.numpy as jnp
from jax import lax
from jax.experimental import pallas as pl
from jax.experimental.pallas import tpu as pltpu
from jax.experimental.pallas import tpu_sc as plsc

NC = 2
NS = 16
LANES = 16

N = 10000
E = 320000
D = 128
H = 128

EPW = E // (NC * NS)
EB = 80
NBLK = EPW // EB
RPT = 624
TAIL = N - NS * RPT



def _sc_layer_body(node_hbm, emb_hbm, src_hbm, dst_hbm, out_hbm,
                   idx_s, idx_d, rows_v, emb_v, table_sh, sem,
                   sc_sem0, sc_sem1):
    c = lax.axis_index("c")
    s = lax.axis_index("s")
    wid = c * NS + s

    pltpu.sync_copy(node_hbm.at[pl.ds(s * RPT, RPT)],
                    table_sh.at[pl.ds(s * RPT, RPT)])

    @pl.when(s == 0)
    def _():
        pltpu.sync_copy(node_hbm.at[pl.ds(NS * RPT, TAIL)],
                        table_sh.at[pl.ds(NS * RPT, TAIL)])

    plsc.subcore_barrier()

    sc_sems = (sc_sem0, sc_sem1)

    def edge_block_slot(g, b):
        base = wid * EPW + g * EB

        def _wait_prev():
            pltpu.make_async_copy(rows_v.at[b], table_sh.at[idx_d.at[b]],
                                  sc_sems[b]).wait()

        if isinstance(g, int):
            if g >= 2:
                _wait_prev()
        else:
            pl.when(g >= 2)(_wait_prev)

        pltpu.sync_copy(src_hbm.at[pl.ds(base, EB)], idx_s.at[b])
        pltpu.sync_copy(dst_hbm.at[pl.ds(base, EB)], idx_d.at[b])
        gather = pltpu.async_copy(node_hbm.at[idx_s.at[b]], rows_v.at[b], sem)
        pltpu.sync_copy(emb_hbm.at[pl.ds(base, EB)], emb_v)
        gather.wait()

        def mul_row(i, carry2):
            for d in range(H // LANES):
                sl = pl.ds(d * LANES, LANES)
                rows_v[b, i, sl] = rows_v[b, i, sl] * emb_v[i, sl]
            return carry2

        lax.fori_loop(0, EB, mul_row, 0, unroll=False)
        pltpu.async_copy(rows_v.at[b], table_sh.at[idx_d.at[b]], sc_sems[b],
                         add=True)

    def edge_block(h, carry):
        edge_block_slot(2 * h, 0)
        edge_block_slot(2 * h + 1, 1)
        return carry

    lax.fori_loop(0, NBLK // 2, edge_block, 0, unroll=False)
    if NBLK % 2:
        edge_block_slot(NBLK - 1, 0)
    pltpu.make_async_copy(rows_v.at[0], table_sh.at[idx_d.at[0]],
                          sc_sems[0]).wait()
    pltpu.make_async_copy(rows_v.at[1], table_sh.at[idx_d.at[1]],
                          sc_sems[1]).wait()
    plsc.subcore_barrier()

    pltpu.sync_copy(table_sh.at[pl.ds(s * RPT, RPT)],
                    out_hbm.at[c, pl.ds(s * RPT, RPT)])

    @pl.when(s == 0)
    def _():
        pltpu.sync_copy(table_sh.at[pl.ds(NS * RPT, TAIL)],
                        out_hbm.at[c, pl.ds(NS * RPT, TAIL)])


@functools.cache
def _get_sc_layer():
    return pl.kernel(
        _sc_layer_body,
        out_type=jax.ShapeDtypeStruct((NC, N, H), jnp.float32),
        mesh=plsc.VectorSubcoreMesh(core_axis_name="c", subcore_axis_name="s",
                                    num_cores=NC, num_subcores=NS),
        scratch_types=[
            pltpu.VMEM((2, EB), jnp.int32),
            pltpu.VMEM((2, EB), jnp.int32),
            pltpu.VMEM((2, EB, H), jnp.float32),
            pltpu.VMEM((EB, H), jnp.float32),
            pltpu.VMEM_SHARED((N, H), jnp.float32),
            pltpu.SemaphoreType.DMA,
            pltpu.SemaphoreType.DMA,
            pltpu.SemaphoreType.DMA,
        ],
    )


def _sc_layer(*args):
    return _get_sc_layer()(*args)



def _matmul_bias_body(x_ref, w_ref, b_ref, o_ref):
    o_ref[...] = jnp.dot(x_ref[...], w_ref[...],
                         preferred_element_type=jnp.float32) + b_ref[...]


def _matmul_bias(x, w_t, b, row_blk):
    rows, k = x.shape
    cols = w_t.shape[1]
    grid = rows // row_blk
    return pl.pallas_call(
        _matmul_bias_body,
        grid=(grid,),
        in_specs=[
            pl.BlockSpec((row_blk, k), lambda i: (i, 0)),
            pl.BlockSpec((k, cols), lambda i: (0, 0)),
            pl.BlockSpec((1, cols), lambda i: (0, 0)),
        ],
        out_specs=pl.BlockSpec((row_blk, cols), lambda i: (i, 0)),
        out_shape=jax.ShapeDtypeStruct((rows, cols), jnp.float32),
    )(x, w_t, b)


def _combine_body(a_ref, b_ref, n_ref, o_ref):
    o_ref[...] = a_ref[0] + b_ref[0] - n_ref[...]


def _combine(parts, node):
    row_blk = 2000
    return pl.pallas_call(
        _combine_body,
        grid=(N // row_blk,),
        in_specs=[
            pl.BlockSpec((1, row_blk, H), lambda i: (0, i, 0)),
            pl.BlockSpec((1, row_blk, H), lambda i: (1, i, 0)),
            pl.BlockSpec((row_blk, H), lambda i: (i, 0)),
        ],
        out_specs=pl.BlockSpec((row_blk, H), lambda i: (i, 0)),
        out_shape=jax.ShapeDtypeStruct((N, H), jnp.float32),
    )(parts, parts, node)


NUM_GRAPHS_OUT = 64
MLP_BLK = 2000


def _mlp_pool_body(pa_ref, pb_ref, n_ref, w1_ref, b1_ref, w2_ref, b2_ref,
                   w3_ref, batch_ref, o_ref):
    i = pl.program_id(0)
    h = pa_ref[0] + pb_ref[0] - n_ref[...]
    h = jnp.maximum(h, 0.0)
    h = jnp.dot(h, w1_ref[...], preferred_element_type=jnp.float32) + b1_ref[...]
    h = jnp.maximum(h, 0.0)
    h = jnp.dot(h, w2_ref[...], preferred_element_type=jnp.float32) + b2_ref[...]
    h = jnp.maximum(h, 0.0)
    e = jnp.dot(h, w3_ref[...], preferred_element_type=jnp.float32)
    b = batch_ref[...].reshape(MLP_BLK)
    ids = lax.broadcasted_iota(jnp.int32, (MLP_BLK, NUM_GRAPHS_OUT), 1)
    oh = (b[:, None] == ids).astype(jnp.float32)
    dgp = lax.dot_general(oh, e, (((0,), (0,)), ((), ())),
                          preferred_element_type=jnp.float32)

    @pl.when(i == 0)
    def _():
        o_ref[...] = jnp.zeros_like(o_ref)

    o_ref[...] += dgp


def _mlp_pool(parts, node, w1_t, b1, w2_t, b2, w3_t, batch3):
    grid = N // MLP_BLK
    return pl.pallas_call(
        _mlp_pool_body,
        grid=(grid,),
        in_specs=[
            pl.BlockSpec((1, MLP_BLK, H), lambda i: (0, i, 0)),
            pl.BlockSpec((1, MLP_BLK, H), lambda i: (1, i, 0)),
            pl.BlockSpec((MLP_BLK, H), lambda i: (i, 0)),
            pl.BlockSpec((H, H), lambda i: (0, 0)),
            pl.BlockSpec((1, H), lambda i: (0, 0)),
            pl.BlockSpec((H, H // 2), lambda i: (0, 0)),
            pl.BlockSpec((1, H // 2), lambda i: (0, 0)),
            pl.BlockSpec((H // 2, 1), lambda i: (0, 0)),
            pl.BlockSpec((1, 1, MLP_BLK), lambda i: (i, 0, 0)),
        ],
        out_specs=pl.BlockSpec((NUM_GRAPHS_OUT, 1), lambda i: (0, 0)),
        out_shape=jax.ShapeDtypeStruct((NUM_GRAPHS_OUT, 1), jnp.float32),
    )(parts, parts, node, w1_t, b1, w2_t, b2, w3_t, batch3)



def kernel(x, edge_index, edge_attr, batch, W_atom, b_atom, W_bond, b_bond,
           W1, b1, W2, b2, W3):
    src = edge_index[0].astype(jnp.int32)
    dst = edge_index[1].astype(jnp.int32)
    batch3 = batch.astype(jnp.int32).reshape(N // MLP_BLK, 1, MLP_BLK)

    node_emb = _matmul_bias(x, W_atom.T, b_atom.reshape(1, H), 2000)
    edge_emb = _matmul_bias(edge_attr, W_bond.T, b_bond.reshape(1, H), 4000)

    parts1 = _sc_layer(node_emb, edge_emb, src, dst)
    node1 = _combine(parts1, node_emb)
    parts2 = _sc_layer(node1, edge_emb, src, dst)

    dg = _mlp_pool(parts2, node1, W1.T, b1.reshape(1, H),
                   W2.T, b2.reshape(1, H // 2), W3.T, batch3)
    return dg

# --- scband reference (transcript-rebuilt; emitter-appended) ---
"""Pipeline reference for scband-mp-network-1666447311389 (READ-ONLY COPY).

The authoritative reference and input builder live on the scoring server;
editing this copy changes nothing except your own understanding.
"""

import jax, jax.numpy as jnp
import numpy as np


def setup_inputs(seed: int = 0) -> dict:
    key = jax.random.key(seed)
    ks = jax.random.split(key, 16)
    N, E, D, DE, H = 10000, 320000, 128, 16, 128
    NUM_GRAPHS = 64
    x = jax.random.normal(ks[0], (N, D), dtype=jnp.float32)
    edge_index = jax.random.randint(ks[1], (2, E), 0, N, dtype=jnp.int64)
    edge_attr = jax.random.normal(ks[2], (E, DE), dtype=jnp.float32)
    batch = jnp.sort(jax.random.randint(ks[3], (N,), 0, NUM_GRAPHS, dtype=jnp.int64))
    # learned params (kaiming-uniform-ish init via scaled normal)
    def lin_w(k, fan_out, fan_in):
        return jax.random.normal(k, (fan_out, fan_in), dtype=jnp.float32) * np.sqrt(2.0 / fan_in)
    W_atom = lin_w(ks[4], H, D)
    b_atom = jnp.zeros((H,), dtype=jnp.float32)
    W_bond = lin_w(ks[5], H, DE)
    b_bond = jnp.zeros((H,), dtype=jnp.float32)
    W1 = lin_w(ks[6], H, H)
    b1 = jnp.zeros((H,), dtype=jnp.float32)
    W2 = lin_w(ks[7], H // 2, H)
    b2 = jnp.zeros((H // 2,), dtype=jnp.float32)
    W3 = lin_w(ks[8], 1, H // 2)  # no bias
    return {"x": x, "edge_index": edge_index, "edge_attr": edge_attr, "batch": batch,
            "W_atom": W_atom, "b_atom": b_atom, "W_bond": W_bond, "b_bond": b_bond,
            "W1": W1, "b1": b1, "W2": W2, "b2": b2, "W3": W3}


def reference(x, edge_index, edge_attr, batch, W_atom, b_atom, W_bond, b_bond, W1, b1, W2, b2, W3):
    NUM_LAYERS = 2
    NUM_GRAPHS = 64
    N = x.shape[0]
    # Step 1: embed atoms and bonds
    node_emb = x @ W_atom.T + b_atom
    edge_emb = edge_attr @ W_bond.T + b_bond
    src = edge_index[0]  # x_j (source / neighbor) in PyG default flow
    dst = edge_index[1]  # aggregation target
    # Step 2: message passing layers: x = x + sum_{j->i} x_j * edge_attr
    for _ in range(NUM_LAYERS):
        msg = node_emb[src] * edge_emb          # gather + elementwise
        agg = jax.ops.segment_sum(msg, dst, num_segments=N)  # scatter-add
        node_emb = node_emb + agg
    # Step 3: energy MLP: ReLU -> Linear -> ReLU -> Linear -> ReLU -> Linear(no bias)
    h = jax.nn.relu(node_emb)
    h = h @ W1.T + b1
    h = jax.nn.relu(h)
    h = h @ W2.T + b2
    h = jax.nn.relu(h)
    node_energy = h @ W3.T  # [N, 1]
    # Step 4: global add pool over batch assignment ('molecule mode')
    dg = jax.ops.segment_sum(node_energy, batch, num_segments=NUM_GRAPHS)
    return dg

if __name__ == "__main__":
    import jax
    _d = setup_inputs()
    print(jax.jit(kernel)(*tuple(_d.values())))

</pallas_src>

<mosaic_0001>
#map = affine_map<(d0, d1) -> (0, 0)>
#map1 = affine_map<(d0, d1) -> (0)>
#map2 = affine_map<(d0, d1) -> (0, 0, 0)>
module attributes {stable_mosaic.version = 14 : i64} {
  func.func @_sc_layer_body(%arg0: i32, %arg1: i32, %arg2: memref<10000x128xf32, #tpu.memory_space<hbm>>, %arg3: memref<320000x128xf32, #tpu.memory_space<hbm>>, %arg4: memref<320000xi32, #tpu.memory_space<hbm>>, %arg5: memref<320000xi32, #tpu.memory_space<hbm>>, %arg6: memref<2x10000x128xf32, #tpu.memory_space<hbm>>, %arg7: memref<2x80xi32, #tpu.memory_space<vmem>>, %arg8: memref<2x80xi32, #tpu.memory_space<vmem>>, %arg9: memref<2x80x128xf32, #tpu.memory_space<vmem>>, %arg10: memref<80x128xf32, #tpu.memory_space<vmem>>, %arg11: memref<10000x128xf32, #tpu.memory_space<vmem_shared>>, %arg12: memref<!tpu.dma_semaphore, #tpu.memory_space<semaphore_mem>>, %arg13: memref<!tpu.dma_semaphore, #tpu.memory_space<semaphore_mem>>, %arg14: memref<!tpu.dma_semaphore, #tpu.memory_space<semaphore_mem>>) attributes {dimension_semantics = [#tpu.dimension_semantics<core_parallel>, #tpu.dimension_semantics<subcore_parallel>], iteration_bounds = array<i64: 2, 16>, scalar_prefetch = 0 : i64, scratch_operands = 8 : i64, tpu.core_type = #tpu.core_type<sc_vector_subcore>, window_params = [{transform_indices = #map}, {transform_indices = #map}, {transform_indices = #map1}, {transform_indices = #map1}, {transform_indices = #map2}]} {
    %mul3A = arith.constant 16 : i32
    %mul3A_0 = arith.muli %arg0, %mul3A : i32
    %add3A = arith.addi %mul3A_0, %arg1 : i32
    %mul3A_1 = arith.constant 624 : i32
    %mul3A_2 = arith.muli %arg1, %mul3A_1 : i32
    %mul3A_3 = arith.constant 624 : i32
    %mul3A_4 = arith.muli %arg1, %mul3A_3 : i32
    "tpu.region"() ({
      %run_scoped3A_103 = tpu.sem_alloc : memref<!tpu.dma_semaphore, #tpu.memory_space<semaphore_mem>>
      %dma_start3A_104 = arith.constant 0 : i32
      %dma_start3A_105 = tpu.memref_slice %arg11[%mul3A_4, %dma_start3A_104] : memref<10000x128xf32, #tpu.memory_space<vmem_shared>> -> memref<624x128xf32, #tpu.memory_space<vmem_shared>>
      %dma_start3A_106 = arith.constant 0 : i32
      %dma_start3A_107 = tpu.memref_slice %arg2[%mul3A_2, %dma_start3A_106] : memref<10000x128xf32, #tpu.memory_space<hbm>> -> memref<624x128xf32, #tpu.memory_space<hbm>>
      tpu.enqueue_dma source(%dma_start3A_107 : memref<624x128xf32, #tpu.memory_space<hbm>>) target(%dma_start3A_105 : memref<624x128xf32, #tpu.memory_space<vmem_shared>>) target_semaphore(%run_scoped3A_103 : memref<!tpu.dma_semaphore, #tpu.memory_space<semaphore_mem>>)
      %dma_wait3A_108 = arith.constant 0 : i32
      %dma_wait3A_109 = tpu.memref_slice %arg11[%mul3A_4, %dma_wait3A_108] : memref<10000x128xf32, #tpu.memory_space<vmem_shared>> -> memref<624x128xf32, #tpu.memory_space<vmem_shared>>
      %dma_wait3A_110 = arith.constant 0 : i32
      %dma_wait3A_111 = tpu.memref_slice %arg2[%mul3A_2, %dma_wait3A_110] : memref<10000x128xf32, #tpu.memory_space<hbm>> -> memref<624x128xf32, #tpu.memory_space<hbm>>
      tpu.wait_dma2 semaphore(%run_scoped3A_103 : memref<!tpu.dma_semaphore, #tpu.memory_space<semaphore_mem>>) src(%dma_wait3A_111 : memref<624x128xf32, #tpu.memory_space<hbm>>) dst(%dma_wait3A_109 : memref<624x128xf32, #tpu.memory_space<vmem_shared>>)
      tpu.yield
    }) : () -> ()
    %eq3A = arith.constant 0 : i32
    %eq3A_5 = arith.cmpi eq, %arg1, %eq3A : i32
    %convert_element_type3A = arith.extui %eq3A_5 : i1 to i32
    %cond3A = arith.constant 0 : i32
    %cond3A_6 = arith.cmpi ne, %convert_element_type3A, %cond3A : i32
    scf.if %cond3A_6 {
      "tpu.region"() ({
        %run_scoped3A_103 = tpu.sem_alloc : memref<!tpu.dma_semaphore, #tpu.memory_space<semaphore_mem>>
        %dma_start3A_104 = arith.constant 9984 : i32
        %dma_start3A_105 = arith.constant 0 : i32
        %dma_start3A_106 = tpu.memref_slice %arg11[%dma_start3A_104, %dma_start3A_105] : memref<10000x128xf32, #tpu.memory_space<vmem_shared>> -> memref<16x128xf32, #tpu.memory_space<vmem_shared>>
        %dma_start3A_107 = arith.constant 9984 : i32
        %dma_start3A_108 = arith.constant 0 : i32
        %dma_start3A_109 = tpu.memref_slice %arg2[%dma_start3A_107, %dma_start3A_108] : memref<10000x128xf32, #tpu.memory_space<hbm>> -> memref<16x128xf32, #tpu.memory_space<hbm>>
        tpu.enqueue_dma source(%dma_start3A_109 : memref<16x128xf32, #tpu.memory_space<hbm>>) target(%dma_start3A_106 : memref<16x128xf32, #tpu.memory_space<vmem_shared>>) target_semaphore(%run_scoped3A_103 : memref<!tpu.dma_semaphore, #tpu.memory_space<semaphore_mem>>)
        %dma_wait3A_110 = arith.constant 9984 : i32
        %dma_wait3A_111 = arith.constant 0 : i32
        %dma_wait3A_112 = tpu.memref_slice %arg11[%dma_wait3A_110, %dma_wait3A_111] : memref<10000x128xf32, #tpu.memory_space<vmem_shared>> -> memref<16x128xf32, #tpu.memory_space<vmem_shared>>
        %dma_wait3A_113 = arith.constant 9984 : i32
        %dma_wait3A_114 = arith.constant 0 : i32
        %dma_wait3A_115 = tpu.memref_slice %arg2[%dma_wait3A_113, %dma_wait3A_114] : memref<10000x128xf32, #tpu.memory_space<hbm>> -> memref<16x128xf32, #tpu.memory_space<hbm>>
        tpu.wait_dma2 semaphore(%run_scoped3A_103 : memref<!tpu.dma_semaphore, #tpu.memory_space<semaphore_mem>>) src(%dma_wait3A_115 : memref<16x128xf32, #tpu.memory_space<hbm>>) dst(%dma_wait3A_112 : memref<16x128xf32, #tpu.memory_space<vmem_shared>>)
        tpu.yield
      }) : () -> ()
    } else {
    }
    %barrier3A = arith.constant 0 : index
    tpu.barrier barrier_id(%barrier3A)
    %scan3A = arith.constant 0 : i32
    %scan3A_7 = arith.constant 0 : i32
    %scan3A_8 = arith.constant 62 : i32
    %scan3A_9 = arith.addi %scan3A_7, %scan3A_8 : i32
    %scan3A_10 = arith.constant 1 : i32
    scf.for %scan3A_103 = %scan3A_7 to %scan3A_9 step %scan3A_10  : i32 {
      %mul3A_104 = arith.constant 2 : i32
      %mul3A_105 = arith.muli %mul3A_104, %scan3A_103 : i32
      %mul3A_106 = arith.constant 10000 : i32
      %mul3A_107 = arith.muli %add3A, %mul3A_106 : i32
      %mul3A_108 = arith.constant 80 : i32
      %mul3A_109 = arith.muli %mul3A_105, %mul3A_108 : i32
      %add3A_110 = arith.addi %mul3A_107, %mul3A_109 : i32
      %ge3A = arith.constant 2 : i32
      %ge3A_111 = arith.cmpi sge, %mul3A_105, %ge3A : i32
      %convert_element_type3A_112 = arith.extui %ge3A_111 : i1 to i32
      %cond3A_113 = arith.constant 0 : i32
      %cond3A_114 = arith.cmpi ne, %convert_element_type3A_112, %cond3A_113 : i32
      scf.if %cond3A_114 {
        %dma_wait3A_217 = arith.constant 0 : i32
        %dma_wait3A_218 = arith.constant 0 : i32
        %dma_wait3A_219 = arith.constant 0 : i32
        %dma_wait3A_220 = arith.constant 0 : i32
        %dma_wait3A_221 = tpu.memref_slice %arg9[%dma_wait3A_217, %dma_wait3A_219, %dma_wait3A_220] : memref<2x80x128xf32, #tpu.memory_space<vmem>> -> memref<1x80x128xf32, #tpu.memory_space<vmem>>
        %dma_wait3A_222 = tpu.memref_squeeze %dma_wait3A_221 : memref<1x80x128xf32, #tpu.memory_space<vmem>> -> memref<80x128xf32, #tpu.memory_space<vmem>>
        %dma_wait3A_223 = arith.constant 0 : i32
        %dma_wait3A_224 = tpu.memref_slice %arg8[%dma_wait3A_218, %dma_wait3A_223] : memref<2x80xi32, #tpu.memory_space<vmem>> -> memref<1x80xi32, #tpu.memory_space<vmem>>
        %dma_wait3A_225 = tpu.memref_squeeze %dma_wait3A_224 : memref<1x80xi32, #tpu.memory_space<vmem>> -> memref<80xi32, #tpu.memory_space<vmem>>
        %dma_wait3A_226 = arith.constant 0 : i32
        %dma_wait3A_227 = arith.constant 0 : i32
        %dma_wait3A_228 = tpu.memref_slice %arg11[%dma_wait3A_226, %dma_wait3A_227] : memref<10000x128xf32, #tpu.memory_space<vmem_shared>> -> memref<10000x128xf32, #tpu.memory_space<vmem_shared>>
        tpu.wait_indirect_dma semaphore(%arg13 : memref<!tpu.dma_semaphore, #tpu.memory_space<semaphore_mem>>) src(%dma_wait3A_222 : memref<80x128xf32, #tpu.memory_space<vmem>>) dst(%dma_wait3A_228 : memref<10000x128xf32, #tpu.memory_space<vmem_shared>>)
      } else {
      }
      %run_scoped3A_115 = arith.constant 0 : i32
      "tpu.region"() ({
        %run_scoped3A_217 = tpu.sem_alloc : memref<!tpu.dma_semaphore, #tpu.memory_space<semaphore_mem>>
        %dma_start3A_218 = arith.constant 0 : i32
        %dma_start3A_219 = tpu.memref_slice %arg7[%run_scoped3A_115, %dma_start3A_218] : memref<2x80xi32, #tpu.memory_space<vmem>> -> memref<1x80xi32, #tpu.memory_space<vmem>>
        %dma_start3A_220 = tpu.memref_squeeze %dma_start3A_219 : memref<1x80xi32, #tpu.memory_space<vmem>> -> memref<80xi32, #tpu.memory_space<vmem>>
        %dma_start3A_221 = tpu.memref_slice %arg4[%add3A_110] : memref<320000xi32, #tpu.memory_space<hbm>> -> memref<80xi32, #tpu.memory_space<hbm>>
        %dma_start3A_222 = arith.constant 0 : i32
        %dma_start3A_223 = tpu.memref_slice %arg7[%run_scoped3A_115, %dma_start3A_222] : memref<2x80xi32, #tpu.memory_space<vmem>> -> memref<1x80xi32, #tpu.memory_space<vmem>>
        %dma_start3A_224 = tpu.memref_squeeze %dma_start3A_223 : memref<1x80xi32, #tpu.memory_space<vmem>> -> memref<80xi32, #tpu.memory_space<vmem>>
        %dma_start3A_225 = tpu.memref_slice %arg4[%add3A_110] : memref<320000xi32, #tpu.memory_space<hbm>> -> memref<80xi32, #tpu.memory_space<hbm>>
        tpu.enqueue_dma source(%dma_start3A_225 : memref<80xi32, #tpu.memory_space<hbm>>) target(%dma_start3A_224 : memref<80xi32, #tpu.memory_space<vmem>>) target_semaphore(%run_scoped3A_217 : memref<!tpu.dma_semaphore, #tpu.memory_space<semaphore_mem>>)
        %dma_wait3A_226 = arith.constant 0 : i32
        %dma_wait3A_227 = tpu.memref_slice %arg7[%run_scoped3A_115, %dma_wait3A_226] : memref<2x80xi32, #tpu.memory_space<vmem>> -> memref<1x80xi32, #tpu.memory_space<vmem>>
        %dma_wait3A_228 = tpu.memref_squeeze %dma_wait3A_227 : memref<1x80xi32, #tpu.memory_space<vmem>> -> memref<80xi32, #tpu.memory_space<vmem>>
        %dma_wait3A_229 = tpu.memref_slice %arg4[%add3A_110] : memref<320000xi32, #tpu.memory_space<hbm>> -> memref<80xi32, #tpu.memory_space<hbm>>
        %dma_wait3A_230 = arith.constant 0 : i32
        %dma_wait3A_231 = tpu.memref_slice %arg7[%run_scoped3A_115, %dma_wait3A_230] : memref<2x80xi32, #tpu.memory_space<vmem>> -> memref<1x80xi32, #tpu.memory_space<vmem>>
        %dma_wait3A_232 = tpu.memref_squeeze %dma_wait3A_231 : memref<1x80xi32, #tpu.memory_space<vmem>> -> memref<80xi32, #tpu.memory_space<vmem>>
        %dma_wait3A_233 = tpu.memref_slice %arg4[%add3A_110] : memref<320000xi32, #tpu.memory_space<hbm>> -> memref<80xi32, #tpu.memory_space<hbm>>
        tpu.wait_dma2 semaphore(%run_scoped3A_217 : memref<!tpu.dma_semaphore, #tpu.memory_space<semaphore_mem>>) src(%dma_wait3A_233 : memref<80xi32, #tpu.memory_space<hbm>>) dst(%dma_wait3A_232 : memref<80xi32, #tpu.memory_space<vmem>>)
        tpu.yield
      }) : () -> ()
      %run_scoped3A_116 = arith.constant 0 : i32
      "tpu.region"() ({
        %run_scoped3A_217 = tpu.sem_alloc : memref<!tpu.dma_semaphore, #tpu.memory_space<semaphore_mem>>
        %dma_start3A_218 = arith.constant 0 : i32
        %dma_start3A_219 = tpu.memref_slice %arg8[%run_scoped3A_116, %dma_start3A_218] : memref<2x80xi32, #tpu.memory_space<vmem>> -> memref<1x80xi32, #tpu.memory_space<vmem>>
        %dma_start3A_220 = tpu.memref_squeeze %dma_start3A_219 : memref<1x80xi32, #tpu.memory_space<vmem>> -> memref<80xi32, #tpu.memory_space<vmem>>
        %dma_start3A_221 = tpu.memref_slice %arg5[%add3A_110] : memref<320000xi32, #tpu.memory_space<hbm>> -> memref<80xi32, #tpu.memory_space<hbm>>
        %dma_start3A_222 = arith.constant 0 : i32
        %dma_start3A_223 = tpu.memref_slice %arg8[%run_scoped3A_116, %dma_start3A_222] : memref<2x80xi32, #tpu.memory_space<vmem>> -> memref<1x80xi32, #tpu.memory_space<vmem>>
        %dma_start3A_224 = tpu.memref_squeeze %dma_start3A_223 : memref<1x80xi32, #tpu.memory_space<vmem>> -> memref<80xi32, #tpu.memory_space<vmem>>
        %dma_start3A_225 = tpu.memref_slice %arg5[%add3A_110] : memref<320000xi32, #tpu.memory_space<hbm>> -> memref<80xi32, #tpu.memory_space<hbm>>
        tpu.enqueue_dma source(%dma_start3A_225 : memref<80xi32, #tpu.memory_space<hbm>>) target(%dma_start3A_224 : memref<80xi32, #tpu.memory_space<vmem>>) target_semaphore(%run_scoped3A_217 : memref<!tpu.dma_semaphore, #tpu.memory_space<semaphore_mem>>)
        %dma_wait3A_226 = arith.constant 0 : i32
        %dma_wait3A_227 = tpu.memref_slice %arg8[%run_scoped3A_116, %dma_wait3A_226] : memref<2x80xi32, #tpu.memory_space<vmem>> -> memref<1x80xi32, #tpu.memory_space<vmem>>
        %dma_wait3A_228 = tpu.memref_squeeze %dma_wait3A_227 : memref<1x80xi32, #tpu.memory_space<vmem>> -> memref<80xi32, #tpu.memory_space<vmem>>
        %dma_wait3A_229 = tpu.memref_slice %arg5[%add3A_110] : memref<320000xi32, #tpu.memory_space<hbm>> -> memref<80xi32, #tpu.memory_space<hbm>>
        %dma_wait3A_230 = arith.constant 0 : i32
        %dma_wait3A_231 = tpu.memref_slice %arg8[%run_scoped3A_116, %dma_wait3A_230] : memref<2x80xi32, #tpu.memory_space<vmem>> -> memref<1x80xi32, #tpu.memory_space<vmem>>
        %dma_wait3A_232 = tpu.memref_squeeze %dma_wait3A_231 : memref<1x80xi32, #tpu.memory_space<vmem>> -> memref<80xi32, #tpu.memory_space<vmem>>
        %dma_wait3A_233 = tpu.memref_slice %arg5[%add3A_110] : memref<320000xi32, #tpu.memory_space<hbm>> -> memref<80xi32, #tpu.memory_space<hbm>>
        tpu.wait_dma2 semaphore(%run_scoped3A_217 : memref<!tpu.dma_semaphore, #tpu.memory_space<semaphore_mem>>) src(%dma_wait3A_233 : memref<80xi32, #tpu.memory_space<hbm>>) dst(%dma_wait3A_232 : memref<80xi32, #tpu.memory_space<vmem>>)
        tpu.yield
      }) : () -> ()
      %dma_start3A_117 = arith.constant 0 : i32
      %dma_start3A_118 = arith.constant 0 : i32
      %dma_start3A_119 = arith.constant 0 : i32
      %dma_start3A_120 = arith.constant 0 : i32
      %dma_start3A_121 = tpu.memref_slice %arg9[%dma_start3A_118, %dma_start3A_119, %dma_start3A_120] : memref<2x80x128xf32, #tpu.memory_space<vmem>> -> memref<1x80x128xf32, #tpu.memory_space<vmem>>
      %dma_start3A_122 = tpu.memref_squeeze %dma_start3A_121 : memref<1x80x128xf32, #tpu.memory_space<vmem>> -> memref<80x128xf32, #tpu.memory_space<vmem>>
      %dma_start3A_123 = arith.constant 0 : i32
      %dma_start3A_124 = tpu.memref_slice %arg7[%dma_start3A_117, %dma_start3A_123] : memref<2x80xi32, #tpu.memory_space<vmem>> -> memref<1x80xi32, #tpu.memory_space<vmem>>
      %dma_start3A_125 = tpu.memref_squeeze %dma_start3A_124 : memref<1x80xi32, #tpu.memory_space<vmem>> -> memref<80xi32, #tpu.memory_space<vmem>>
      %dma_start3A_126 = arith.constant 0 : i32
      %dma_start3A_127 = arith.constant 0 : i32
      %dma_start3A_128 = tpu.memref_slice %arg2[%dma_start3A_126, %dma_start3A_127] : memref<10000x128xf32, #tpu.memory_space<hbm>> -> memref<10000x128xf32, #tpu.memory_space<hbm>>
      tpu.enqueue_indirect_dma source(%dma_start3A_128 : memref<10000x128xf32, #tpu.memory_space<hbm>>) target(%dma_start3A_122 : memref<80x128xf32, #tpu.memory_space<vmem>>) offsets(%dma_start3A_125 : memref<80xi32, #tpu.memory_space<vmem>>) semaphore(%arg12 : memref<!tpu.dma_semaphore, #tpu.memory_space<semaphore_mem>>)
      "tpu.region"() ({
        %run_scoped3A_217 = tpu.sem_alloc : memref<!tpu.dma_semaphore, #tpu.memory_space<semaphore_mem>>
        %dma_start3A_218 = arith.constant 0 : i32
        %dma_start3A_219 = tpu.memref_slice %arg3[%add3A_110, %dma_start3A_218] : memref<320000x128xf32, #tpu.memory_space<hbm>> -> memref<80x128xf32, #tpu.memory_space<hbm>>
        %dma_start3A_220 = arith.constant 0 : i32
        %dma_start3A_221 = tpu.memref_slice %arg3[%add3A_110, %dma_start3A_220] : memref<320000x128xf32, #tpu.memory_space<hbm>> -> memref<80x128xf32, #tpu.memory_space<hbm>>
        tpu.enqueue_dma source(%dma_start3A_221 : memref<80x128xf32, #tpu.memory_space<hbm>>) target(%arg10 : memref<80x128xf32, #tpu.memory_space<vmem>>) target_semaphore(%run_scoped3A_217 : memref<!tpu.dma_semaphore, #tpu.memory_space<semaphore_mem>>)
        %dma_wait3A_222 = arith.constant 0 : i32
        %dma_wait3A_223 = tpu.memref_slice %arg3[%add3A_110, %dma_wait3A_222] : memref<320000x128xf32, #tpu.memory_space<hbm>> -> memref<80x128xf32, #tpu.memory_space<hbm>>
        %dma_wait3A_224 = arith.constant 0 : i32
        %dma_wait3A_225 = tpu.memref_slice %arg3[%add3A_110, %dma_wait3A_224] : memref<320000x128xf32, #tpu.memory_space<hbm>> -> memref<80x128xf32, #tpu.memory_space<hbm>>
        tpu.wait_dma2 semaphore(%run_scoped3A_217 : memref<!tpu.dma_semaphore, #tpu.memory_space<semaphore_mem>>) src(%dma_wait3A_225 : memref<80x128xf32, #tpu.memory_space<hbm>>) dst(%arg10 : memref<80x128xf32, #tpu.memory_space<vmem>>)
        tpu.yield
      }) : () -> ()
      %dma_wait3A_129 = arith.constant 0 : i32
      %dma_wait3A_130 = arith.constant 0 : i32
      %dma_wait3A_131 = arith.constant 0 : i32
      %dma_wait3A_132 = arith.constant 0 : i32
      %dma_wait3A_133 = tpu.memref_slice %arg9[%dma_wait3A_130, %dma_wait3A_131, %dma_wait3A_132] : memref<2x80x128xf32, #tpu.memory_space<vmem>> -> memref<1x80x128xf32, #tpu.memory_space<vmem>>
      %dma_wait3A_134 = tpu.memref_squeeze %dma_wait3A_133 : memref<1x80x128xf32, #tpu.memory_space<vmem>> -> memref<80x128xf32, #tpu.memory_space<vmem>>
      %dma_wait3A_135 = arith.constant 0 : i32
      %dma_wait3A_136 = tpu.memref_slice %arg7[%dma_wait3A_129, %dma_wait3A_135] : memref<2x80xi32, #tpu.memory_space<vmem>> -> memref<1x80xi32, #tpu.memory_space<vmem>>
      %dma_wait3A_137 = tpu.memref_squeeze %dma_wait3A_136 : memref<1x80xi32, #tpu.memory_space<vmem>> -> memref<80xi32, #tpu.memory_space<vmem>>
      %dma_wait3A_138 = arith.constant 0 : i32
      %dma_wait3A_139 = arith.constant 0 : i32
      %dma_wait3A_140 = tpu.memref_slice %arg2[%dma_wait3A_138, %dma_wait3A_139] : memref<10000x128xf32, #tpu.memory_space<hbm>> -> memref<10000x128xf32, #tpu.memory_space<hbm>>
      tpu.wait_indirect_dma semaphore(%arg12 : memref<!tpu.dma_semaphore, #tpu.memory_space<semaphore_mem>>) src(%dma_wait3A_140 : memref<10000x128xf32, #tpu.memory_space<hbm>>) dst(%dma_wait3A_134 : memref<80x128xf32, #tpu.memory_space<vmem>>)
      %scan3A_141 = arith.constant 0 : i32
      %scan3A_142 = arith.constant 0 : i32
      %scan3A_143 = arith.constant 80 : i32
      %scan3A_144 = arith.addi %scan3A_142, %scan3A_143 : i32
      %scan3A_145 = arith.constant 1 : i32
      scf.for %scan3A_217 = %scan3A_142 to %scan3A_144 step %scan3A_145  : i32 {
        %get3A = arith.constant 0 : i32
        %get3A_218 = arith.index_cast %get3A : i32 to index
        %get3A_219 = arith.index_cast %scan3A_217 : i32 to index
        %get3A_220 = arith.constant 0 : index
        %get3A_221 = tpu.vector_load %arg9[%get3A_218, %get3A_219, %get3A_220] {strides = array<i32>} : memref<2x80x128xf32, #tpu.memory_space<vmem>>, vector<1x1x16xf32>,
        %get3A_222 = vector.shape_cast %get3A_221 : vector<1x1x16xf32> to vector<16xf32>
        %get3A_223 = arith.index_cast %scan3A_217 : i32 to index
        %get3A_224 = arith.constant 0 : index
        %get3A_225 = tpu.vector_load %arg10[%get3A_223, %get3A_224] {strides = array<i32>} : memref<80x128xf32, #tpu.memory_space<vmem>>, vector<1x16xf32>,
        %get3A_226 = vector.shape_cast %get3A_225 : vector<1x16xf32> to vector<16xf32>
        %mul3A_227 = arith.mulf %get3A_222, %get3A_226 : vector<16xf32>
        %swap3A = arith.constant 0 : i32
        %swap3A_228 = arith.index_cast %swap3A : i32 to index
        %swap3A_229 = arith.index_cast %scan3A_217 : i32 to index
        %swap3A_230 = arith.constant 0 : index
        %swap3A_231 = tpu.vector_load %arg9[%swap3A_228, %swap3A_229, %swap3A_230] {strides = array<i32>} : memref<2x80x128xf32, #tpu.memory_space<vmem>>, vector<1x1x16xf32>,
        %swap3A_232 = vector.shape_cast %swap3A_231 : vector<1x1x16xf32> to vector<16xf32>
        %swap3A_233 = vector.shape_cast %mul3A_227 : vector<16xf32> to vector<1x1x16xf32>
        tpu.vector_store %arg9[%swap3A_228, %swap3A_229, %swap3A_230], %swap3A_233 {strides = array<i32>} : memref<2x80x128xf32, #tpu.memory_space<vmem>>, vector<1x1x16xf32>,
        %get3A_234 = arith.constant 0 : i32
        %get3A_235 = arith.index_cast %get3A_234 : i32 to index
        %get3A_236 = arith.index_cast %scan3A_217 : i32 to index
        %get3A_237 = arith.constant 16 : index
        %get3A_238 = tpu.vector_load %arg9[%get3A_235, %get3A_236, %get3A_237] {strides = array<i32>} : memref<2x80x128xf32, #tpu.memory_space<vmem>>, vector<1x1x16xf32>,
        %get3A_239 = vector.shape_cast %get3A_238 : vector<1x1x16xf32> to vector<16xf32>
        %get3A_240 = arith.index_cast %scan3A_217 : i32 to index
        %get3A_241 = arith.constant 16 : index
        %get3A_242 = tpu.vector_load %arg10[%get3A_240, %get3A_241] {strides = array<i32>} : memref<80x128xf32, #tpu.memory_space<vmem>>, vector<1x16xf32>,
        %get3A_243 = vector.shape_cast %get3A_242 : vector<1x16xf32> to vector<16xf32>
        %mul3A_244 = arith.mulf %get3A_239, %get3A_243 : vector<16xf32>
        %swap3A_245 = arith.constant 0 : i32
        %swap3A_246 = arith.index_cast %swap3A_245 : i32 to index
        %swap3A_247 = arith.index_cast %scan3A_217 : i32 to index
        %swap3A_248 = arith.constant 16 : index
        %swap3A_249 = tpu.vector_load %arg9[%swap3A_246, %swap3A_247, %swap3A_248] {strides = array<i32>} : memref<2x80x128xf32, #tpu.memory_space<vmem>>, vector<1x1x16xf32>,
        %swap3A_250 = vector.shape_cast %swap3A_249 : vector<1x1x16xf32> to vector<16xf32>
        %swap3A_251 = vector.shape_cast %mul3A_244 : vector<16xf32> to vector<1x1x16xf32>
        tpu.vector_store %arg9[%swap3A_246, %swap3A_247, %swap3A_248], %swap3A_251 {strides = array<i32>} : memref<2x80x128xf32, #tpu.memory_space<vmem>>, vector<1x1x16xf32>,
        %get3A_252 = arith.constant 0 : i32
        %get3A_253 = arith.index_cast %get3A_252 : i32 to index
        %get3A_254 = arith.index_cast %scan3A_217 : i32 to index
        %get3A_255 = arith.constant 32 : index
        %get3A_256 = tpu.vector_load %arg9[%get3A_253, %get3A_254, %get3A_255] {strides = array<i32>} : memref<2x80x128xf32, #tpu.memory_space<vmem>>, vector<1x1x16xf32>,
        %get3A_257 = vector.shape_cast %get3A_256 : vector<1x1x16xf32> to vector<16xf32>
        %get3A_258 = arith.index_cast %scan3A_217 : i32 to index
        %get3A_259 = arith.constant 32 : index
        %get3A_260 = tpu.vector_load %arg10[%get3A_258, %get3A_259] {strides = array<i32>} : memref<80x128xf32, #tpu.memory_space<vmem>>, vector<1x16xf32>,
        %get3A_261 = vector.shape_cast %get3A_260 : vector<1x16xf32> to vector<16xf32>
        %mul3A_262 = arith.mulf %get3A_257, %get3A_261 : vector<16xf32>
        %swap3A_263 = arith.constant 0 : i32
        %swap3A_264 = arith.index_cast %swap3A_263 : i32 to index
        %swap3A_265 = arith.index_cast %scan3A_217 : i32 to index
        %swap3A_266 = arith.constant 32 : index
        %swap3A_267 = tpu.vector_load %arg9[%swap3A_264, %swap3A_265, %swap3A_266] {strides = array<i32>} : memref<2x80x128xf32, #tpu.memory_space<vmem>>, vector<1x1x16xf32>,
        %swap3A_268 = vector.shape_cast %swap3A_267 : vector<1x1x16xf32> to vector<16xf32>
        %swap3A_269 = vector.shape_cast %mul3A_262 : vector<16xf32> to vector<1x1x16xf32>
        tpu.vector_store %arg9[%swap3A_264, %swap3A_265, %swap3A_266], %swap3A_269 {strides = array<i32>} : memref<2x80x128xf32, #tpu.memory_space<vmem>>, vector<1x1x16xf32>,
        %get3A_270 = arith.constant 0 : i32
        %get3A_271 = arith.index_cast %get3A_270 : i32 to index
        %get3A_272 = arith.index_cast %scan3A_217 : i32 to index
        %get3A_273 = arith.constant 48 : index
        %get3A_274 = tpu.vector_load %arg9[%get3A_271, %get3A_272, %get3A_273] {strides = array<i32>} : memref<2x80x128xf32, #tpu.memory_space<vmem>>, vector<1x1x16xf32>,
        %get3A_275 = vector.shape_cast %get3A_274 : vector<1x1x16xf32> to vector<16xf32>
        %get3A_276 = arith.index_cast %scan3A_217 : i32 to index
        %get3A_277 = arith.constant 48 : index
        %get3A_278 = tpu.vector_load %arg10[%get3A_276, %get3A_277] {strides = array<i32>} : memref<80x128xf32, #tpu.memory_space<vmem>>, vector<1x16xf32>,
        %get3A_279 = vector.shape_cast %get3A_278 : vector<1x16xf32> to vector<16xf32>
        %mul3A_280 = arith.mulf %get3A_275, %get3A_279 : vector<16xf32>
        %swap3A_281 = arith.constant 0 : i32
        %swap3A_282 = arith.index_cast %swap3A_281 : i32 to index
        %swap3A_283 = arith.index_cast %scan3A_217 : i32 to index
        %swap3A_284 = arith.constant 48 : index
        %swap3A_285 = tpu.vector_load %arg9[%swap3A_282, %swap3A_283, %swap3A_284] {strides = array<i32>} : memref<2x80x128xf32, #tpu.memory_space<vmem>>, vector<1x1x16xf32>,
        %swap3A_286 = vector.shape_cast %swap3A_285 : vector<1x1x16xf32> to vector<16xf32>
        %swap3A_287 = vector.shape_cast %mul3A_280 : vector<16xf32> to vector<1x1x16xf32>
        tpu.vector_store %arg9[%swap3A_282, %swap3A_283, %swap3A_284], %swap3A_287 {strides = array<i32>} : memref<2x80x128xf32, #tpu.memory_space<vmem>>, vector<1x1x16xf32>,
        %get3A_288 = arith.constant 0 : i32
        %get3A_289 = arith.index_cast %get3A_288 : i32 to index
        %get3A_290 = arith.index_cast %scan3A_217 : i32 to index
        %get3A_291 = arith.constant 64 : index
        %get3A_292 = tpu.vector_load %arg9[%get3A_289, %get3A_290, %get3A_291] {strides = array<i32>} : memref<2x80x128xf32, #tpu.memory_space<vmem>>, vector<1x1x16xf32>,
        %get3A_293 = vector.shape_cast %get3A_292 : vector<1x1x16xf32> to vector<16xf32>
        %get3A_294 = arith.index_cast %scan3A_217 : i32 to index
        %get3A_295 = arith.constant 64 : index
        %get3A_296 = tpu.vector_load %arg10[%get3A_294, %get3A_295] {strides = array<i32>} : memref<80x128xf32, #tpu.memory_space<vmem>>, vector<1x16xf32>,
        %get3A_297 = vector.shape_cast %get3A_296 : vector<1x16xf32> to vector<16xf32>
        %mul3A_298 = arith.mulf %get3A_293, %get3A_297 : vector<16xf32>
        %swap3A_299 = arith.constant 0 : i32
        %swap3A_300 = arith.index_cast %swap3A_299 : i32 to index
        %swap3A_301 = arith.index_cast %scan3A_217 : i32 to index
        %swap3A_302 = arith.constant 64 : index
        %swap3A_303 = tpu.vector_load %arg9[%swap3A_300, %swap3A_301, %swap3A_302] {strides = array<i32>} : memref<2x80x128xf32, #tpu.memory_space<vmem>>, vector<1x1x16xf32>,
        %swap3A_304 = vector.shape_cast %swap3A_303 : vector<1x1x16xf32> to vector<16xf32>
        %swap3A_305 = vector.shape_cast %mul3A_298 : vector<16xf32> to vector<1x1x16xf32>
        tpu.vector_store %arg9[%swap3A_300, %swap3A_301, %swap3A_302], %swap3A_305 {strides = array<i32>} : memref<2x80x128xf32, #tpu.memory_space<vmem>>, vector<1x1x16xf32>,
        %get3A_306 = arith.constant 0 : i32
        %get3A_307 = arith.index_cast %get3A_306 : i32 to index
        %get3A_308 = arith.index_cast %scan3A_217 : i32 to index
        %get3A_309 = arith.constant 80 : index
        %get3A_310 = tpu.vector_load %arg9[%get3A_307, %get3A_308, %get3A_309] {strides = array<i32>} : memref<2x80x128xf32, #tpu.memory_space<vmem>>, vector<1x1x16xf32>,
        %get3A_311 = vector.shape_cast %get3A_310 : vector<1x1x16xf32> to vector<16xf32>
        %get3A_312 = arith.index_cast %scan3A_217 : i32 to index
        %get3A_313 = arith.constant 80 : index
        %get3A_314 = tpu.vector_load %arg10[%get3A_312, %get3A_313] {strides = array<i32>} : memref<80x128xf32, #tpu.memory_space<vmem>>, vector<1x16xf32>,
        %get3A_315 = vector.shape_cast %get3A_314 : vector<1x16xf32> to vector<16xf32>
        %mul3A_316 = arith.mulf %get3A_311, %get3A_315 : vector<16xf32>
        %swap3A_317 = arith.constant 0 : i32
        %swap3A_318 = arith.index_cast %swap3A_317 : i32 to index
        %swap3A_319 = arith.index_cast %scan3A_217 : i32 to index
        %swap3A_320 = arith.constant 80 : index
        %swap3A_321 = tpu.vector_load %arg9[%swap3A_318, %swap3A_319, %swap3A_320] {strides = array<i32>} : memref<2x80x128xf32, #tpu.memory_space<vmem>>, vector<1x1x16xf32>,
        %swap3A_322 = vector.shape_cast %swap3A_321 : vector<1x1x16xf32> to vector<16xf32>
        %swap3A_323 = vector.shape_cast %mul3A_316 : vector<16xf32> to vector<1x1x16xf32>
        tpu.vector_store %arg9[%swap3A_318, %swap3A_319, %swap3A_320], %swap3A_323 {strides = array<i32>} : memref<2x80x128xf32, #tpu.memory_space<vmem>>, vector<1x1x16xf32>,
        %get3A_324 = arith.constant 0 : i32
        %get3A_325 = arith.index_cast %get3A_324 : i32 to index
        %get3A_326 = arith.index_cast %scan3A_217 : i32 to index
        %get3A_327 = arith.constant 96 : index
        %get3A_328 = tpu.vector_load %arg9[%get3A_325, %get3A_326, %get3A_327] {strides = array<i32>} : memref<2x80x128xf32, #tpu.memory_space<vmem>>, vector<1x1x16xf32>,
        %get3A_329 = vector.shape_cast %get3A_328 : vector<1x1x16xf32> to vector<16xf32>
        %get3A_330 = arith.index_cast %scan3A_217 : i32 to index
        %get3A_331 = arith.constant 96 : index
        %get3A_332 = tpu.vector_load %arg10[%get3A_330, %get3A_331] {strides = array<i32>} : memref<80x128xf32, #tpu.memory_space<vmem>>, vector<1x16xf32>,
        %get3A_333 = vector.shape_cast %get3A_332 : vector<1x16xf32> to vector<16xf32>
        %mul3A_334 = arith.mulf %get3A_329, %get3A_333 : vector<16xf32>
        %swap3A_335 = arith.constant 0 : i32
        %swap3A_336 = arith.index_cast %swap3A_335 : i32 to index
        %swap3A_337 = arith.index_cast %scan3A_217 : i32 to index
        %swap3A_338 = arith.constant 96 : index
        %swap3A_339 = tpu.vector_load %arg9[%swap3A_336, %swap3A_337, %swap3A_338] {strides = array<i32>} : memref<2x80x128xf32, #tpu.memory_space<vmem>>, vector<1x1x16xf32>,
        %swap3A_340 = vector.shape_cast %swap3A_339 : vector<1x1x16xf32> to vector<16xf32>
        %swap3A_341 = vector.shape_cast %mul3A_334 : vector<16xf32> to vector<1x1x16xf32>
        tpu.vector_store %arg9[%swap3A_336, %swap3A_337, %swap3A_338], %swap3A_341 {strides = array<i32>} : memref<2x80x128xf32, #tpu.memory_space<vmem>>, vector<1x1x16xf32>,
        %get3A_342 = arith.constant 0 : i32
        %get3A_343 = arith.index_cast %get3A_342 : i32 to index
        %get3A_344 = arith.index_cast %scan3A_217 : i32 to index
        %get3A_345 = arith.constant 112 : index
        %get3A_346 = tpu.vector_load %arg9[%get3A_343, %get3A_344, %get3A_345] {strides = array<i32>} : memref<2x80x128xf32, #tpu.memory_space<vmem>>, vector<1x1x16xf32>,
        %get3A_347 = vector.shape_cast %get3A_346 : vector<1x1x16xf32> to vector<16xf32>
        %get3A_348 = arith.index_cast %scan3A_217 : i32 to index
        %get3A_349 = arith.constant 112 : index
        %get3A_350 = tpu.vector_load %arg10[%get3A_348, %get3A_349] {strides = array<i32>} : memref<80x128xf32, #tpu.memory_space<vmem>>, vector<1x16xf32>,
        %get3A_351 = vector.shape_cast %get3A_350 : vector<1x16xf32> to vector<16xf32>
        %mul3A_352 = arith.mulf %get3A_347, %get3A_351 : vector<16xf32>
        %swap3A_353 = arith.constant 0 : i32
        %swap3A_354 = arith.index_cast %swap3A_353 : i32 to index
        %swap3A_355 = arith.index_cast %scan3A_217 : i32 to index
        %swap3A_356 = arith.constant 112 : index
        %swap3A_357 = tpu.vector_load %arg9[%swap3A_354, %swap3A_355, %swap3A_356] {strides = array<i32>} : memref<2x80x128xf32, #tpu.memory_space<vmem>>, vector<1x1x16xf32>,
        %swap3A_358 = vector.shape_cast %swap3A_357 : vector<1x1x16xf32> to vector<16xf32>
        %swap3A_359 = vector.shape_cast %mul3A_352 : vector<16xf32> to vector<1x1x16xf32>
        tpu.vector_store %arg9[%swap3A_354, %swap3A_355, %swap3A_356], %swap3A_359 {strides = array<i32>} : memref<2x80x128xf32, #tpu.memory_space<vmem>>, vector<1x1x16xf32>,
      }
      %scan3A_146 = arith.constant 80 : i32
      %dma_start3A_147 = arith.constant 0 : i32
      %dma_start3A_148 = arith.constant 0 : i32
      %dma_start3A_149 = arith.constant 0 : i32
      %dma_start3A_150 = arith.constant 0 : i32
      %dma_start3A_151 = tpu.memref_slice %arg9[%dma_start3A_147, %dma_start3A_149, %dma_start3A_150] : memref<2x80x128xf32, #tpu.memory_space<vmem>> -> memref<1x80x128xf32, #tpu.memory_space<vmem>>
      %dma_start3A_152 = tpu.memref_squeeze %dma_start3A_151 : memref<1x80x128xf32, #tpu.memory_space<vmem>> -> memref<80x128xf32, #tpu.memory_space<vmem>>
      %dma_start3A_153 = arith.constant 0 : i32
      %dma_start3A_154 = tpu.memref_slice %arg8[%dma_start3A_148, %dma_start3A_153] : memref<2x80xi32, #tpu.memory_space<vmem>> -> memref<1x80xi32, #tpu.memory_space<vmem>>
      %dma_start3A_155 = tpu.memref_squeeze %dma_start3A_154 : memref<1x80xi32, #tpu.memory_space<vmem>> -> memref<80xi32, #tpu.memory_space<vmem>>
      %dma_start3A_156 = arith.constant 0 : i32
      %dma_start3A_157 = arith.constant 0 : i32
      %dma_start3A_158 = tpu.memref_slice %arg11[%dma_start3A_156, %dma_start3A_157] : memref<10000x128xf32, #tpu.memory_space<vmem_shared>> -> memref<10000x128xf32, #tpu.memory_space<vmem_shared>>
      tpu.enqueue_indirect_dma source(%dma_start3A_152 : memref<80x128xf32, #tpu.memory_space<vmem>>) target(%dma_start3A_158 : memref<10000x128xf32, #tpu.memory_space<vmem_shared>>) offsets(%dma_start3A_155 : memref<80xi32, #tpu.memory_space<vmem>>) semaphore(%arg13 : memref<!tpu.dma_semaphore, #tpu.memory_space<semaphore_mem>>) {add = true}
      %mul3A_159 = arith.constant 2 : i32
      %mul3A_160 = arith.muli %mul3A_159, %scan3A_103 : i32
      %add3A_161 = arith.constant 1 : i32
      %add3A_162 = arith.addi %mul3A_160, %add3A_161 : i32
      %mul3A_163 = arith.constant 10000 : i32
      %mul3A_164 = arith.muli %add3A, %mul3A_163 : i32
      %mul3A_165 = arith.constant 80 : i32
      %mul3A_166 = arith.muli %add3A_162, %mul3A_165 : i32
      %add3A_167 = arith.addi %mul3A_164, %mul3A_166 : i32
      %ge3A_168 = arith.constant 2 : i32
      %ge3A_169 = arith.cmpi sge, %add3A_162, %ge3A_168 : i32
      %convert_element_type3A_170 = arith.extui %ge3A_169 : i1 to i32
      %cond3A_171 = arith.constant 0 : i32
      %cond3A_172 = arith.cmpi ne, %convert_element_type3A_170, %cond3A_171 : i32
      scf.if %cond3A_172 {
        %dma_wait3A_217 = arith.constant 1 : i32
        %dma_wait3A_218 = arith.constant 1 : i32
        %dma_wait3A_219 = arith.constant 0 : i32
        %dma_wait3A_220 = arith.constant 0 : i32
        %dma_wait3A_221 = tpu.memref_slice %arg9[%dma_wait3A_217, %dma_wait3A_219, %dma_wait3A_220] : memref<2x80x128xf32, #tpu.memory_space<vmem>> -> memref<1x80x128xf32, #tpu.memory_space<vmem>>
        %dma_wait3A_222 = tpu.memref_squeeze %dma_wait3A_221 : memref<1x80x128xf32, #tpu.memory_space<vmem>> -> memref<80x128xf32, #tpu.memory_space<vmem>>
        %dma_wait3A_223 = arith.constant 0 : i32
        %dma_wait3A_224 = tpu.memref_slice %arg8[%dma_wait3A_218, %dma_wait3A_223] : memref<2x80xi32, #tpu.memory_space<vmem>> -> memref<1x80xi32, #tpu.memory_space<vmem>>
        %dma_wait3A_225 = tpu.memref_squeeze %dma_wait3A_224 : memref<1x80xi32, #tpu.memory_space<vmem>> -> memref<80xi32, #tpu.memory_space<vmem>>
        %dma_wait3A_226 = arith.constant 0 : i32
        %dma_wait3A_227 = arith.constant 0 : i32
        %dma_wait3A_228 = tpu.memref_slice %arg11[%dma_wait3A_226, %dma_wait3A_227] : memref<10000x128xf32, #tpu.memory_space<vmem_shared>> -> memref<10000x128xf32, #tpu.memory_space<vmem_shared>>
        tpu.wait_indirect_dma semaphore(%arg14 : memref<!tpu.dma_semaphore, #tpu.memory_space<semaphore_mem>>) src(%dma_wait3A_222 : memref<80x128xf32, #tpu.memory_space<vmem>>) dst(%dma_wait3A_228 : memref<10000x128xf32, #tpu.memory_space<vmem_shared>>)
      } else {
      }
      %run_scoped3A_173 = arith.constant 1 : i32
      "tpu.region"() ({
        %run_scoped3A_217 = tpu.sem_alloc : memref<!tpu.dma_semaphore, #tpu.memory_space<semaphore_mem>>
        %dma_start3A_218 = arith.constant 0 : i32
        %dma_start3A_219 = tpu.memref_slice %arg7[%run_scoped3A_173, %dma_start3A_218] : memref<2x80xi32, #tpu.memory_space<vmem>> -> memref<1x80xi32, #tpu.memory_space<vmem>>
        %dma_start3A_220 = tpu.memref_squeeze %dma_start3A_219 : memref<1x80xi32, #tpu.memory_space<vmem>> -> memref<80xi32, #tpu.memory_space<vmem>>
        %dma_start3A_221 = tpu.memref_slice %arg4[%add3A_167] : memref<320000xi32, #tpu.memory_space<hbm>> -> memref<80xi32, #tpu.memory_space<hbm>>
        %dma_start3A_222 = arith.constant 0 : i32
        %dma_start3A_223 = tpu.memref_slice %arg7[%run_scoped3A_173, %dma_start3A_222] : memref<2x80xi32, #tpu.memory_space<vmem>> -> memref<1x80xi32, #tpu.memory_space<vmem>>
        %dma_start3A_224 = tpu.memref_squeeze %dma_start3A_223 : memref<1x80xi32, #tpu.memory_space<vmem>> -> memref<80xi32, #tpu.memory_space<vmem>>
        %dma_start3A_225 = tpu.memref_slice %arg4[%add3A_167] : memref<320000xi32, #tpu.memory_space<hbm>> -> memref<80xi32, #tpu.memory_space<hbm>>
        tpu.enqueue_dma source(%dma_start3A_225 : memref<80xi32, #tpu.memory_space<hbm>>) target(%dma_start3A_224 : memref<80xi32, #tpu.memory_space<vmem>>) target_semaphore(%run_scoped3A_217 : memref<!tpu.dma_semaphore, #tpu.memory_space<semaphore_mem>>)
        %dma_wait3A_226 = arith.constant 0 : i32
        %dma_wait3A_227 = tpu.memref_slice %arg7[%run_scoped3A_173, %dma_wait3A_226] : memref<2x80xi32, #tpu.memory_space<vmem>> -> memref<1x80xi32, #tpu.memory_space<vmem>>
        %dma_wait3A_228 = tpu.memref_squeeze %dma_wait3A_227 : memref<1x80xi32, #tpu.memory_space<vmem>> -> memref<80xi32, #tpu.memory_space<vmem>>
        %dma_wait3A_229 = tpu.memref_slice %arg4[%add3A_167] : memref<320000xi32, #tpu.memory_space<hbm>> -> memref<80xi32, #tpu.memory_space<hbm>>
        %dma_wait3A_230 = arith.constant 0 : i32
        %dma_wait3A_231 = tpu.memref_slice %arg7[%run_scoped3A_173, %dma_wait3A_230] : memref<2x80xi32, #tpu.memory_space<vmem>> -> memref<1x80xi32, #tpu.memory_space<vmem>>
        %dma_wait3A_232 = tpu.memref_squeeze %dma_wait3A_231 : memref<1x80xi32, #tpu.memory_space<vmem>> -> memref<80xi32, #tpu.memory_space<vmem>>
        %dma_wait3A_233 = tpu.memref_slice %arg4[%add3A_167] : memref<320000xi32, #tpu.memory_space<hbm>> -> memref<80xi32, #tpu.memory_space<hbm>>
        tpu.wait_dma2 semaphore(%run_scoped3A_217 : memref<!tpu.dma_semaphore, #tpu.memory_space<semaphore_mem>>) src(%dma_wait3A_233 : memref<80xi32, #tpu.memory_space<hbm>>) dst(%dma_wait3A_232 : memref<80xi32, #tpu.memory_space<vmem>>)
        tpu.yield
      }) : () -> ()
      %run_scoped3A_174 = arith.constant 1 : i32
      "tpu.region"() ({
        %run_scoped3A_217 = tpu.sem_alloc : memref<!tpu.dma_semaphore, #tpu.memory_space<semaphore_mem>>
        %dma_start3A_218 = arith.constant 0 : i32
        %dma_start3A_219 = tpu.memref_slice %arg8[%run_scoped3A_174, %dma_start3A_218] : memref<2x80xi32, #tpu.memory_space<vmem>> -> memref<1x80xi32, #tpu.memory_space<vmem>>
        %dma_start3A_220 = tpu.memref_squeeze %dma_start3A_219 : memref<1x80xi32, #tpu.memory_space<vmem>> -> memref<80xi32, #tpu.memory_space<vmem>>
        %dma_start3A_221 = tpu.memref_slice %arg5[%add3A_167] : memref<320000xi32, #tpu.memory_space<hbm>> -> memref<80xi32, #tpu.memory_space<hbm>>
        %dma_start3A_222 = arith.constant 0 : i32
        %dma_start3A_223 = tpu.memref_slice %arg8[%run_scoped3A_174, %dma_start3A_222] : memref<2x80xi32, #tpu.memory_space<vmem>> -> memref<1x80xi32, #tpu.memory_space<vmem>>
        %dma_start3A_224 = tpu.memref_squeeze %dma_start3A_223 : memref<1x80xi32, #tpu.memory_space<vmem>> -> memref<80xi32, #tpu.memory_space<vmem>>
        %dma_start3A_225 = tpu.memref_slice %arg5[%add3A_167] : memref<320000xi32, #tpu.memory_space<hbm>> -> memref<80xi32, #tpu.memory_space<hbm>>
        tpu.enqueue_dma source(%dma_start3A_225 : memref<80xi32, #tpu.memory_space<hbm>>) target(%dma_start3A_224 : memref<80xi32, #tpu.memory_space<vmem>>) target_semaphore(%run_scoped3A_217 : memref<!tpu.dma_semaphore, #tpu.memory_space<semaphore_mem>>)
        %dma_wait3A_226 = arith.constant 0 : i32
        %dma_wait3A_227 = tpu.memref_slice %arg8[%run_scoped3A_174, %dma_wait3A_226] : memref<2x80xi32, #tpu.memory_space<vmem>> -> memref<1x80xi32, #tpu.memory_space<vmem>>
        %dma_wait3A_228 = tpu.memref_squeeze %dma_wait3A_227 : memref<1x80xi32, #tpu.memory_space<vmem>> -> memref<80xi32, #tpu.memory_space<vmem>>
        %dma_wait3A_229 = tpu.memref_slice %arg5[%add3A_167] : memref<320000xi32, #tpu.memory_space<hbm>> -> memref<80xi32, #tpu.memory_space<hbm>>
        %dma_wait3A_230 = arith.constant 0 : i32
        %dma_wait3A_231 = tpu.memref_slice %arg8[%run_scoped3A_174, %dma_wait3A_230] : memref<2x80xi32, #tpu.memory_space<vmem>> -> memref<1x80xi32, #tpu.memory_space<vmem>>
        %dma_wait3A_232 = tpu.memref_squeeze %dma_wait3A_231 : memref<1x80xi32, #tpu.memory_space<vmem>> -> memref<80xi32, #tpu.memory_space<vmem>>
        %dma_wait3A_233 = tpu.memref_slice %arg5[%add3A_167] : memref<320000xi32, #tpu.memory_space<hbm>> -> memref<80xi32, #tpu.memory_space<hbm>>
        tpu.wait_dma2 semaphore(%run_scoped3A_217 : memref<!tpu.dma_semaphore, #tpu.memory_space<semaphore_mem>>) src(%dma_wait3A_233 : memref<80xi32, #tpu.memory_space<hbm>>) dst(%dma_wait3A_232 : memref<80xi32, #tpu.memory_space<vmem>>)
        tpu.yield
      }) : () -> ()
      %dma_start3A_175 = arith.constant 1 : i32
      %dma_start3A_176 = arith.constant 1 : i32
      %dma_start3A_177 = arith.constant 0 : i32
      %dma_start3A_178 = arith.constant 0 : i32
      %dma_start3A_179 = tpu.memref_slice %arg9[%dma_start3A_176, %dma_start3A_177, %dma_start3A_178] : memref<2x80x128xf32, #tpu.memory_space<vmem>> -> memref<1x80x128xf32, #tpu.memory_space<vmem>>
      %dma_start3A_180 = tpu.memref_squeeze %dma_start3A_179 : memref<1x80x128xf32, #tpu.memory_space<vmem>> -> memref<80x128xf32, #tpu.memory_space<vmem>>
      %dma_start3A_181 = arith.constant 0 : i32
      %dma_start3A_182 = tpu.memref_slice %arg7[%dma_start3A_175, %dma_start3A_181] : memref<2x80xi32, #tpu.memory_space<vmem>> -> memref<1x80xi32, #tpu.memory_space<vmem>>
      %dma_start3A_183 = tpu.memref_squeeze %dma_start3A_182 : memref<1x80xi32, #tpu.memory_space<vmem>> -> memref<80xi32, #tpu.memory_space<vmem>>
      %dma_start3A_184 = arith.constant 0 : i32
      %dma_start3A_185 = arith.constant 0 : i32
      %dma_start3A_186 = tpu.memref_slice %arg2[%dma_start3A_184, %dma_start3A_185] : memref<10000x128xf32, #tpu.memory_space<hbm>> -> memref<10000x128xf32, #tpu.memory_space<hbm>>
      tpu.enqueue_indirect_dma source(%dma_start3A_186 : memref<10000x128xf32, #tpu.memory_space<hbm>>) target(%dma_start3A_180 : memref<80x128xf32, #tpu.memory_space<vmem>>) offsets(%dma_start3A_183 : memref<80xi32, #tpu.memory_space<vmem>>) semaphore(%arg12 : memref<!tpu.dma_semaphore, #tpu.memory_space<semaphore_mem>>)
      "tpu.region"() ({
        %run_scoped3A_217 = tpu.sem_alloc : memref<!tpu.dma_semaphore, #tpu.memory_space<semaphore_mem>>
        %dma_start3A_218 = arith.constant 0 : i32
        %dma_start3A_219 = tpu.memref_slice %arg3[%add3A_167, %dma_start3A_218] : memref<320000x128xf32, #tpu.memory_space<hbm>> -> memref<80x128xf32, #tpu.memory_space<hbm>>
        %dma_start3A_220 = arith.constant 0 : i32
        %dma_start3A_221 = tpu.memref_slice %arg3[%add3A_167, %dma_start3A_220] : memref<320000x128xf32, #tpu.memory_space<hbm>> -> memref<80x128xf32, #tpu.memory_space<hbm>>
        tpu.enqueue_dma source(%dma_start3A_221 : memref<80x128xf32, #tpu.memory_space<hbm>>) target(%arg10 : memref<80x128xf32, #tpu.memory_space<vmem>>) target_semaphore(%run_scoped3A_217 : memref<!tpu.dma_semaphore, #tpu.memory_space<semaphore_mem>>)
        %dma_wait3A_222 = arith.constant 0 : i32
        %dma_wait3A_223 = tpu.memref_slice %arg3[%add3A_167, %dma_wait3A_222] : memref<320000x128xf32, #tpu.memory_space<hbm>> -> memref<80x128xf32, #tpu.memory_space<hbm>>
        %dma_wait3A_224 = arith.constant 0 : i32
        %dma_wait3A_225 = tpu.memref_slice %arg3[%add3A_167, %dma_wait3A_224] : memref<320000x128xf32, #tpu.memory_space<hbm>> -> memref<80x128xf32, #tpu.memory_space<hbm>>
        tpu.wait_dma2 semaphore(%run_scoped3A_217 : memref<!tpu.dma_semaphore, #tpu.memory_space<semaphore_mem>>) src(%dma_wait3A_225 : memref<80x128xf32, #tpu.memory_space<hbm>>) dst(%arg10 : memref<80x128xf32, #tpu.memory_space<vmem>>)
        tpu.yield
      }) : () -> ()
      %dma_wait3A_187 = arith.constant 1 : i32
      %dma_wait3A_188 = arith.constant 1 : i32
      %dma_wait3A_189 = arith.constant 0 : i32
      %dma_wait3A_190 = arith.constant 0 : i32
      %dma_wait3A_191 = tpu.memref_slice %arg9[%dma_wait3A_188, %dma_wait3A_189, %dma_wait3A_190] : memref<2x80x128xf32, #tpu.memory_space<vmem>> -> memref<1x80x128xf32, #tpu.memory_space<vmem>>
      %dma_wait3A_192 = tpu.memref_squeeze %dma_wait3A_191 : memref<1x80x128xf32, #tpu.memory_space<vmem>> -> memref<80x128xf32, #tpu.memory_space<vmem>>
      %dma_wait3A_193 = arith.constant 0 : i32
      %dma_wait3A_194 = tpu.memref_slice %arg7[%dma_wait3A_187, %dma_wait3A_193] : memref<2x80xi32, #tpu.memory_space<vmem>> -> memref<1x80xi32, #tpu.memory_space<vmem>>
      %dma_wait3A_195 = tpu.memref_squeeze %dma_wait3A_194 : memref<1x80xi32, #tpu.memory_space<vmem>> -> memref<80xi32, #tpu.memory_space<vmem>>
      %dma_wait3A_196 = arith.constant 0 : i32
      %dma_wait3A_197 = arith.constant 0 : i32
      %dma_wait3A_198 = tpu.memref_slice %arg2[%dma_wait3A_196, %dma_wait3A_197] : memref<10000x128xf32, #tpu.memory_space<hbm>> -> memref<10000x128xf32, #tpu.memory_space<hbm>>
      tpu.wait_indirect_dma semaphore(%arg12 : memref<!tpu.dma_semaphore, #tpu.memory_space<semaphore_mem>>) src(%dma_wait3A_198 : memref<10000x128xf32, #tpu.memory_space<hbm>>) dst(%dma_wait3A_192 : memref<80x128xf32, #tpu.memory_space<vmem>>)
      %scan3A_199 = arith.constant 0 : i32
      %scan3A_200 = arith.constant 0 : i32
      %scan3A_201 = arith.constant 80 : i32
      %scan3A_202 = arith.addi %scan3A_200, %scan3A_201 : i32
      %scan3A_203 = arith.constant 1 : i32
      scf.for %scan3A_217 = %scan3A_200 to %scan3A_202 step %scan3A_203  : i32 {
        %get3A = arith.constant 1 : i32
        %get3A_218 = arith.index_cast %get3A : i32 to index
        %get3A_219 = arith.index_cast %scan3A_217 : i32 to index
        %get3A_220 = arith.constant 0 : index
        %get3A_221 = tpu.vector_load %arg9[%get3A_218, %get3A_219, %get3A_220] {strides = array<i32>} : memref<2x80x128xf32, #tpu.memory_space<vmem>>, vector<1x1x16xf32>,
        %get3A_222 = vector.shape_cast %get3A_221 : vector<1x1x16xf32> to vector<16xf32>
        %get3A_223 = arith.index_cast %scan3A_217 : i32 to index
        %get3A_224 = arith.constant 0 : index
        %get3A_225 = tpu.vector_load %arg10[%get3A_223, %get3A_224] {strides = array<i32>} : memref<80x128xf32, #tpu.memory_space<vmem>>, vector<1x16xf32>,
        %get3A_226 = vector.shape_cast %get3A_225 : vector<1x16xf32> to vector<16xf32>
        %mul3A_227 = arith.mulf %get3A_222, %get3A_226 : vector<16xf32>
        %swap3A = arith.constant 1 : i32
        %swap3A_228 = arith.index_cast %swap3A : i32 to index
        %swap3A_229 = arith.index_cast %scan3A_217 : i32 to index
        %swap3A_230 = arith.constant 0 : index
        %swap3A_231 = tpu.vector_load %arg9[%swap3A_228, %swap3A_229, %swap3A_230] {strides = array<i32>} : memref<2x80x128xf32, #tpu.memory_space<vmem>>, vector<1x1x16xf32>,
        %swap3A_232 = vector.shape_cast %swap3A_231 : vector<1x1x16xf32> to vector<16xf32>
        %swap3A_233 = vector.shape_cast %mul3A_227 : vector<16xf32> to vector<1x1x16xf32>
        tpu.vector_store %arg9[%swap3A_228, %swap3A_229, %swap3A_230], %swap3A_233 {strides = array<i32>} : memref<2x80x128xf32, #tpu.memory_space<vmem>>, vector<1x1x16xf32>,
        %get3A_234 = arith.constant 1 : i32
        %get3A_235 = arith.index_cast %get3A_234 : i32 to index
        %get3A_236 = arith.index_cast %scan3A_217 : i32 to index
        %get3A_237 = arith.constant 16 : index
        %get3A_238 = tpu.vector_load %arg9[%get3A_235, %get3A_236, %get3A_237] {strides = array<i32>} : memref<2x80x128xf32, #tpu.memory_space<vmem>>, vector<1x1x16xf32>,
        %get3A_239 = vector.shape_cast %get3A_238 : vector<1x1x16xf32> to vector<16xf32>
        %get3A_240 = arith.index_cast %scan3A_217 : i32 to index
        %get3A_241 = arith.constant 16 : index
        %get3A_242 = tpu.vector_load %arg10[%get3A_240, %get3A_241] {strides = array<i32>} : memref<80x128xf32, #tpu.memory_space<vmem>>, vector<1x16xf32>,
        %get3A_243 = vector.shape_cast %get3A_242 : vector<1x16xf32> to vector<16xf32>
        %mul3A_244 = arith.mulf %get3A_239, %get3A_243 : vector<16xf32>
        %swap3A_245 = arith.constant 1 : i32
        %swap3A_246 = arith.index_cast %swap3A_245 : i32 to index
        %swap3A_247 = arith.index_cast %scan3A_217 : i32 to index
        %swap3A_248 = arith.constant 16 : index
        %swap3A_249 = tpu.vector_load %arg9[%swap3A_246, %swap3A_247, %swap3A_248] {strides = array<i32>} : memref<2x80x128xf32, #tpu.memory_space<vmem>>, vector<1x1x16xf32>,
        %swap3A_250 = vector.shape_cast %swap3A_249 : vector<1x1x16xf32> to vector<16xf32>
        %swap3A_251 = vector.shape_cast %mul3A_244 : vector<16xf32> to vector<1x1x16xf32>
        tpu.vector_store %arg9[%swap3A_246, %swap3A_247, %swap3A_248], %swap3A_251 {strides = array<i32>} : memref<2x80x128xf32, #tpu.memory_space<vmem>>, vector<1x1x16xf32>,
        %get3A_252 = arith.constant 1 : i32
        %get3A_253 = arith.index_cast %get3A_252 : i32 to index
        %get3A_254 = arith.index_cast %scan3A_217 : i32 to index
        %get3A_255 = arith.constant 32 : index
        %get3A_256 = tpu.vector_load %arg9[%get3A_253, %get3A_254, %get3A_255] {strides = array<i32>} : memref<2x80x128xf32, #tpu.memory_space<vmem>>, vector<1x1x16xf32>,
        %get3A_257 = vector.shape_cast %get3A_256 : vector<1x1x16xf32> to vector<16xf32>
        %get3A_258 = arith.index_cast %scan3A_217 : i32 to index
        %get3A_259 = arith.constant 32 : index
        %get3A_260 = tpu.vector_load %arg10[%get3A_258, %get3A_259] {strides = array<i32>} : memref<80x128xf32, #tpu.memory_space<vmem>>, vector<1x16xf32>,
        %get3A_261 = vector.shape_cast %get3A_260 : vector<1x16xf32> to vector<16xf32>
        %mul3A_262 = arith.mulf %get3A_257, %get3A_261 : vector<16xf32>
        %swap3A_263 = arith.constant 1 : i32
        %swap3A_264 = arith.index_cast %swap3A_263 : i32 to index
        %swap3A_265 = arith.index_cast %scan3A_217 : i32 to index
        %swap3A_266 = arith.constant 32 : index
        %swap3A_267 = tpu.vector_load %arg9[%swap3A_264, %swap3A_265, %swap3A_266] {strides = array<i32>} : memref<2x80x128xf32, #tpu.memory_space<vmem>>, vector<1x1x16xf32>,
        %swap3A_268 = vector.shape_cast %swap3A_267 : vector<1x1x16xf32> to vector<16xf32>
        %swap3A_269 = vector.shape_cast %mul3A_262 : vector<16xf32> to vector<1x1x16xf32>
        tpu.vector_store %arg9[%swap3A_264, %swap3A_265, %swap3A_266], %swap3A_269 {strides = array<i32>} : memref<2x80x128xf32, #tpu.memory_space<vmem>>, vector<1x1x16xf32>,
        %get3A_270 = arith.constant 1 : i32
        %get3A_271 = arith.index_cast %get3A_270 : i32 to index
        %get3A_272 = arith.index_cast %scan3A_217 : i32 to index
        %get3A_273 = arith.constant 48 : index
        %get3A_274 = tpu.vector_load %arg9[%get3A_271, %get3A_272, %get3A_273] {strides = array<i32>} : memref<2x80x128xf32, #tpu.memory_space<vmem>>, vector<1x1x16xf32>,
        %get3A_275 = vector.shape_cast %get3A_274 : vector<1x1x16xf32> to vector<16xf32>
        %get3A_276 = arith.index_cast %scan3A_217 : i32 to index
        %get3A_277 = arith.constant 48 : index
        %get3A_278 = tpu.vector_load %arg10[%get3A_276, %get3A_277] {strides = array<i32>} : memref<80x128xf32, #tpu.memory_space<vmem>>, vector<1x16xf32>,
        %get3A_279 = vector.shape_cast %get3A_278 : vector<1x16xf32> to vector<16xf32>
        %mul3A_280 = arith.mulf %get3A_275, %get3A_279 : vector<16xf32>
        %swap3A_281 = arith.constant 1 : i32
        %swap3A_282 = arith.index_cast %swap3A_281 : i32 to index
        %swap3A_283 = arith.index_cast %scan3A_217 : i32 to index
        %swap3A_284 = arith.constant 48 : index
        %swap3A_285 = tpu.vector_load %arg9[%swap3A_282, %swap3A_283, %swap3A_284] {strides = array<i32>} : memref<2x80x128xf32, #tpu.memory_space<vmem>>, vector<1x1x16xf32>,
        %swap3A_286 = vector.shape_cast %swap3A_285 : vector<1x1x16xf32> to vector<16xf32>
        %swap3A_287 = vector.shape_cast %mul3A_280 : vector<16xf32> to vector<1x1x16xf32>
        tpu.vector_store %arg9[%swap3A_282, %swap3A_283, %swap3A_284], %swap3A_287 {strides = array<i32>} : memref<2x80x128xf32, #tpu.memory_space<vmem>>, vector<1x1x16xf32>,
        %get3A_288 = arith.constant 1 : i32
        %get3A_289 = arith.index_cast %get3A_288 : i32 to index
        %get3A_290 = arith.index_cast %scan3A_217 : i32 to index
        %get3A_291 = arith.constant 64 : index
        %get3A_292 = tpu.vector_load %arg9[%get3A_289, %get3A_290, %get3A_291] {strides = array<i32>} : memref<2x80x128xf32, #tpu.memory_space<vmem>>, vector<1x1x16xf32>,
        %get3A_293 = vector.shape_cast %get3A_292 : vector<1x1x16xf32> to vector<16xf32>
        %get3A_294 = arith.index_cast %scan3A_217 : i32 to index
        %get3A_295 = arith.constant 64 : index
        %get3A_296 = tpu.vector_load %arg10[%get3A_294, %get3A_295] {strides = array<i32>} : memref<80x128xf32, #tpu.memory_space<vmem>>, vector<1x16xf32>,
        %get3A_297 = vector.shape_cast %get3A_296 : vector<1x16xf32> to vector<16xf32>
        %mul3A_298 = arith.mulf %get3A_293, %get3A_297 : vector<16xf32>
        %swap3A_299 = arith.constant 1 : i32
        %swap3A_300 = arith.index_cast %swap3A_299 : i32 to index
        %swap3A_301 = arith.index_cast %scan3A_217 : i32 to index
        %swap3A_302 = arith.constant 64 : index
        %swap3A_303 = tpu.vector_load %arg9[%swap3A_300, %swap3A_301, %swap3A_302] {strides = array<i32>} : memref<2x80x128xf32, #tpu.memory_space<vmem>>, vector<1x1x16xf32>,
        %swap3A_304 = vector.shape_cast %swap3A_303 : vector<1x1x16xf32> to vector<16xf32>
        %swap3A_305 = vector.shape_cast %mul3A_298 : vector<16xf32> to vector<1x1x16xf32>
        tpu.vector_store %arg9[%swap3A_300, %swap3A_301, %swap3A_302], %swap3A_305 {strides = array<i32>} : memref<2x80x128xf32, #tpu.memory_space<vmem>>, vector<1x1x16xf32>,
        %get3A_306 = arith.constant 1 : i32
        %get3A_307 = arith.index_cast %get3A_306 : i32 to index
        %get3A_308 = arith.index_cast %scan3A_217 : i32 to index
        %get3A_309 = arith.constant 80 : index
        %get3A_310 = tpu.vector_load %arg9[%get3A_307, %get3A_308, %get3A_309] {strides = array<i32>} : memref<2x80x128xf32, #tpu.memory_space<vmem>>, vector<1x1x16xf32>,
        %get3A_311 = vector.shape_cast %get3A_310 : vector<1x1x16xf32> to vector<16xf32>
        %get3A_312 = arith.index_cast %scan3A_217 : i32 to index
        %get3A_313 = arith.constant 80 : index
        %get3A_314 = tpu.vector_load %arg10[%get3A_312, %get3A_313] {strides = array<i32>} : memref<80x128xf32, #tpu.memory_space<vmem>>, vector<1x16xf32>,
        %get3A_315 = vector.shape_cast %get3A_314 : vector<1x16xf32> to vector<16xf32>
        %mul3A_316 = arith.mulf %get3A_311, %get3A_315 : vector<16xf32>
        %swap3A_317 = arith.constant 1 : i32
        %swap3A_318 = arith.index_cast %swap3A_317 : i32 to index
        %swap3A_319 = arith.index_cast %scan3A_217 : i32 to index
        %swap3A_320 = arith.constant 80 : index
        %swap3A_321 = tpu.vector_load %arg9[%swap3A_318, %swap3A_319, %swap3A_320] {strides = array<i32>} : memref<2x80x128xf32, #tpu.memory_space<vmem>>, vector<1x1x16xf32>,
        %swap3A_322 = vector.shape_cast %swap3A_321 : vector<1x1x16xf32> to vector<16xf32>
        %swap3A_323 = vector.shape_cast %mul3A_316 : vector<16xf32> to vector<1x1x16xf32>
        tpu.vector_store %arg9[%swap3A_318, %swap3A_319, %swap3A_320], %swap3A_323 {strides = array<i32>} : memref<2x80x128xf32, #tpu.memory_space<vmem>>, vector<1x1x16xf32>,
        %get3A_324 = arith.constant 1 : i32
        %get3A_325 = arith.index_cast %get3A_324 : i32 to index
        %get3A_326 = arith.index_cast %scan3A_217 : i32 to index
        %get3A_327 = arith.constant 96 : index
        %get3A_328 = tpu.vector_load %arg9[%get3A_325, %get3A_326, %get3A_327] {strides = array<i32>} : memref<2x80x128xf32, #tpu.memory_space<vmem>>, vector<1x1x16xf32>,
        %get3A_329 = vector.shape_cast %get3A_328 : vector<1x1x16xf32> to vector<16xf32>
        %get3A_330 = arith.index_cast %scan3A_217 : i32 to index
        %get3A_331 = arith.constant 96 : index
        %get3A_332 = tpu.vector_load %arg10[%get3A_330, %get3A_331] {strides = array<i32>} : memref<80x128xf32, #tpu.memory_space<vmem>>, vector<1x16xf32>,
        %get3A_333 = vector.shape_cast %get3A_332 : vector<1x16xf32> to vector<16xf32>
        %mul3A_334 = arith.mulf %get3A_329, %get3A_333 : vector<16xf32>
        %swap3A_335 = arith.constant 1 : i32
        %swap3A_336 = arith.index_cast %swap3A_335 : i32 to index
        %swap3A_337 = arith.index_cast %scan3A_217 : i32 to index
        %swap3A_338 = arith.constant 96 : index
        %swap3A_339 = tpu.vector_load %arg9[%swap3A_336, %swap3A_337, %swap3A_338] {strides = array<i32>} : memref<2x80x128xf32, #tpu.memory_space<vmem>>, vector<1x1x16xf32>,
        %swap3A_340 = vector.shape_cast %swap3A_339 : vector<1x1x16xf32> to vector<16xf32>
        %swap3A_341 = vector.shape_cast %mul3A_334 : vector<16xf32> to vector<1x1x16xf32>
        tpu.vector_store %arg9[%swap3A_336, %swap3A_337, %swap3A_338], %swap3A_341 {strides = array<i32>} : memref<2x80x128xf32, #tpu.memory_space<vmem>>, vector<1x1x16xf32>,
        %get3A_342 = arith.constant 1 : i32
        %get3A_343 = arith.index_cast %get3A_342 : i32 to index
        %get3A_344 = arith.index_cast %scan3A_217 : i32 to index
        %get3A_345 = arith.constant 112 : index
        %get3A_346 = tpu.vector_load %arg9[%get3A_343, %get3A_344, %get3A_345] {strides = array<i32>} : memref<2x80x128xf32, #tpu.memory_space<vmem>>, vector<1x1x16xf32>,
        %get3A_347 = vector.shape_cast %get3A_346 : vector<1x1x16xf32> to vector<16xf32>
        %get3A_348 = arith.index_cast %scan3A_217 : i32 to index
        %get3A_349 = arith.constant 112 : index
        %get3A_350 = tpu.vector_load %arg10[%get3A_348, %get3A_349] {strides = array<i32>} : memref<80x128xf32, #tpu.memory_space<vmem>>, vector<1x16xf32>,
        %get3A_351 = vector.shape_cast %get3A_350 : vector<1x16xf32> to vector<16xf32>
        %mul3A_352 = arith.mulf %get3A_347, %get3A_351 : vector<16xf32>
        %swap3A_353 = arith.constant 1 : i32
        %swap3A_354 = arith.index_cast %swap3A_353 : i32 to index
        %swap3A_355 = arith.index_cast %scan3A_217 : i32 to index
        %swap3A_356 = arith.constant 112 : index
        %swap3A_357 = tpu.vector_load %arg9[%swap3A_354, %swap3A_355, %swap3A_356] {strides = array<i32>} : memref<2x80x128xf32, #tpu.memory_space<vmem>>, vector<1x1x16xf32>,
        %swap3A_358 = vector.shape_cast %swap3A_357 : vector<1x1x16xf32> to vector<16xf32>
        %swap3A_359 = vector.shape_cast %mul3A_352 : vector<16xf32> to vector<1x1x16xf32>
        tpu.vector_store %arg9[%swap3A_354, %swap3A_355, %swap3A_356], %swap3A_359 {strides = array<i32>} : memref<2x80x128xf32, #tpu.memory_space<vmem>>, vector<1x1x16xf32>,
      }
      %scan3A_204 = arith.constant 80 : i32
      %dma_start3A_205 = arith.constant 1 : i32
      %dma_start3A_206 = arith.constant 1 : i32
      %dma_start3A_207 = arith.constant 0 : i32
      %dma_start3A_208 = arith.constant 0 : i32
      %dma_start3A_209 = tpu.memref_slice %arg9[%dma_start3A_205, %dma_start3A_207, %dma_start3A_208] : memref<2x80x128xf32, #tpu.memory_space<vmem>> -> memref<1x80x128xf32, #tpu.memory_space<vmem>>
      %dma_start3A_210 = tpu.memref_squeeze %dma_start3A_209 : memref<1x80x128xf32, #tpu.memory_space<vmem>> -> memref<80x128xf32, #tpu.memory_space<vmem>>
      %dma_start3A_211 = arith.constant 0 : i32
      %dma_start3A_212 = tpu.memref_slice %arg8[%dma_start3A_206, %dma_start3A_211] : memref<2x80xi32, #tpu.memory_space<vmem>> -> memref<1x80xi32, #tpu.memory_space<vmem>>
      %dma_start3A_213 = tpu.memref_squeeze %dma_start3A_212 : memref<1x80xi32, #tpu.memory_space<vmem>> -> memref<80xi32, #tpu.memory_space<vmem>>
      %dma_start3A_214 = arith.constant 0 : i32
      %dma_start3A_215 = arith.constant 0 : i32
      %dma_start3A_216 = tpu.memref_slice %arg11[%dma_start3A_214, %dma_start3A_215] : memref<10000x128xf32, #tpu.memory_space<vmem_shared>> -> memref<10000x128xf32, #tpu.memory_space<vmem_shared>>
      tpu.enqueue_indirect_dma source(%dma_start3A_210 : memref<80x128xf32, #tpu.memory_space<vmem>>) target(%dma_start3A_216 : memref<10000x128xf32, #tpu.memory_space<vmem_shared>>) offsets(%dma_start3A_213 : memref<80xi32, #tpu.memory_space<vmem>>) semaphore(%arg14 : memref<!tpu.dma_semaphore, #tpu.memory_space<semaphore_mem>>) {add = true}
    }
    %scan3A_11 = arith.constant 62 : i32
    %mul3A_12 = arith.constant 10000 : i32
    %mul3A_13 = arith.muli %add3A, %mul3A_12 : i32
    %add3A_14 = arith.constant 9920 : i32
    %add3A_15 = arith.addi %mul3A_13, %add3A_14 : i32
    %dma_wait3A = arith.constant 0 : i32
    %dma_wait3A_16 = arith.constant 0 : i32
    %dma_wait3A_17 = arith.constant 0 : i32
    %dma_wait3A_18 = arith.constant 0 : i32
    %dma_wait3A_19 = tpu.memref_slice %arg9[%dma_wait3A, %dma_wait3A_17, %dma_wait3A_18] : memref<2x80x128xf32, #tpu.memory_space<vmem>> -> memref<1x80x128xf32, #tpu.memory_space<vmem>>
    %dma_wait3A_20 = tpu.memref_squeeze %dma_wait3A_19 : memref<1x80x128xf32, #tpu.memory_space<vmem>> -> memref<80x128xf32, #tpu.memory_space<vmem>>
    %dma_wait3A_21 = arith.constant 0 : i32
    %dma_wait3A_22 = tpu.memref_slice %arg8[%dma_wait3A_16, %dma_wait3A_21] : memref<2x80xi32, #tpu.memory_space<vmem>> -> memref<1x80xi32, #tpu.memory_space<vmem>>
    %dma_wait3A_23 = tpu.memref_squeeze %dma_wait3A_22 : memref<1x80xi32, #tpu.memory_space<vmem>> -> memref<80xi32, #tpu.memory_space<vmem>>
    %dma_wait3A_24 = arith.constant 0 : i32
    %dma_wait3A_25 = arith.constant 0 : i32
    %dma_wait3A_26 = tpu.memref_slice %arg11[%dma_wait3A_24, %dma_wait3A_25] : memref<10000x128xf32, #tpu.memory_space<vmem_shared>> -> memref<10000x128xf32, #tpu.memory_space<vmem_shared>>
    tpu.wait_indirect_dma semaphore(%arg13 : memref<!tpu.dma_semaphore, #tpu.memory_space<semaphore_mem>>) src(%dma_wait3A_20 : memref<80x128xf32, #tpu.memory_space<vmem>>) dst(%dma_wait3A_26 : memref<10000x128xf32, #tpu.memory_space<vmem_shared>>)
    %run_scoped3A = arith.constant 0 : i32
    "tpu.region"() ({
      %run_scoped3A_103 = tpu.sem_alloc : memref<!tpu.dma_semaphore, #tpu.memory_space<semaphore_mem>>
      %dma_start3A_104 = arith.constant 0 : i32
      %dma_start3A_105 = tpu.memref_slice %arg7[%run_scoped3A, %dma_start3A_104] : memref<2x80xi32, #tpu.memory_space<vmem>> -> memref<1x80xi32, #tpu.memory_space<vmem>>
      %dma_start3A_106 = tpu.memref_squeeze %dma_start3A_105 : memref<1x80xi32, #tpu.memory_space<vmem>> -> memref<80xi32, #tpu.memory_space<vmem>>
      %dma_start3A_107 = tpu.memref_slice %arg4[%add3A_15] : memref<320000xi32, #tpu.memory_space<hbm>> -> memref<80xi32, #tpu.memory_space<hbm>>
      %dma_start3A_108 = arith.constant 0 : i32
      %dma_start3A_109 = tpu.memref_slice %arg7[%run_scoped3A, %dma_start3A_108] : memref<2x80xi32, #tpu.memory_space<vmem>> -> memref<1x80xi32, #tpu.memory_space<vmem>>
      %dma_start3A_110 = tpu.memref_squeeze %dma_start3A_109 : memref<1x80xi32, #tpu.memory_space<vmem>> -> memref<80xi32, #tpu.memory_space<vmem>>
      %dma_start3A_111 = tpu.memref_slice %arg4[%add3A_15] : memref<320000xi32, #tpu.memory_space<hbm>> -> memref<80xi32, #tpu.memory_space<hbm>>
      tpu.enqueue_dma source(%dma_start3A_111 : memref<80xi32, #tpu.memory_space<hbm>>) target(%dma_start3A_110 : memref<80xi32, #tpu.memory_space<vmem>>) target_semaphore(%run_scoped3A_103 : memref<!tpu.dma_semaphore, #tpu.memory_space<semaphore_mem>>)
      %dma_wait3A_112 = arith.constant 0 : i32
      %dma_wait3A_113 = tpu.memref_slice %arg7[%run_scoped3A, %dma_wait3A_112] : memref<2x80xi32, #tpu.memory_space<vmem>> -> memref<1x80xi32, #tpu.memory_space<vmem>>
      %dma_wait3A_114 = tpu.memref_squeeze %dma_wait3A_113 : memref<1x80xi32, #tpu.memory_space<vmem>> -> memref<80xi32, #tpu.memory_space<vmem>>
      %dma_wait3A_115 = tpu.memref_slice %arg4[%add3A_15] : memref<320000xi32, #tpu.memory_space<hbm>> -> memref<80xi32, #tpu.memory_space<hbm>>
      %dma_wait3A_116 = arith.constant 0 : i32
      %dma_wait3A_117 = tpu.memref_slice %arg7[%run_scoped3A, %dma_wait3A_116] : memref<2x80xi32, #tpu.memory_space<vmem>> -> memref<1x80xi32, #tpu.memory_space<vmem>>
      %dma_wait3A_118 = tpu.memref_squeeze %dma_wait3A_117 : memref<1x80xi32, #tpu.memory_space<vmem>> -> memref<80xi32, #tpu.memory_space<vmem>>
      %dma_wait3A_119 = tpu.memref_slice %arg4[%add3A_15] : memref<320000xi32, #tpu.memory_space<hbm>> -> memref<80xi32, #tpu.memory_space<hbm>>
      tpu.wait_dma2 semaphore(%run_scoped3A_103 : memref<!tpu.dma_semaphore, #tpu.memory_space<semaphore_mem>>) src(%dma_wait3A_119 : memref<80xi32, #tpu.memory_space<hbm>>) dst(%dma_wait3A_118 : memref<80xi32, #tpu.memory_space<vmem>>)
      tpu.yield
    }) : () -> ()
    %run_scoped3A_27 = arith.constant 0 : i32
    "tpu.region"() ({
      %run_scoped3A_103 = tpu.sem_alloc : memref<!tpu.dma_semaphore, #tpu.memory_space<semaphore_mem>>
      %dma_start3A_104 = arith.constant 0 : i32
      %dma_start3A_105 = tpu.memref_slice %arg8[%run_scoped3A_27, %dma_start3A_104] : memref<2x80xi32, #tpu.memory_space<vmem>> -> memref<1x80xi32, #tpu.memory_space<vmem>>
      %dma_start3A_106 = tpu.memref_squeeze %dma_start3A_105 : memref<1x80xi32, #tpu.memory_space<vmem>> -> memref<80xi32, #tpu.memory_space<vmem>>
      %dma_start3A_107 = tpu.memref_slice %arg5[%add3A_15] : memref<320000xi32, #tpu.memory_space<hbm>> -> memref<80xi32, #tpu.memory_space<hbm>>
      %dma_start3A_108 = arith.constant 0 : i32
      %dma_start3A_109 = tpu.memref_slice %arg8[%run_scoped3A_27, %dma_start3A_108] : memref<2x80xi32, #tpu.memory_space<vmem>> -> memref<1x80xi32, #tpu.memory_space<vmem>>
      %dma_start3A_110 = tpu.memref_squeeze %dma_start3A_109 : memref<1x80xi32, #tpu.memory_space<vmem>> -> memref<80xi32, #tpu.memory_space<vmem>>
      %dma_start3A_111 = tpu.memref_slice %arg5[%add3A_15] : memref<320000xi32, #tpu.memory_space<hbm>> -> memref<80xi32, #tpu.memory_space<hbm>>
      tpu.enqueue_dma source(%dma_start3A_111 : memref<80xi32, #tpu.memory_space<hbm>>) target(%dma_start3A_110 : memref<80xi32, #tpu.memory_space<vmem>>) target_semaphore(%run_scoped3A_103 : memref<!tpu.dma_semaphore, #tpu.memory_space<semaphore_mem>>)
      %dma_wait3A_112 = arith.constant 0 : i32
      %dma_wait3A_113 = tpu.memref_slice %arg8[%run_scoped3A_27, %dma_wait3A_112] : memref<2x80xi32, #tpu.memory_space<vmem>> -> memref<1x80xi32, #tpu.memory_space<vmem>>
      %dma_wait3A_114 = tpu.memref_squeeze %dma_wait3A_113 : memref<1x80xi32, #tpu.memory_space<vmem>> -> memref<80xi32, #tpu.memory_space<vmem>>
      %dma_wait3A_115 = tpu.memref_slice %arg5[%add3A_15] : memref<320000xi32, #tpu.memory_space<hbm>> -> memref<80xi32, #tpu.memory_space<hbm>>
      %dma_wait3A_116 = arith.constant 0 : i32
      %dma_wait3A_117 = tpu.memref_slice %arg8[%run_scoped3A_27, %dma_wait3A_116] : memref<2x80xi32, #tpu.memory_space<vmem>> -> memref<1x80xi32, #tpu.memory_space<vmem>>
      %dma_wait3A_118 = tpu.memref_squeeze %dma_wait3A_117 : memref<1x80xi32, #tpu.memory_space<vmem>> -> memref<80xi32, #tpu.memory_space<vmem>>
      %dma_wait3A_119 = tpu.memref_slice %arg5[%add3A_15] : memref<320000xi32, #tpu.memory_space<hbm>> -> memref<80xi32, #tpu.memory_space<hbm>>
      tpu.wait_dma2 semaphore(%run_scoped3A_103 : memref<!tpu.dma_semaphore, #tpu.memory_space<semaphore_mem>>) src(%dma_wait3A_119 : memref<80xi32, #tpu.memory_space<hbm>>) dst(%dma_wait3A_118 : memref<80xi32, #tpu.memory_space<vmem>>)
      tpu.yield
    }) : () -> ()
    %dma_start3A = arith.constant 0 : i32
    %dma_start3A_28 = arith.constant 0 : i32
    %dma_start3A_29 = arith.constant 0 : i32
    %dma_start3A_30 = arith.constant 0 : i32
    %dma_start3A_31 = tpu.memref_slice %arg9[%dma_start3A_28, %dma_start3A_29, %dma_start3A_30] : memref<2x80x128xf32, #tpu.memory_space<vmem>> -> memref<1x80x128xf32, #tpu.memory_space<vmem>>
    %dma_start3A_32 = tpu.memref_squeeze %dma_start3A_31 : memref<1x80x128xf32, #tpu.memory_space<vmem>> -> memref<80x128xf32, #tpu.memory_space<vmem>>
    %dma_start3A_33 = arith.constant 0 : i32
    %dma_start3A_34 = tpu.memref_slice %arg7[%dma_start3A, %dma_start3A_33] : memref<2x80xi32, #tpu.memory_space<vmem>> -> memref<1x80xi32, #tpu.memory_space<vmem>>
    %dma_start3A_35 = tpu.memref_squeeze %dma_start3A_34 : memref<1x80xi32, #tpu.memory_space<vmem>> -> memref<80xi32, #tpu.memory_space<vmem>>
    %dma_start3A_36 = arith.constant 0 : i32
    %dma_start3A_37 = arith.constant 0 : i32
    %dma_start3A_38 = tpu.memref_slice %arg2[%dma_start3A_36, %dma_start3A_37] : memref<10000x128xf32, #tpu.memory_space<hbm>> -> memref<10000x128xf32, #tpu.memory_space<hbm>>
    tpu.enqueue_indirect_dma source(%dma_start3A_38 : memref<10000x128xf32, #tpu.memory_space<hbm>>) target(%dma_start3A_32 : memref<80x128xf32, #tpu.memory_space<vmem>>) offsets(%dma_start3A_35 : memref<80xi32, #tpu.memory_space<vmem>>) semaphore(%arg12 : memref<!tpu.dma_semaphore, #tpu.memory_space<semaphore_mem>>)
    "tpu.region"() ({
      %run_scoped3A_103 = tpu.sem_alloc : memref<!tpu.dma_semaphore, #tpu.memory_space<semaphore_mem>>
      %dma_start3A_104 = arith.constant 0 : i32
      %dma_start3A_105 = tpu.memref_slice %arg3[%add3A_15, %dma_start3A_104] : memref<320000x128xf32, #tpu.memory_space<hbm>> -> memref<80x128xf32, #tpu.memory_space<hbm>>
      %dma_start3A_106 = arith.constant 0 : i32
      %dma_start3A_107 = tpu.memref_slice %arg3[%add3A_15, %dma_start3A_106] : memref<320000x128xf32, #tpu.memory_space<hbm>> -> memref<80x128xf32, #tpu.memory_space<hbm>>
      tpu.enqueue_dma source(%dma_start3A_107 : memref<80x128xf32, #tpu.memory_space<hbm>>) target(%arg10 : memref<80x128xf32, #tpu.memory_space<vmem>>) target_semaphore(%run_scoped3A_103 : memref<!tpu.dma_semaphore, #tpu.memory_space<semaphore_mem>>)
      %dma_wait3A_108 = arith.constant 0 : i32
      %dma_wait3A_109 = tpu.memref_slice %arg3[%add3A_15, %dma_wait3A_108] : memref<320000x128xf32, #tpu.memory_space<hbm>> -> memref<80x128xf32, #tpu.memory_space<hbm>>
      %dma_wait3A_110 = arith.constant 0 : i32
      %dma_wait3A_111 = tpu.memref_slice %arg3[%add3A_15, %dma_wait3A_110] : memref<320000x128xf32, #tpu.memory_space<hbm>> -> memref<80x128xf32, #tpu.memory_space<hbm>>
      tpu.wait_dma2 semaphore(%run_scoped3A_103 : memref<!tpu.dma_semaphore, #tpu.memory_space<semaphore_mem>>) src(%dma_wait3A_111 : memref<80x128xf32, #tpu.memory_space<hbm>>) dst(%arg10 : memref<80x128xf32, #tpu.memory_space<vmem>>)
      tpu.yield
    }) : () -> ()
    %dma_wait3A_39 = arith.constant 0 : i32
    %dma_wait3A_40 = arith.constant 0 : i32
    %dma_wait3A_41 = arith.constant 0 : i32
    %dma_wait3A_42 = arith.constant 0 : i32
    %dma_wait3A_43 = tpu.memref_slice %arg9[%dma_wait3A_40, %dma_wait3A_41, %dma_wait3A_42] : memref<2x80x128xf32, #tpu.memory_space<vmem>> -> memref<1x80x128xf32, #tpu.memory_space<vmem>>
    %dma_wait3A_44 = tpu.memref_squeeze %dma_wait3A_43 : memref<1x80x128xf32, #tpu.memory_space<vmem>> -> memref<80x128xf32, #tpu.memory_space<vmem>>
    %dma_wait3A_45 = arith.constant 0 : i32
    %dma_wait3A_46 = tpu.memref_slice %arg7[%dma_wait3A_39, %dma_wait3A_45] : memref<2x80xi32, #tpu.memory_space<vmem>> -> memref<1x80xi32, #tpu.memory_space<vmem>>
    %dma_wait3A_47 = tpu.memref_squeeze %dma_wait3A_46 : memref<1x80xi32, #tpu.memory_space<vmem>> -> memref<80xi32, #tpu.memory_space<vmem>>
    %dma_wait3A_48 = arith.constant 0 : i32
    %dma_wait3A_49 = arith.constant 0 : i32
    %dma_wait3A_50 = tpu.memref_slice %arg2[%dma_wait3A_48, %dma_wait3A_49] : memref<10000x128xf32, #tpu.memory_space<hbm>> -> memref<10000x128xf32, #tpu.memory_space<hbm>>
    tpu.wait_indirect_dma semaphore(%arg12 : memref<!tpu.dma_semaphore, #tpu.memory_space<semaphore_mem>>) src(%dma_wait3A_50 : memref<10000x128xf32, #tpu.memory_space<hbm>>) dst(%dma_wait3A_44 : memref<80x128xf32, #tpu.memory_space<vmem>>)
    %scan3A_51 = arith.constant 0 : i32
    %scan3A_52 = arith.constant 0 : i32
    %scan3A_53 = arith.constant 80 : i32
    %scan3A_54 = arith.addi %scan3A_52, %scan3A_53 : i32
    %scan3A_55 = arith.constant 1 : i32
    scf.for %scan3A_103 = %scan3A_52 to %scan3A_54 step %scan3A_55  : i32 {
      %get3A = arith.constant 0 : i32
      %get3A_104 = arith.index_cast %get3A : i32 to index
      %get3A_105 = arith.index_cast %scan3A_103 : i32 to index
      %get3A_106 = arith.constant 0 : index
      %get3A_107 = tpu.vector_load %arg9[%get3A_104, %get3A_105, %get3A_106] {strides = array<i32>} : memref<2x80x128xf32, #tpu.memory_space<vmem>>, vector<1x1x16xf32>,
      %get3A_108 = vector.shape_cast %get3A_107 : vector<1x1x16xf32> to vector<16xf32>
      %get3A_109 = arith.index_cast %scan3A_103 : i32 to index
      %get3A_110 = arith.constant 0 : index
      %get3A_111 = tpu.vector_load %arg10[%get3A_109, %get3A_110] {strides = array<i32>} : memref<80x128xf32, #tpu.memory_space<vmem>>, vector<1x16xf32>,
      %get3A_112 = vector.shape_cast %get3A_111 : vector<1x16xf32> to vector<16xf32>
      %mul3A_113 = arith.mulf %get3A_108, %get3A_112 : vector<16xf32>
      %swap3A = arith.constant 0 : i32
      %swap3A_114 = arith.index_cast %swap3A : i32 to index
      %swap3A_115 = arith.index_cast %scan3A_103 : i32 to index
      %swap3A_116 = arith.constant 0 : index
      %swap3A_117 = tpu.vector_load %arg9[%swap3A_114, %swap3A_115, %swap3A_116] {strides = array<i32>} : memref<2x80x128xf32, #tpu.memory_space<vmem>>, vector<1x1x16xf32>,
      %swap3A_118 = vector.shape_cast %swap3A_117 : vector<1x1x16xf32> to vector<16xf32>
      %swap3A_119 = vector.shape_cast %mul3A_113 : vector<16xf32> to vector<1x1x16xf32>
      tpu.vector_store %arg9[%swap3A_114, %swap3A_115, %swap3A_116], %swap3A_119 {strides = array<i32>} : memref<2x80x128xf32, #tpu.memory_space<vmem>>, vector<1x1x16xf32>,
      %get3A_120 = arith.constant 0 : i32
      %get3A_121 = arith.index_cast %get3A_120 : i32 to index
      %get3A_122 = arith.index_cast %scan3A_103 : i32 to index
      %get3A_123 = arith.constant 16 : index
      %get3A_124 = tpu.vector_load %arg9[%get3A_121, %get3A_122, %get3A_123] {strides = array<i32>} : memref<2x80x128xf32, #tpu.memory_space<vmem>>, vector<1x1x16xf32>,
      %get3A_125 = vector.shape_cast %get3A_124 : vector<1x1x16xf32> to vector<16xf32>
      %get3A_126 = arith.index_cast %scan3A_103 : i32 to index
      %get3A_127 = arith.constant 16 : index
      %get3A_128 = tpu.vector_load %arg10[%get3A_126, %get3A_127] {strides = array<i32>} : memref<80x128xf32, #tpu.memory_space<vmem>>, vector<1x16xf32>,
      %get3A_129 = vector.shape_cast %get3A_128 : vector<1x16xf32> to vector<16xf32>
      %mul3A_130 = arith.mulf %get3A_125, %get3A_129 : vector<16xf32>
      %swap3A_131 = arith.constant 0 : i32
      %swap3A_132 = arith.index_cast %swap3A_131 : i32 to index
      %swap3A_133 = arith.index_cast %scan3A_103 : i32 to index
      %swap3A_134 = arith.constant 16 : index
      %swap3A_135 = tpu.vector_load %arg9[%swap3A_132, %swap3A_133, %swap3A_134] {strides = array<i32>} : memref<2x80x128xf32, #tpu.memory_space<vmem>>, vector<1x1x16xf32>,
      %swap3A_136 = vector.shape_cast %swap3A_135 : vector<1x1x16xf32> to vector<16xf32>
      %swap3A_137 = vector.shape_cast %mul3A_130 : vector<16xf32> to vector<1x1x16xf32>
      tpu.vector_store %arg9[%swap3A_132, %swap3A_133, %swap3A_134], %swap3A_137 {strides = array<i32>} : memref<2x80x128xf32, #tpu.memory_space<vmem>>, vector<1x1x16xf32>,
      %get3A_138 = arith.constant 0 : i32
      %get3A_139 = arith.index_cast %get3A_138 : i32 to index
      %get3A_140 = arith.index_cast %scan3A_103 : i32 to index
      %get3A_141 = arith.constant 32 : index
      %get3A_142 = tpu.vector_load %arg9[%get3A_139, %get3A_140, %get3A_141] {strides = array<i32>} : memref<2x80x128xf32, #tpu.memory_space<vmem>>, vector<1x1x16xf32>,
      %get3A_143 = vector.shape_cast %get3A_142 : vector<1x1x16xf32> to vector<16xf32>
      %get3A_144 = arith.index_cast %scan3A_103 : i32 to index
      %get3A_145 = arith.constant 32 : index
      %get3A_146 = tpu.vector_load %arg10[%get3A_144, %get3A_145] {strides = array<i32>} : memref<80x128xf32, #tpu.memory_space<vmem>>, vector<1x16xf32>,
      %get3A_147 = vector.shape_cast %get3A_146 : vector<1x16xf32> to vector<16xf32>
      %mul3A_148 = arith.mulf %get3A_143, %get3A_147 : vector<16xf32>
      %swap3A_149 = arith.constant 0 : i32
      %swap3A_150 = arith.index_cast %swap3A_149 : i32 to index
      %swap3A_151 = arith.index_cast %scan3A_103 : i32 to index
      %swap3A_152 = arith.constant 32 : index
      %swap3A_153 = tpu.vector_load %arg9[%swap3A_150, %swap3A_151, %swap3A_152] {strides = array<i32>} : memref<2x80x128xf32, #tpu.memory_space<vmem>>, vector<1x1x16xf32>,
      %swap3A_154 = vector.shape_cast %swap3A_153 : vector<1x1x16xf32> to vector<16xf32>
      %swap3A_155 = vector.shape_cast %mul3A_148 : vector<16xf32> to vector<1x1x16xf32>
      tpu.vector_store %arg9[%swap3A_150, %swap3A_151, %swap3A_152], %swap3A_155 {strides = array<i32>} : memref<2x80x128xf32, #tpu.memory_space<vmem>>, vector<1x1x16xf32>,
      %get3A_156 = arith.constant 0 : i32
      %get3A_157 = arith.index_cast %get3A_156 : i32 to index
      %get3A_158 = arith.index_cast %scan3A_103 : i32 to index
      %get3A_159 = arith.constant 48 : index
      %get3A_160 = tpu.vector_load %arg9[%get3A_157, %get3A_158, %get3A_159] {strides = array<i32>} : memref<2x80x128xf32, #tpu.memory_space<vmem>>, vector<1x1x16xf32>,
      %get3A_161 = vector.shape_cast %get3A_160 : vector<1x1x16xf32> to vector<16xf32>
      %get3A_162 = arith.index_cast %scan3A_103 : i32 to index
      %get3A_163 = arith.constant 48 : index
      %get3A_164 = tpu.vector_load %arg10[%get3A_162, %get3A_163] {strides = array<i32>} : memref<80x128xf32, #tpu.memory_space<vmem>>, vector<1x16xf32>,
      %get3A_165 = vector.shape_cast %get3A_164 : vector<1x16xf32> to vector<16xf32>
      %mul3A_166 = arith.mulf %get3A_161, %get3A_165 : vector<16xf32>
      %swap3A_167 = arith.constant 0 : i32
      %swap3A_168 = arith.index_cast %swap3A_167 : i32 to index
      %swap3A_169 = arith.index_cast %scan3A_103 : i32 to index
      %swap3A_170 = arith.constant 48 : index
      %swap3A_171 = tpu.vector_load %arg9[%swap3A_168, %swap3A_169, %swap3A_170] {strides = array<i32>} : memref<2x80x128xf32, #tpu.memory_space<vmem>>, vector<1x1x16xf32>,
      %swap3A_172 = vector.shape_cast %swap3A_171 : vector<1x1x16xf32> to vector<16xf32>
      %swap3A_173 = vector.shape_cast %mul3A_166 : vector<16xf32> to vector<1x1x16xf32>
      tpu.vector_store %arg9[%swap3A_168, %swap3A_169, %swap3A_170], %swap3A_173 {strides = array<i32>} : memref<2x80x128xf32, #tpu.memory_space<vmem>>, vector<1x1x16xf32>,
      %get3A_174 = arith.constant 0 : i32
      %get3A_175 = arith.index_cast %get3A_174 : i32 to index
      %get3A_176 = arith.index_cast %scan3A_103 : i32 to index
      %get3A_177 = arith.constant 64 : index
      %get3A_178 = tpu.vector_load %arg9[%get3A_175, %get3A_176, %get3A_177] {strides = array<i32>} : memref<2x80x128xf32, #tpu.memory_space<vmem>>, vector<1x1x16xf32>,
      %get3A_179 = vector.shape_cast %get3A_178 : vector<1x1x16xf32> to vector<16xf32>
      %get3A_180 = arith.index_cast %scan3A_103 : i32 to index
      %get3A_181 = arith.constant 64 : index
      %get3A_182 = tpu.vector_load %arg10[%get3A_180, %get3A_181] {strides = array<i32>} : memref<80x128xf32, #tpu.memory_space<vmem>>, vector<1x16xf32>,
      %get3A_183 = vector.shape_cast %get3A_182 : vector<1x16xf32> to vector<16xf32>
      %mul3A_184 = arith.mulf %get3A_179, %get3A_183 : vector<16xf32>
      %swap3A_185 = arith.constant 0 : i32
      %swap3A_186 = arith.index_cast %swap3A_185 : i32 to index
      %swap3A_187 = arith.index_cast %scan3A_103 : i32 to index
      %swap3A_188 = arith.constant 64 : index
      %swap3A_189 = tpu.vector_load %arg9[%swap3A_186, %swap3A_187, %swap3A_188] {strides = array<i32>} : memref<2x80x128xf32, #tpu.memory_space<vmem>>, vector<1x1x16xf32>,
      %swap3A_190 = vector.shape_cast %swap3A_189 : vector<1x1x16xf32> to vector<16xf32>
      %swap3A_191 = vector.shape_cast %mul3A_184 : vector<16xf32> to vector<1x1x16xf32>
      tpu.vector_store %arg9[%swap3A_186, %swap3A_187, %swap3A_188], %swap3A_191 {strides = array<i32>} : memref<2x80x128xf32, #tpu.memory_space<vmem>>, vector<1x1x16xf32>,
      %get3A_192 = arith.constant 0 : i32
      %get3A_193 = arith.index_cast %get3A_192 : i32 to index
      %get3A_194 = arith.index_cast %scan3A_103 : i32 to index
      %get3A_195 = arith.constant 80 : index
      %get3A_196 = tpu.vector_load %arg9[%get3A_193, %get3A_194, %get3A_195] {strides = array<i32>} : memref<2x80x128xf32, #tpu.memory_space<vmem>>, vector<1x1x16xf32>,
      %get3A_197 = vector.shape_cast %get3A_196 : vector<1x1x16xf32> to vector<16xf32>
      %get3A_198 = arith.index_cast %scan3A_103 : i32 to index
      %get3A_199 = arith.constant 80 : index
      %get3A_200 = tpu.vector_load %arg10[%get3A_198, %get3A_199] {strides = array<i32>} : memref<80x128xf32, #tpu.memory_space<vmem>>, vector<1x16xf32>,
      %get3A_201 = vector.shape_cast %get3A_200 : vector<1x16xf32> to vector<16xf32>
      %mul3A_202 = arith.mulf %get3A_197, %get3A_201 : vector<16xf32>
      %swap3A_203 = arith.constant 0 : i32
      %swap3A_204 = arith.index_cast %swap3A_203 : i32 to index
      %swap3A_205 = arith.index_cast %scan3A_103 : i32 to index
      %swap3A_206 = arith.constant 80 : index
      %swap3A_207 = tpu.vector_load %arg9[%swap3A_204, %swap3A_205, %swap3A_206] {strides = array<i32>} : memref<2x80x128xf32, #tpu.memory_space<vmem>>, vector<1x1x16xf32>,
      %swap3A_208 = vector.shape_cast %swap3A_207 : vector<1x1x16xf32> to vector<16xf32>
      %swap3A_209 = vector.shape_cast %mul3A_202 : vector<16xf32> to vector<1x1x16xf32>
      tpu.vector_store %arg9[%swap3A_204, %swap3A_205, %swap3A_206], %swap3A_209 {strides = array<i32>} : memref<2x80x128xf32, #tpu.memory_space<vmem>>, vector<1x1x16xf32>,
      %get3A_210 = arith.constant 0 : i32
      %get3A_211 = arith.index_cast %get3A_210 : i32 to index
      %get3A_212 = arith.index_cast %scan3A_103 : i32 to index
      %get3A_213 = arith.constant 96 : index
      %get3A_214 = tpu.vector_load %arg9[%get3A_211, %get3A_212, %get3A_213] {strides = array<i32>} : memref<2x80x128xf32, #tpu.memory_space<vmem>>, vector<1x1x16xf32>,
      %get3A_215 = vector.shape_cast %get3A_214 : vector<1x1x16xf32> to vector<16xf32>
      %get3A_216 = arith.index_cast %scan3A_103 : i32 to index
      %get3A_217 = arith.constant 96 : index
      %get3A_218 = tpu.vector_load %arg10[%get3A_216, %get3A_217] {strides = array<i32>} : memref<80x128xf32, #tpu.memory_space<vmem>>, vector<1x16xf32>,
      %get3A_219 = vector.shape_cast %get3A_218 : vector<1x16xf32> to vector<16xf32>
      %mul3A_220 = arith.mulf %get3A_215, %get3A_219 : vector<16xf32>
      %swap3A_221 = arith.constant 0 : i32
      %swap3A_222 = arith.index_cast %swap3A_221 : i32 to index
      %swap3A_223 = arith.index_cast %scan3A_103 : i32 to index
      %swap3A_224 = arith.constant 96 : index
      %swap3A_225 = tpu.vector_load %arg9[%swap3A_222, %swap3A_223, %swap3A_224] {strides = array<i32>} : memref<2x80x128xf32, #tpu.memory_space<vmem>>, vector<1x1x16xf32>,
      %swap3A_226 = vector.shape_cast %swap3A_225 : vector<1x1x16xf32> to vector<16xf32>
      %swap3A_227 = vector.shape_cast %mul3A_220 : vector<16xf32> to vector<1x1x16xf32>
      tpu.vector_store %arg9[%swap3A_222, %swap3A_223, %swap3A_224], %swap3A_227 {strides = array<i32>} : memref<2x80x128xf32, #tpu.memory_space<vmem>>, vector<1x1x16xf32>,
      %get3A_228 = arith.constant 0 : i32
      %get3A_229 = arith.index_cast %get3A_228 : i32 to index
      %get3A_230 = arith.index_cast %scan3A_103 : i32 to index
      %get3A_231 = arith.constant 112 : index
      %get3A_232 = tpu.vector_load %arg9[%get3A_229, %get3A_230, %get3A_231] {strides = array<i32>} : memref<2x80x128xf32, #tpu.memory_space<vmem>>, vector<1x1x16xf32>,
      %get3A_233 = vector.shape_cast %get3A_232 : vector<1x1x16xf32> to vector<16xf32>
      %get3A_234 = arith.index_cast %scan3A_103 : i32 to index
      %get3A_235 = arith.constant 112 : index
      %get3A_236 = tpu.vector_load %arg10[%get3A_234, %get3A_235] {strides = array<i32>} : memref<80x128xf32, #tpu.memory_space<vmem>>, vector<1x16xf32>,
      %get3A_237 = vector.shape_cast %get3A_236 : vector<1x16xf32> to vector<16xf32>
      %mul3A_238 = arith.mulf %get3A_233, %get3A_237 : vector<16xf32>
      %swap3A_239 = arith.constant 0 : i32
      %swap3A_240 = arith.index_cast %swap3A_239 : i32 to index
      %swap3A_241 = arith.index_cast %scan3A_103 : i32 to index
      %swap3A_242 = arith.constant 112 : index
      %swap3A_243 = tpu.vector_load %arg9[%swap3A_240, %swap3A_241, %swap3A_242] {strides = array<i32>} : memref<2x80x128xf32, #tpu.memory_space<vmem>>, vector<1x1x16xf32>,
      %swap3A_244 = vector.shape_cast %swap3A_243 : vector<1x1x16xf32> to vector<16xf32>
      %swap3A_245 = vector.shape_cast %mul3A_238 : vector<16xf32> to vector<1x1x16xf32>
      tpu.vector_store %arg9[%swap3A_240, %swap3A_241, %swap3A_242], %swap3A_245 {strides = array<i32>} : memref<2x80x128xf32, #tpu.memory_space<vmem>>, vector<1x1x16xf32>,
    }
    %scan3A_56 = arith.constant 80 : i32
    %dma_start3A_57 = arith.constant 0 : i32
    %dma_start3A_58 = arith.constant 0 : i32
    %dma_start3A_59 = arith.constant 0 : i32
    %dma_start3A_60 = arith.constant 0 : i32
    %dma_start3A_61 = tpu.memref_slice %arg9[%dma_start3A_57, %dma_start3A_59, %dma_start3A_60] : memref<2x80x128xf32, #tpu.memory_space<vmem>> -> memref<1x80x128xf32, #tpu.memory_space<vmem>>
    %dma_start3A_62 = tpu.memref_squeeze %dma_start3A_61 : memref<1x80x128xf32, #tpu.memory_space<vmem>> -> memref<80x128xf32, #tpu.memory_space<vmem>>
    %dma_start3A_63 = arith.constant 0 : i32
    %dma_start3A_64 = tpu.memref_slice %arg8[%dma_start3A_58, %dma_start3A_63] : memref<2x80xi32, #tpu.memory_space<vmem>> -> memref<1x80xi32, #tpu.memory_space<vmem>>
    %dma_start3A_65 = tpu.memref_squeeze %dma_start3A_64 : memref<1x80xi32, #tpu.memory_space<vmem>> -> memref<80xi32, #tpu.memory_space<vmem>>
    %dma_start3A_66 = arith.constant 0 : i32
    %dma_start3A_67 = arith.constant 0 : i32
    %dma_start3A_68 = tpu.memref_slice %arg11[%dma_start3A_66, %dma_start3A_67] : memref<10000x128xf32, #tpu.memory_space<vmem_shared>> -> memref<10000x128xf32, #tpu.memory_space<vmem_shared>>
    tpu.enqueue_indirect_dma source(%dma_start3A_62 : memref<80x128xf32, #tpu.memory_space<vmem>>) target(%dma_start3A_68 : memref<10000x128xf32, #tpu.memory_space<vmem_shared>>) offsets(%dma_start3A_65 : memref<80xi32, #tpu.memory_space<vmem>>) semaphore(%arg13 : memref<!tpu.dma_semaphore, #tpu.memory_space<semaphore_mem>>) {add = true}
    %dma_wait3A_69 = arith.constant 0 : i32
    %dma_wait3A_70 = arith.constant 0 : i32
    %dma_wait3A_71 = arith.constant 0 : i32
    %dma_wait3A_72 = arith.constant 0 : i32
    %dma_wait3A_73 = tpu.memref_slice %arg9[%dma_wait3A_69, %dma_wait3A_71, %dma_wait3A_72] : memref<2x80x128xf32, #tpu.memory_space<vmem>> -> memref<1x80x128xf32, #tpu.memory_space<vmem>>
    %dma_wait3A_74 = tpu.memref_squeeze %dma_wait3A_73 : memref<1x80x128xf32, #tpu.memory_space<vmem>> -> memref<80x128xf32, #tpu.memory_space<vmem>>
    %dma_wait3A_75 = arith.constant 0 : i32
    %dma_wait3A_76 = tpu.memref_slice %arg8[%dma_wait3A_70, %dma_wait3A_75] : memref<2x80xi32, #tpu.memory_space<vmem>> -> memref<1x80xi32, #tpu.memory_space<vmem>>
    %dma_wait3A_77 = tpu.memref_squeeze %dma_wait3A_76 : memref<1x80xi32, #tpu.memory_space<vmem>> -> memref<80xi32, #tpu.memory_space<vmem>>
    %dma_wait3A_78 = arith.constant 0 : i32
    %dma_wait3A_79 = arith.constant 0 : i32
    %dma_wait3A_80 = tpu.memref_slice %arg11[%dma_wait3A_78, %dma_wait3A_79] : memref<10000x128xf32, #tpu.memory_space<vmem_shared>> -> memref<10000x128xf32, #tpu.memory_space<vmem_shared>>
    tpu.wait_indirect_dma semaphore(%arg13 : memref<!tpu.dma_semaphore, #tpu.memory_space<semaphore_mem>>) src(%dma_wait3A_74 : memref<80x128xf32, #tpu.memory_space<vmem>>) dst(%dma_wait3A_80 : memref<10000x128xf32, #tpu.memory_space<vmem_shared>>)
    %dma_wait3A_81 = arith.constant 1 : i32
    %dma_wait3A_82 = arith.constant 1 : i32
    %dma_wait3A_83 = arith.constant 0 : i32
    %dma_wait3A_84 = arith.constant 0 : i32
    %dma_wait3A_85 = tpu.memref_slice %arg9[%dma_wait3A_81, %dma_wait3A_83, %dma_wait3A_84] : memref<2x80x128xf32, #tpu.memory_space<vmem>> -> memref<1x80x128xf32, #tpu.memory_space<vmem>>
    %dma_wait3A_86 = tpu.memref_squeeze %dma_wait3A_85 : memref<1x80x128xf32, #tpu.memory_space<vmem>> -> memref<80x128xf32, #tpu.memory_space<vmem>>
    %dma_wait3A_87 = arith.constant 0 : i32
    %dma_wait3A_88 = tpu.memref_slice %arg8[%dma_wait3A_82, %dma_wait3A_87] : memref<2x80xi32, #tpu.memory_space<vmem>> -> memref<1x80xi32, #tpu.memory_space<vmem>>
    %dma_wait3A_89 = tpu.memref_squeeze %dma_wait3A_88 : memref<1x80xi32, #tpu.memory_space<vmem>> -> memref<80xi32, #tpu.memory_space<vmem>>
    %dma_wait3A_90 = arith.constant 0 : i32
    %dma_wait3A_91 = arith.constant 0 : i32
    %dma_wait3A_92 = tpu.memref_slice %arg11[%dma_wait3A_90, %dma_wait3A_91] : memref<10000x128xf32, #tpu.memory_space<vmem_shared>> -> memref<10000x128xf32, #tpu.memory_space<vmem_shared>>
    tpu.wait_indirect_dma semaphore(%arg14 : memref<!tpu.dma_semaphore, #tpu.memory_space<semaphore_mem>>) src(%dma_wait3A_86 : memref<80x128xf32, #tpu.memory_space<vmem>>) dst(%dma_wait3A_92 : memref<10000x128xf32, #tpu.memory_space<vmem_shared>>)
    %barrier3A_93 = arith.constant 0 : index
    tpu.barrier barrier_id(%barrier3A_93)
    %mul3A_94 = arith.constant 624 : i32
    %mul3A_95 = arith.muli %arg1, %mul3A_94 : i32
    %mul3A_96 = arith.constant 624 : i32
    %mul3A_97 = arith.muli %arg1, %mul3A_96 : i32
    "tpu.region"() ({
      %run_scoped3A_103 = tpu.sem_alloc : memref<!tpu.dma_semaphore, #tpu.memory_space<semaphore_mem>>
      %dma_start3A_104 = arith.constant 0 : i32
      %dma_start3A_105 = tpu.memref_slice %arg6[%arg0, %mul3A_97, %dma_start3A_104] : memref<2x10000x128xf32, #tpu.memory_space<hbm>> -> memref<1x624x128xf32, #tpu.memory_space<hbm>>
      %dma_start3A_106 = tpu.memref_squeeze %dma_start3A_105 : memref<1x624x128xf32, #tpu.memory_space<hbm>> -> memref<624x128xf32, #tpu.memory_space<hbm>>
      %dma_start3A_107 = arith.constant 0 : i32
      %dma_start3A_108 = tpu.memref_slice %arg11[%mul3A_95, %dma_start3A_107] : memref<10000x128xf32, #tpu.memory_space<vmem_shared>> -> memref<624x128xf32, #tpu.memory_space<vmem_shared>>
      tpu.enqueue_dma source(%dma_start3A_108 : memref<624x128xf32, #tpu.memory_space<vmem_shared>>) target(%dma_start3A_106 : memref<624x128xf32, #tpu.memory_space<hbm>>) target_semaphore(%run_scoped3A_103 : memref<!tpu.dma_semaphore, #tpu.memory_space<semaphore_mem>>)
      %dma_wait3A_109 = arith.constant 0 : i32
      %dma_wait3A_110 = tpu.memref_slice %arg6[%arg0, %mul3A_97, %dma_wait3A_109] : memref<2x10000x128xf32, #tpu.memory_space<hbm>> -> memref<1x624x128xf32, #tpu.memory_space<hbm>>
      %dma_wait3A_111 = tpu.memref_squeeze %dma_wait3A_110 : memref<1x624x128xf32, #tpu.memory_space<hbm>> -> memref<624x128xf32, #tpu.memory_space<hbm>>
      %dma_wait3A_112 = arith.constant 0 : i32
      %dma_wait3A_113 = tpu.memref_slice %arg11[%mul3A_95, %dma_wait3A_112] : memref<10000x128xf32, #tpu.memory_space<vmem_shared>> -> memref<624x128xf32, #tpu.memory_space<vmem_shared>>
      tpu.wait_dma2 semaphore(%run_scoped3A_103 : memref<!tpu.dma_semaphore, #tpu.memory_space<semaphore_mem>>) src(%dma_wait3A_113 : memref<624x128xf32, #tpu.memory_space<vmem_shared>>) dst(%dma_wait3A_111 : memref<624x128xf32, #tpu.memory_space<hbm>>)
      tpu.yield
    }) : () -> ()
    %eq3A_98 = arith.constant 0 : i32
    %eq3A_99 = arith.cmpi eq, %arg1, %eq3A_98 : i32
    %convert_element_type3A_100 = arith.extui %eq3A_99 : i1 to i32
    %cond3A_101 = arith.constant 0 : i32
    %cond3A_102 = arith.cmpi ne, %convert_element_type3A_100, %cond3A_101 : i32
    scf.if %cond3A_102 {
      "tpu.region"() ({
        %run_scoped3A_103 = tpu.sem_alloc : memref<!tpu.dma_semaphore, #tpu.memory_space<semaphore_mem>>
        %dma_start3A_104 = arith.constant 9984 : i32
        %dma_start3A_105 = arith.constant 0 : i32
        %dma_start3A_106 = tpu.memref_slice %arg6[%arg0, %dma_start3A_104, %dma_start3A_105] : memref<2x10000x128xf32, #tpu.memory_space<hbm>> -> memref<1x16x128xf32, #tpu.memory_space<hbm>>
        %dma_start3A_107 = tpu.memref_squeeze %dma_start3A_106 : memref<1x16x128xf32, #tpu.memory_space<hbm>> -> memref<16x128xf32, #tpu.memory_space<hbm>>
        %dma_start3A_108 = arith.constant 9984 : i32
        %dma_start3A_109 = arith.constant 0 : i32
        %dma_start3A_110 = tpu.memref_slice %arg11[%dma_start3A_108, %dma_start3A_109] : memref<10000x128xf32, #tpu.memory_space<vmem_shared>> -> memref<16x128xf32, #tpu.memory_space<vmem_shared>>
        tpu.enqueue_dma source(%dma_start3A_110 : memref<16x128xf32, #tpu.memory_space<vmem_shared>>) target(%dma_start3A_107 : memref<16x128xf32, #tpu.memory_space<hbm>>) target_semaphore(%run_scoped3A_103 : memref<!tpu.dma_semaphore, #tpu.memory_space<semaphore_mem>>)
        %dma_wait3A_111 = arith.constant 9984 : i32
        %dma_wait3A_112 = arith.constant 0 : i32
        %dma_wait3A_113 = tpu.memref_slice %arg6[%arg0, %dma_wait3A_111, %dma_wait3A_112] : memref<2x10000x128xf32, #tpu.memory_space<hbm>> -> memref<1x16x128xf32, #tpu.memory_space<hbm>>
        %dma_wait3A_114 = tpu.memref_squeeze %dma_wait3A_113 : memref<1x16x128xf32, #tpu.memory_space<hbm>> -> memref<16x128xf32, #tpu.memory_space<hbm>>
        %dma_wait3A_115 = arith.constant 9984 : i32
        %dma_wait3A_116 = arith.constant 0 : i32
        %dma_wait3A_117 = tpu.memref_slice %arg11[%dma_wait3A_115, %dma_wait3A_116] : memref<10000x128xf32, #tpu.memory_space<vmem_shared>> -> memref<16x128xf32, #tpu.memory_space<vmem_shared>>
        tpu.wait_dma2 semaphore(%run_scoped3A_103 : memref<!tpu.dma_semaphore, #tpu.memory_space<semaphore_mem>>) src(%dma_wait3A_117 : memref<16x128xf32, #tpu.memory_space<vmem_shared>>) dst(%dma_wait3A_114 : memref<16x128xf32, #tpu.memory_space<hbm>>)
        tpu.yield
      }) : () -> ()
    } else {
    }
    return
  }
}

#map = affine_map<(d0, d1) -> (0, 0)>
#map1 = affine_map<(d0, d1) -> (0)>
#map2 = affine_map<(d0, d1) -> (0, 0, 0)>
module attributes {stable_mosaic.version = 14 : i64} {
  func.func @_sc_layer_body(%arg0: i32, %arg1: i32, %arg2: memref<10000x128xf32, #tpu.memory_space<hbm>>, %arg3: memref<320000x128xf32, #tpu.memory_space<hbm>>, %arg4: memref<320000xi32, #tpu.memory_space<hbm>>, %arg5: memref<320000xi32, #tpu.memory_space<hbm>>, %arg6: memref<2x10000x128xf32, #tpu.memory_space<hbm>>, %arg7: memref<2x80xi32, #tpu.memory_space<vmem>>, %arg8: memref<2x80xi32, #tpu.memory_space<vmem>>, %arg9: memref<2x80x128xf32, #tpu.memory_space<vmem>>, %arg10: memref<80x128xf32, #tpu.memory_space<vmem>>, %arg11: memref<10000x128xf32, #tpu.memory_space<vmem_shared>>, %arg12: memref<!tpu.dma_semaphore, #tpu.memory_space<semaphore_mem>>, %arg13: memref<!tpu.dma_semaphore, #tpu.memory_space<semaphore_mem>>, %arg14: memref<!tpu.dma_semaphore, #tpu.memory_space<semaphore_mem>>) attributes {dimension_semantics = [#tpu.dimension_semantics<core_parallel>, #tpu.dimension_semantics<subcore_parallel>], iteration_bounds = array<i64: 2, 16>, scalar_prefetch = 0 : i64, scratch_operands = 8 : i64, tpu.core_type = #tpu.core_type<sc_vector_subcore>, window_params = [{transform_indices = #map}, {transform_indices = #map}, {transform_indices = #map1}, {transform_indices = #map1}, {transform_indices = #map2}]} {
    %mul3A = arith.constant 16 : i32
    %mul3A_0 = arith.muli %arg0, %mul3A : i32
    %add3A = arith.addi %mul3A_0, %arg1 : i32
    %mul3A_1 = arith.constant 624 : i32
    %mul3A_2 = arith.muli %arg1, %mul3A_1 : i32
    %mul3A_3 = arith.constant 624 : i32
    %mul3A_4 = arith.muli %arg1, %mul3A_3 : i32
    "tpu.region"() ({
      %run_scoped3A_103 = tpu.sem_alloc : memref<!tpu.dma_semaphore, #tpu.memory_space<semaphore_mem>>
      %dma_start3A_104 = arith.constant 0 : i32
      %dma_start3A_105 = tpu.memref_slice %arg11[%mul3A_4, %dma_start3A_104] : memref<10000x128xf32, #tpu.memory_space<vmem_shared>> -> memref<624x128xf32, #tpu.memory_space<vmem_shared>>
      %dma_start3A_106 = arith.constant 0 : i32
      %dma_start3A_107 = tpu.memref_slice %arg2[%mul3A_2, %dma_start3A_106] : memref<10000x128xf32, #tpu.memory_space<hbm>> -> memref<624x128xf32, #tpu.memory_space<hbm>>
      tpu.enqueue_dma source(%dma_start3A_107 : memref<624x128xf32, #tpu.memory_space<hbm>>) target(%dma_start3A_105 : memref<624x128xf32, #tpu.memory_space<vmem_shared>>) target_semaphore(%run_scoped3A_103 : memref<!tpu.dma_semaphore, #tpu.memory_space<semaphore_mem>>)
      %dma_wait3A_108 = arith.constant 0 : i32
      %dma_wait3A_109 = tpu.memref_slice %arg11[%mul3A_4, %dma_wait3A_108] : memref<10000x128xf32, #tpu.memory_space<vmem_shared>> -> memref<624x128xf32, #tpu.memory_space<vmem_shared>>
      %dma_wait3A_110 = arith.constant 0 : i32
      %dma_wait3A_111 = tpu.memref_slice %arg2[%mul3A_2, %dma_wait3A_110] : memref<10000x128xf32, #tpu.memory_space<hbm>> -> memref<624x128xf32, #tpu.memory_space<hbm>>
      tpu.wait_dma2 semaphore(%run_scoped3A_103 : memref<!tpu.dma_semaphore, #tpu.memory_space<semaphore_mem>>) src(%dma_wait3A_111 : memref<624x128xf32, #tpu.memory_space<hbm>>) dst(%dma_wait3A_109 : memref<624x128xf32, #tpu.memory_space<vmem_shared>>)
      tpu.yield
    }) : () -> ()
    %eq3A = arith.constant 0 : i32
    %eq3A_5 = arith.cmpi eq, %arg1, %eq3A : i32
    %convert_element_type3A = arith.extui %eq3A_5 : i1 to i32
    %cond3A = arith.constant 0 : i32
    %cond3A_6 = arith.cmpi ne, %convert_element_type3A, %cond3A : i32
    scf.if %cond3A_6 {
      "tpu.region"() ({
        %run_scoped3A_103 = tpu.sem_alloc : memref<!tpu.dma_semaphore, #tpu.memory_space<semaphore_mem>>
        %dma_start3A_104 = arith.constant 9984 : i32
        %dma_start3A_105 = arith.constant 0 : i32
        %dma_start3A_106 = tpu.memref_slice %arg11[%dma_start3A_104, %dma_start3A_105] : memref<10000x128xf32, #tpu.memory_space<vmem_shared>> -> memref<16x128xf32, #tpu.memory_space<vmem_shared>>
        %dma_start3A_107 = arith.constant 9984 : i32
        %dma_start3A_108 = arith.constant 0 : i32
        %dma_start3A_109 = tpu.memref_slice %arg2[%dma_start3A_107, %dma_start3A_108] : memref<10000x128xf32, #tpu.memory_space<hbm>> -> memref<16x128xf32, #tpu.memory_space<hbm>>
        tpu.enqueue_dma source(%dma_start3A_109 : memref<16x128xf32, #tpu.memory_space<hbm>>) target(%dma_start3A_106 : memref<16x128xf32, #tpu.memory_space<vmem_shared>>) target_semaphore(%run_scoped3A_103 : memref<!tpu.dma_semaphore, #tpu.memory_space<semaphore_mem>>)
        %dma_wait3A_110 = arith.constant 9984 : i32
        %dma_wait3A_111 = arith.constant 0 : i32
        %dma_wait3A_112 = tpu.memref_slice %arg11[%dma_wait3A_110, %dma_wait3A_111] : memref<10000x128xf32, #tpu.memory_space<vmem_shared>> -> memref<16x128xf32, #tpu.memory_space<vmem_shared>>
        %dma_wait3A_113 = arith.constant 9984 : i32
        %dma_wait3A_114 = arith.constant 0 : i32
        %dma_wait3A_115 = tpu.memref_slice %arg2[%dma_wait3A_113, %dma_wait3A_114] : memref<10000x128xf32, #tpu.memory_space<hbm>> -> memref<16x128xf32, #tpu.memory_space<hbm>>
        tpu.wait_dma2 semaphore(%run_scoped3A_103 : memref<!tpu.dma_semaphore, #tpu.memory_space<semaphore_mem>>) src(%dma_wait3A_115 : memref<16x128xf32, #tpu.memory_space<hbm>>) dst(%dma_wait3A_112 : memref<16x128xf32, #tpu.memory_space<vmem_shared>>)
        tpu.yield
      }) : () -> ()
    } else {
    }
    %barrier3A = arith.constant 0 : index
    tpu.barrier barrier_id(%barrier3A)
    %scan3A = arith.constant 0 : i32
    %scan3A_7 = arith.constant 0 : i32
    %scan3A_8 = arith.constant 62 : i32
    %scan3A_9 = arith.addi %scan3A_7, %scan3A_8 : i32
    %scan3A_10 = arith.constant 1 : i32
    scf.for %scan3A_103 = %scan3A_7 to %scan3A_9 step %scan3A_10  : i32 {
      %mul3A_104 = arith.constant 2 : i32
      %mul3A_105 = arith.muli %mul3A_104, %scan3A_103 : i32
      %mul3A_106 = arith.constant 10000 : i32
      %mul3A_107 = arith.muli %add3A, %mul3A_106 : i32
      %mul3A_108 = arith.constant 80 : i32
      %mul3A_109 = arith.muli %mul3A_105, %mul3A_108 : i32
      %add3A_110 = arith.addi %mul3A_107, %mul3A_109 : i32
      %ge3A = arith.constant 2 : i32
      %ge3A_111 = arith.cmpi sge, %mul3A_105, %ge3A : i32
      %convert_element_type3A_112 = arith.extui %ge3A_111 : i1 to i32
      %cond3A_113 = arith.constant 0 : i32
      %cond3A_114 = arith.cmpi ne, %convert_element_type3A_112, %cond3A_113 : i32
      scf.if %cond3A_114 {
        %dma_wait3A_217 = arith.constant 0 : i32
        %dma_wait3A_218 = arith.constant 0 : i32
        %dma_wait3A_219 = arith.constant 0 : i32
        %dma_wait3A_220 = arith.constant 0 : i32
        %dma_wait3A_221 = tpu.memref_slice %arg9[%dma_wait3A_217, %dma_wait3A_219, %dma_wait3A_220] : memref<2x80x128xf32, #tpu.memory_space<vmem>> -> memref<1x80x128xf32, #tpu.memory_space<vmem>>
        %dma_wait3A_222 = tpu.memref_squeeze %dma_wait3A_221 : memref<1x80x128xf32, #tpu.memory_space<vmem>> -> memref<80x128xf32, #tpu.memory_space<vmem>>
        %dma_wait3A_223 = arith.constant 0 : i32
        %dma_wait3A_224 = tpu.memref_slice %arg8[%dma_wait3A_218, %dma_wait3A_223] : memref<2x80xi32, #tpu.memory_space<vmem>> -> memref<1x80xi32, #tpu.memory_space<vmem>>
        %dma_wait3A_225 = tpu.memref_squeeze %dma_wait3A_224 : memref<1x80xi32, #tpu.memory_space<vmem>> -> memref<80xi32, #tpu.memory_space<vmem>>
        %dma_wait3A_226 = arith.constant 0 : i32
        %dma_wait3A_227 = arith.constant 0 : i32
        %dma_wait3A_228 = tpu.memref_slice %arg11[%dma_wait3A_226, %dma_wait3A_227] : memref<10000x128xf32, #tpu.memory_space<vmem_shared>> -> memref<10000x128xf32, #tpu.memory_space<vmem_shared>>
        tpu.wait_indirect_dma semaphore(%arg13 : memref<!tpu.dma_semaphore, #tpu.memory_space<semaphore_mem>>) src(%dma_wait3A_222 : memref<80x128xf32, #tpu.memory_space<vmem>>) dst(%dma_wait3A_228 : memref<10000x128xf32, #tpu.memory_space<vmem_shared>>)
      } else {
      }
      %run_scoped3A_115 = arith.constant 0 : i32
      "tpu.region"() ({
        %run_scoped3A_217 = tpu.sem_alloc : memref<!tpu.dma_semaphore, #tpu.memory_space<semaphore_mem>>
        %dma_start3A_218 = arith.constant 0 : i32
        %dma_start3A_219 = tpu.memref_slice %arg7[%run_scoped3A_115, %dma_start3A_218] : memref<2x80xi32, #tpu.memory_space<vmem>> -> memref<1x80xi32, #tpu.memory_space<vmem>>
        %dma_start3A_220 = tpu.memref_squeeze %dma_start3A_219 : memref<1x80xi32, #tpu.memory_space<vmem>> -> memref<80xi32, #tpu.memory_space<vmem>>
        %dma_start3A_221 = tpu.memref_slice %arg4[%add3A_110] : memref<320000xi32, #tpu.memory_space<hbm>> -> memref<80xi32, #tpu.memory_space<hbm>>
        %dma_start3A_222 = arith.constant 0 : i32
        %dma_start3A_223 = tpu.memref_slice %arg7[%run_scoped3A_115, %dma_start3A_222] : memref<2x80xi32, #tpu.memory_space<vmem>> -> memref<1x80xi32, #tpu.memory_space<vmem>>
        %dma_start3A_224 = tpu.memref_squeeze %dma_start3A_223 : memref<1x80xi32, #tpu.memory_space<vmem>> -> memref<80xi32, #tpu.memory_space<vmem>>
        %dma_start3A_225 = tpu.memref_slice %arg4[%add3A_110] : memref<320000xi32, #tpu.memory_space<hbm>> -> memref<80xi32, #tpu.memory_space<hbm>>
        tpu.enqueue_dma source(%dma_start3A_225 : memref<80xi32, #tpu.memory_space<hbm>>) target(%dma_start3A_224 : memref<80xi32, #tpu.memory_space<vmem>>) target_semaphore(%run_scoped3A_217 : memref<!tpu.dma_semaphore, #tpu.memory_space<semaphore_mem>>)
        %dma_wait3A_226 = arith.constant 0 : i32
        %dma_wait3A_227 = tpu.memref_slice %arg7[%run_scoped3A_115, %dma_wait3A_226] : memref<2x80xi32, #tpu.memory_space<vmem>> -> memref<1x80xi32, #tpu.memory_space<vmem>>
        %dma_wait3A_228 = tpu.memref_squeeze %dma_wait3A_227 : memref<1x80xi32, #tpu.memory_space<vmem>> -> memref<80xi32, #tpu.memory_space<vmem>>
        %dma_wait3A_229 = tpu.memref_slice %arg4[%add3A_110] : memref<320000xi32, #tpu.memory_space<hbm>> -> memref<80xi32, #tpu.memory_space<hbm>>
        %dma_wait3A_230 = arith.constant 0 : i32
        %dma_wait3A_231 = tpu.memref_slice %arg7[%run_scoped3A_115, %dma_wait3A_230] : memref<2x80xi32, #tpu.memory_space<vmem>> -> memref<1x80xi32, #tpu.memory_space<vmem>>
        %dma_wait3A_232 = tpu.memref_squeeze %dma_wait3A_231 : memref<1x80xi32, #tpu.memory_space<vmem>> -> memref<80xi32, #tpu.memory_space<vmem>>
        %dma_wait3A_233 = tpu.memref_slice %arg4[%add3A_110] : memref<320000xi32, #tpu.memory_space<hbm>> -> memref<80xi32, #tpu.memory_space<hbm>>
        tpu.wait_dma2 semaphore(%run_scoped3A_217 : memref<!tpu.dma_semaphore, #tpu.memory_space<semaphore_mem>>) src(%dma_wait3A_233 : memref<80xi32, #tpu.memory_space<hbm>>) dst(%dma_wait3A_232 : memref<80xi32, #tpu.memory_space<vmem>>)
        tpu.yield
      }) : () -> ()
      %run_scoped3A_116 = arith.constant 0 : i32
      "tpu.region"() ({
        %run_scoped3A_217 = tpu.sem_alloc : memref<!tpu.dma_semaphore, #tpu.memory_space<semaphore_mem>>
        %dma_start3A_218 = arith.constant 0 : i32
        %dma_start3A_219 = tpu.memref_slice %arg8[%run_scoped3A_116, %dma_start3A_218] : memref<2x80xi32, #tpu.memory_space<vmem>> -> memref<1x80xi32, #tpu.memory_space<vmem>>
        %dma_start3A_220 = tpu.memref_squeeze %dma_start3A_219 : memref<1x80xi32, #tpu.memory_space<vmem>> -> memref<80xi32, #tpu.memory_space<vmem>>
        %dma_start3A_221 = tpu.memref_slice %arg5[%add3A_110] : memref<320000xi32, #tpu.memory_space<hbm>> -> memref<80xi32, #tpu.memory_space<hbm>>
        %dma_start3A_222 = arith.constant 0 : i32
        %dma_start3A_223 = tpu.memref_slice %arg8[%run_scoped3A_116, %dma_start3A_222] : memref<2x80xi32, #tpu.memory_space<vmem>> -> memref<1x80xi32, #tpu.memory_space<vmem>>
        %dma_start3A_224 = tpu.memref_squeeze %dma_start3A_223 : memref<1x80xi32, #tpu.memory_space<vmem>> -> memref<80xi32, #tpu.memory_space<vmem>>
        %dma_start3A_225 = tpu.memref_slice %arg5[%add3A_110] : memref<320000xi32, #tpu.memory_space<hbm>> -> memref<80xi32, #tpu.memory_space<hbm>>
        tpu.enqueue_dma source(%dma_start3A_225 : memref<80xi32, #tpu.memory_space<hbm>>) target(%dma_start3A_224 : memref<80xi32, #tpu.memory_space<vmem>>) target_semaphore(%run_scoped3A_217 : memref<!tpu.dma_semaphore, #tpu.memory_space<semaphore_mem>>)
        %dma_wait3A_226 = arith.constant 0 : i32
        %dma_wait3A_227 = tpu.memref_slice %arg8[%run_scoped3A_116, %dma_wait3A_226] : memref<2x80xi32, #tpu.memory_space<vmem>> -> memref<1x80xi32, #tpu.memory_space<vmem>>
        %dma_wait3A_228 = tpu.memref_squeeze %dma_wait3A_227 : memref<1x80xi32, #tpu.memory_space<vmem>> -> memref<80xi32, #tpu.memory_space<vmem>>
        %dma_wait3A_229 = tpu.memref_slice %arg5[%add3A_110] : memref<320000xi32, #tpu.memory_space<hbm>> -> memref<80xi32, #tpu.memory_space<hbm>>
        %dma_wait3A_230 = arith.constant 0 : i32
        %dma_wait3A_231 = tpu.memref_slice %arg8[%run_scoped3A_116, %dma_wait3A_230] : memref<2x80xi32, #tpu.memory_space<vmem>> -> memref<1x80xi32, #tpu.memory_space<vmem>>
        %dma_wait3A_232 = tpu.memref_squeeze %dma_wait3A_231 : memref<1x80xi32, #tpu.memory_space<vmem>> -> memref<80xi32, #tpu.memory_space<vmem>>
        %dma_wait3A_233 = tpu.memref_slice %arg5[%add3A_110] : memref<320000xi32, #tpu.memory_space<hbm>> -> memref<80xi32, #tpu.memory_space<hbm>>
        tpu.wait_dma2 semaphore(%run_scoped3A_217 : memref<!tpu.dma_semaphore, #tpu.memory_space<semaphore_mem>>) src(%dma_wait3A_233 : memref<80xi32, #tpu.memory_space<hbm>>) dst(%dma_wait3A_232 : memref<80xi32, #tpu.memory_space<vmem>>)
        tpu.yield
      }) : () -> ()
      %dma_start3A_117 = arith.constant 0 : i32
      %dma_start3A_118 = arith.constant 0 : i32
      %dma_start3A_119 = arith.constant 0 : i32
      %dma_start3A_120 = arith.constant 0 : i32
      %dma_start3A_121 = tpu.memref_slice %arg9[%dma_start3A_118, %dma_start3A_119, %dma_start3A_120] : memref<2x80x128xf32, #tpu.memory_space<vmem>> -> memref<1x80x128xf32, #tpu.memory_space<vmem>>
      %dma_start3A_122 = tpu.memref_squeeze %dma_start3A_121 : memref<1x80x128xf32, #tpu.memory_space<vmem>> -> memref<80x128xf32, #tpu.memory_space<vmem>>
      %dma_start3A_123 = arith.constant 0 : i32
      %dma_start3A_124 = tpu.memref_slice %arg7[%dma_start3A_117, %dma_start3A_123] : memref<2x80xi32, #tpu.memory_space<vmem>> -> memref<1x80xi32, #tpu.memory_space<vmem>>
      %dma_start3A_125 = tpu.memref_squeeze %dma_start3A_124 : memref<1x80xi32, #tpu.memory_space<vmem>> -> memref<80xi32, #tpu.memory_space<vmem>>
      %dma_start3A_126 = arith.constant 0 : i32
      %dma_start3A_127 = arith.constant 0 : i32
      %dma_start3A_128 = tpu.memref_slice %arg2[%dma_start3A_126, %dma_start3A_127] : memref<10000x128xf32, #tpu.memory_space<hbm>> -> memref<10000x128xf32, #tpu.memory_space<hbm>>
      tpu.enqueue_indirect_dma source(%dma_start3A_128 : memref<10000x128xf32, #tpu.memory_space<hbm>>) target(%dma_start3A_122 : memref<80x128xf32, #tpu.memory_space<vmem>>) offsets(%dma_start3A_125 : memref<80xi32, #tpu.memory_space<vmem>>) semaphore(%arg12 : memref<!tpu.dma_semaphore, #tpu.memory_space<semaphore_mem>>)
      "tpu.region"() ({
        %run_scoped3A_217 = tpu.sem_alloc : memref<!tpu.dma_semaphore, #tpu.memory_space<semaphore_mem>>
        %dma_start3A_218 = arith.constant 0 : i32
        %dma_start3A_219 = tpu.memref_slice %arg3[%add3A_110, %dma_start3A_218] : memref<320000x128xf32, #tpu.memory_space<hbm>> -> memref<80x128xf32, #tpu.memory_space<hbm>>
        %dma_start3A_220 = arith.constant 0 : i32
        %dma_start3A_221 = tpu.memref_slice %arg3[%add3A_110, %dma_start3A_220] : memref<320000x128xf32, #tpu.memory_space<hbm>> -> memref<80x128xf32, #tpu.memory_space<hbm>>
        tpu.enqueue_dma source(%dma_start3A_221 : memref<80x128xf32, #tpu.memory_space<hbm>>) target(%arg10 : memref<80x128xf32, #tpu.memory_space<vmem>>) target_semaphore(%run_scoped3A_217 : memref<!tpu.dma_semaphore, #tpu.memory_space<semaphore_mem>>)
        %dma_wait3A_222 = arith.constant 0 : i32
        %dma_wait3A_223 = tpu.memref_slice %arg3[%add3A_110, %dma_wait3A_222] : memref<320000x128xf32, #tpu.memory_space<hbm>> -> memref<80x128xf32, #tpu.memory_space<hbm>>
        %dma_wait3A_224 = arith.constant 0 : i32
        %dma_wait3A_225 = tpu.memref_slice %arg3[%add3A_110, %dma_wait3A_224] : memref<320000x128xf32, #tpu.memory_space<hbm>> -> memref<80x128xf32, #tpu.memory_space<hbm>>
        tpu.wait_dma2 semaphore(%run_scoped3A_217 : memref<!tpu.dma_semaphore, #tpu.memory_space<semaphore_mem>>) src(%dma_wait3A_225 : memref<80x128xf32, #tpu.memory_space<hbm>>) dst(%arg10 : memref<80x128xf32, #tpu.memory_space<vmem>>)
        tpu.yield
      }) : () -> ()
      %dma_wait3A_129 = arith.constant 0 : i32
      %dma_wait3A_130 = arith.constant 0 : i32
      %dma_wait3A_131 = arith.constant 0 : i32
      %dma_wait3A_132 = arith.constant 0 : i32
      %dma_wait3A_133 = tpu.memref_slice %arg9[%dma_wait3A_130, %dma_wait3A_131, %dma_wait3A_132] : memref<2x80x128xf32, #tpu.memory_space<vmem>> -> memref<1x80x128xf32, #tpu.memory_space<vmem>>
      %dma_wait3A_134 = tpu.memref_squeeze %dma_wait3A_133 : memref<1x80x128xf32, #tpu.memory_space<vmem>> -> memref<80x128xf32, #tpu.memory_space<vmem>>
      %dma_wait3A_135 = arith.constant 0 : i32
      %dma_wait3A_136 = tpu.memref_slice %arg7[%dma_wait3A_129, %dma_wait3A_135] : memref<2x80xi32, #tpu.memory_space<vmem>> -> memref<1x80xi32, #tpu.memory_space<vmem>>
      %dma_wait3A_137 = tpu.memref_squeeze %dma_wait3A_136 : memref<1x80xi32, #tpu.memory_space<vmem>> -> memref<80xi32, #tpu.memory_space<vmem>>
      %dma_wait3A_138 = arith.constant 0 : i32
      %dma_wait3A_139 = arith.constant 0 : i32
      %dma_wait3A_140 = tpu.memref_slice %arg2[%dma_wait3A_138, %dma_wait3A_139] : memref<10000x128xf32, #tpu.memory_space<hbm>> -> memref<10000x128xf32, #tpu.memory_space<hbm>>
      tpu.wait_indirect_dma semaphore(%arg12 : memref<!tpu.dma_semaphore, #tpu.memory_space<semaphore_mem>>) src(%dma_wait3A_140 : memref<10000x128xf32, #tpu.memory_space<hbm>>) dst(%dma_wait3A_134 : memref<80x128xf32, #tpu.memory_space<vmem>>)
      %scan3A_141 = arith.constant 0 : i32
      %scan3A_142 = arith.constant 0 : i32
      %scan3A_143 = arith.constant 80 : i32
      %scan3A_144 = arith.addi %scan3A_142, %scan3A_143 : i32
      %scan3A_145 = arith.constant 1 : i32
      scf.for %scan3A_217 = %scan3A_142 to %scan3A_144 step %scan3A_145  : i32 {
        %get3A = arith.constant 0 : i32
        %get3A_218 = arith.index_cast %get3A : i32 to index
        %get3A_219 = arith.index_cast %scan3A_217 : i32 to index
        %get3A_220 = arith.constant 0 : index
        %get3A_221 = tpu.vector_load %arg9[%get3A_218, %get3A_219, %get3A_220] {strides = array<i32>} : memref<2x80x128xf32, #tpu.memory_space<vmem>>, vector<1x1x16xf32>,
        %get3A_222 = vector.shape_cast %get3A_221 : vector<1x1x16xf32> to vector<16xf32>
        %get3A_223 = arith.index_cast %scan3A_217 : i32 to index
        %get3A_224 = arith.constant 0 : index
        %get3A_225 = tpu.vector_load %arg10[%get3A_223, %get3A_224] {strides = array<i32>} : memref<80x128xf32, #tpu.memory_space<vmem>>, vector<1x16xf32>,
        %get3A_226 = vector.shape_cast %get3A_225 : vector<1x16xf32> to vector<16xf32>
        %mul3A_227 = arith.mulf %get3A_222, %get3A_226 : vector<16xf32>
        %swap3A = arith.constant 0 : i32
        %swap3A_228 = arith.index_cast %swap3A : i32 to index
        %swap3A_229 = arith.index_cast %scan3A_217 : i32 to index
        %swap3A_230 = arith.constant 0 : index
        %swap3A_231 = tpu.vector_load %arg9[%swap3A_228, %swap3A_229, %swap3A_230] {strides = array<i32>} : memref<2x80x128xf32, #tpu.memory_space<vmem>>, vector<1x1x16xf32>,
        %swap3A_232 = vector.shape_cast %swap3A_231 : vector<1x1x16xf32> to vector<16xf32>
        %swap3A_233 = vector.shape_cast %mul3A_227 : vector<16xf32> to vector<1x1x16xf32>
        tpu.vector_store %arg9[%swap3A_228, %swap3A_229, %swap3A_230], %swap3A_233 {strides = array<i32>} : memref<2x80x128xf32, #tpu.memory_space<vmem>>, vector<1x1x16xf32>,
        %get3A_234 = arith.constant 0 : i32
        %get3A_235 = arith.index_cast %get3A_234 : i32 to index
        %get3A_236 = arith.index_cast %scan3A_217 : i32 to index
        %get3A_237 = arith.constant 16 : index
        %get3A_238 = tpu.vector_load %arg9[%get3A_235, %get3A_236, %get3A_237] {strides = array<i32>} : memref<2x80x128xf32, #tpu.memory_space<vmem>>, vector<1x1x16xf32>,
        %get3A_239 = vector.shape_cast %get3A_238 : vector<1x1x16xf32> to vector<16xf32>
        %get3A_240 = arith.index_cast %scan3A_217 : i32 to index
        %get3A_241 = arith.constant 16 : index
        %get3A_242 = tpu.vector_load %arg10[%get3A_240, %get3A_241] {strides = array<i32>} : memref<80x128xf32, #tpu.memory_space<vmem>>, vector<1x16xf32>,
        %get3A_243 = vector.shape_cast %get3A_242 : vector<1x16xf32> to vector<16xf32>
        %mul3A_244 = arith.mulf %get3A_239, %get3A_243 : vector<16xf32>
        %swap3A_245 = arith.constant 0 : i32
        %swap3A_246 = arith.index_cast %swap3A_245 : i32 to index
        %swap3A_247 = arith.index_cast %scan3A_217 : i32 to index
        %swap3A_248 = arith.constant 16 : index
        %swap3A_249 = tpu.vector_load %arg9[%swap3A_246, %swap3A_247, %swap3A_248] {strides = array<i32>} : memref<2x80x128xf32, #tpu.memory_space<vmem>>, vector<1x1x16xf32>,
        %swap3A_250 = vector.shape_cast %swap3A_249 : vector<1x1x16xf32> to vector<16xf32>
        %swap3A_251 = vector.shape_cast %mul3A_244 : vector<16xf32> to vector<1x1x16xf32>
        tpu.vector_store %arg9[%swap3A_246, %swap3A_247, %swap3A_248], %swap3A_251 {strides = array<i32>} : memref<2x80x128xf32, #tpu.memory_space<vmem>>, vector<1x1x16xf32>,
        %get3A_252 = arith.constant 0 : i32
        %get3A_253 = arith.index_cast %get3A_252 : i32 to index
        %get3A_254 = arith.index_cast %scan3A_217 : i32 to index
        %get3A_255 = arith.constant 32 : index
        %get3A_256 = tpu.vector_load %arg9[%get3A_253, %get3A_254, %get3A_255] {strides = array<i32>} : memref<2x80x128xf32, #tpu.memory_space<vmem>>, vector<1x1x16xf32>,
        %get3A_257 = vector.shape_cast %get3A_256 : vector<1x1x16xf32> to vector<16xf32>
        %get3A_258 = arith.index_cast %scan3A_217 : i32 to index
        %get3A_259 = arith.constant 32 : index
        %get3A_260 = tpu.vector_load %arg10[%get3A_258, %get3A_259] {strides = array<i32>} : memref<80x128xf32, #tpu.memory_space<vmem>>, vector<1x16xf32>,
        %get3A_261 = vector.shape_cast %get3A_260 : vector<1x16xf32> to vector<16xf32>
        %mul3A_262 = arith.mulf %get3A_257, %get3A_261 : vector<16xf32>
        %swap3A_263 = arith.constant 0 : i32
        %swap3A_264 = arith.index_cast %swap3A_263 : i32 to index
        %swap3A_265 = arith.index_cast %scan3A_217 : i32 to index
        %swap3A_266 = arith.constant 32 : index
        %swap3A_267 = tpu.vector_load %arg9[%swap3A_264, %swap3A_265, %swap3A_266] {strides = array<i32>} : memref<2x80x128xf32, #tpu.memory_space<vmem>>, vector<1x1x16xf32>,
        %swap3A_268 = vector.shape_cast %swap3A_267 : vector<1x1x16xf32> to vector<16xf32>
        %swap3A_269 = vector.shape_cast %mul3A_262 : vector<16xf32> to vector<1x1x16xf32>
        tpu.vector_store %arg9[%swap3A_264, %swap3A_265, %swap3A_266], %swap3A_269 {strides = array<i32>} : memref<2x80x128xf32, #tpu.memory_space<vmem>>, vector<1x1x16xf32>,
        %get3A_270 = arith.constant 0 : i32
        %get3A_271 = arith.index_cast %get3A_270 : i32 to index
        %get3A_272 = arith.index_cast %scan3A_217 : i32 to index
        %get3A_273 = arith.constant 48 : index
        %get3A_274 = tpu.vector_load %arg9[%get3A_271, %get3A_272, %get3A_273] {strides = array<i32>} : memref<2x80x128xf32, #tpu.memory_space<vmem>>, vector<1x1x16xf32>,
        %get3A_275 = vector.shape_cast %get3A_274 : vector<1x1x16xf32> to vector<16xf32>
        %get3A_276 = arith.index_cast %scan3A_217 : i32 to index
        %get3A_277 = arith.constant 48 : index
        %get3A_278 = tpu.vector_load %arg10[%get3A_276, %get3A_277] {strides = array<i32>} : memref<80x128xf32, #tpu.memory_space<vmem>>, vector<1x16xf32>,
        %get3A_279 = vector.shape_cast %get3A_278 : vector<1x16xf32> to vector<16xf32>
        %mul3A_280 = arith.mulf %get3A_275, %get3A_279 : vector<16xf32>
        %swap3A_281 = arith.constant 0 : i32
        %swap3A_282 = arith.index_cast %swap3A_281 : i32 to index
        %swap3A_283 = arith.index_cast %scan3A_217 : i32 to index
        %swap3A_284 = arith.constant 48 : index
        %swap3A_285 = tpu.vector_load %arg9[%swap3A_282, %swap3A_283, %swap3A_284] {strides = array<i32>} : memref<2x80x128xf32, #tpu.memory_space<vmem>>, vector<1x1x16xf32>,
        %swap3A_286 = vector.shape_cast %swap3A_285 : vector<1x1x16xf32> to vector<16xf32>
        %swap3A_287 = vector.shape_cast %mul3A_280 : vector<16xf32> to vector<1x1x16xf32>
        tpu.vector_store %arg9[%swap3A_282, %swap3A_283, %swap3A_284], %swap3A_287 {strides = array<i32>} : memref<2x80x128xf32, #tpu.memory_space<vmem>>, vector<1x1x16xf32>,
        %get3A_288 = arith.constant 0 : i32
        %get3A_289 = arith.index_cast %get3A_288 : i32 to index
        %get3A_290 = arith.index_cast %scan3A_217 : i32 to index
        %get3A_291 = arith.constant 64 : index
        %get3A_292 = tpu.vector_load %arg9[%get3A_289, %get3A_290, %get3A_291] {strides = array<i32>} : memref<2x80x128xf32, #tpu.memory_space<vmem>>, vector<1x1x16xf32>,
        %get3A_293 = vector.shape_cast %get3A_292 : vector<1x1x16xf32> to vector<16xf32>
        %get3A_294 = arith.index_cast %scan3A_217 : i32 to index
        %get3A_295 = arith.constant 64 : index
        %get3A_296 = tpu.vector_load %arg10[%get3A_294, %get3A_295] {strides = array<i32>} : memref<80x128xf32, #tpu.memory_space<vmem>>, vector<1x16xf32>,
        %get3A_297 = vector.shape_cast %get3A_296 : vector<1x16xf32> to vector<16xf32>
        %mul3A_298 = arith.mulf %get3A_293, %get3A_297 : vector<16xf32>
        %swap3A_299 = arith.constant 0 : i32
        %swap3A_300 = arith.index_cast %swap3A_299 : i32 to index
        %swap3A_301 = arith.index_cast %scan3A_217 : i32 to index
        %swap3A_302 = arith.constant 64 : index
        %swap3A_303 = tpu.vector_load %arg9[%swap3A_300, %swap3A_301, %swap3A_302] {strides = array<i32>} : memref<2x80x128xf32, #tpu.memory_space<vmem>>, vector<1x1x16xf32>,
        %swap3A_304 = vector.shape_cast %swap3A_303 : vector<1x1x16xf32> to vector<16xf32>
        %swap3A_305 = vector.shape_cast %mul3A_298 : vector<16xf32> to vector<1x1x16xf32>
        tpu.vector_store %arg9[%swap3A_300, %swap3A_301, %swap3A_302], %swap3A_305 {strides = array<i32>} : memref<2x80x128xf32, #tpu.memory_space<vmem>>, vector<1x1x16xf32>,
        %get3A_306 = arith.constant 0 : i32
        %get3A_307 = arith.index_cast %get3A_306 : i32 to index
        %get3A_308 = arith.index_cast %scan3A_217 : i32 to index
        %get3A_309 = arith.constant 80 : index
        %get3A_310 = tpu.vector_load %arg9[%get3A_307, %get3A_308, %get3A_309] {strides = array<i32>} : memref<2x80x128xf32, #tpu.memory_space<vmem>>, vector<1x1x16xf32>,
        %get3A_311 = vector.shape_cast %get3A_310 : vector<1x1x16xf32> to vector<16xf32>
        %get3A_312 = arith.index_cast %scan3A_217 : i32 to index
        %get3A_313 = arith.constant 80 : index
        %get3A_314 = tpu.vector_load %arg10[%get3A_312, %get3A_313] {strides = array<i32>} : memref<80x128xf32, #tpu.memory_space<vmem>>, vector<1x16xf32>,
        %get3A_315 = vector.shape_cast %get3A_314 : vector<1x16xf32> to vector<16xf32>
        %mul3A_316 = arith.mulf %get3A_311, %get3A_315 : vector<16xf32>
        %swap3A_317 = arith.constant 0 : i32
        %swap3A_318 = arith.index_cast %swap3A_317 : i32 to index
        %swap3A_319 = arith.index_cast %scan3A_217 : i32 to index
        %swap3A_320 = arith.constant 80 : index
        %swap3A_321 = tpu.vector_load %arg9[%swap3A_318, %swap3A_319, %swap3A_320] {strides = array<i32>} : memref<2x80x128xf32, #tpu.memory_space<vmem>>, vector<1x1x16xf32>,
        %swap3A_322 = vector.shape_cast %swap3A_321 : vector<1x1x16xf32> to vector<16xf32>
        %swap3A_323 = vector.shape_cast %mul3A_316 : vector<16xf32> to vector<1x1x16xf32>
        tpu.vector_store %arg9[%swap3A_318, %swap3A_319, %swap3A_320], %swap3A_323 {strides = array<i32>} : memref<2x80x128xf32, #tpu.memory_space<vmem>>, vector<1x1x16xf32>,
        %get3A_324 = arith.constant 0 : i32
        %get3A_325 = arith.index_cast %get3A_324 : i32 to index
        %get3A_326 = arith.index_cast %scan3A_217 : i32 to index
        %get3A_327 = arith.constant 96 : index
        %get3A_328 = tpu.vector_load %arg9[%get3A_325, %get3A_326, %get3A_327] {strides = array<i32>} : memref<2x80x128xf32, #tpu.memory_space<vmem>>, vector<1x1x16xf32>,
        %get3A_329 = vector.shape_cast %get3A_328 : vector<1x1x16xf32> to vector<16xf32>
        %get3A_330 = arith.index_cast %scan3A_217 : i32 to index
        %get3A_331 = arith.constant 96 : index
        %get3A_332 = tpu.vector_load %arg10[%get3A_330, %get3A_331] {strides = array<i32>} : memref<80x128xf32, #tpu.memory_space<vmem>>, vector<1x16xf32>,
        %get3A_333 = vector.shape_cast %get3A_332 : vector<1x16xf32> to vector<16xf32>
        %mul3A_334 = arith.mulf %get3A_329, %get3A_333 : vector<16xf32>
        %swap3A_335 = arith.constant 0 : i32
        %swap3A_336 = arith.index_cast %swap3A_335 : i32 to index
        %swap3A_337 = arith.index_cast %scan3A_217 : i32 to index
        %swap3A_338 = arith.constant 96 : index
        %swap3A_339 = tpu.vector_load %arg9[%swap3A_336, %swap3A_337, %swap3A_338] {strides = array<i32>} : memref<2x80x128xf32, #tpu.memory_space<vmem>>, vector<1x1x16xf32>,
        %swap3A_340 = vector.shape_cast %swap3A_339 : vector<1x1x16xf32> to vector<16xf32>
        %swap3A_341 = vector.shape_cast %mul3A_334 : vector<16xf32> to vector<1x1x16xf32>
        tpu.vector_store %arg9[%swap3A_336, %swap3A_337, %swap3A_338], %swap3A_341 {strides = array<i32>} : memref<2x80x128xf32, #tpu.memory_space<vmem>>, vector<1x1x16xf32>,
        %get3A_342 = arith.constant 0 : i32
        %get3A_343 = arith.index_cast %get3A_342 : i32 to index
        %get3A_344 = arith.index_cast %scan3A_217 : i32 to index
        %get3A_345 = arith.constant 112 : index
        %get3A_346 = tpu.vector_load %arg9[%get3A_343, %get3A_344, %get3A_345] {strides = array<i32>} : memref<2x80x128xf32, #tpu.memory_space<vmem>>, vector<1x1x16xf32>,
        %get3A_347 = vector.shape_cast %get3A_346 : vector<1x1x16xf32> to vector<16xf32>
        %get3A_348 = arith.index_cast %scan3A_217 : i32 to index
        %get3A_349 = arith.constant 112 : index
        %get3A_350 = tpu.vector_load %arg10[%get3A_348, %get3A_349] {strides = array<i32>} : memref<80x128xf32, #tpu.memory_space<vmem>>, vector<1x16xf32>,
        %get3A_351 = vector.shape_cast %get3A_350 : vector<1x16xf32> to vector<16xf32>
        %mul3A_352 = arith.mulf %get3A_347, %get3A_351 : vector<16xf32>
        %swap3A_353 = arith.constant 0 : i32
        %swap3A_354 = arith.index_cast %swap3A_353 : i32 to index
        %swap3A_355 = arith.index_cast %scan3A_217 : i32 to index
        %swap3A_356 = arith.constant 112 : index
        %swap3A_357 = tpu.vector_load %arg9[%swap3A_354, %swap3A_355, %swap3A_356] {strides = array<i32>} : memref<2x80x128xf32, #tpu.memory_space<vmem>>, vector<1x1x16xf32>,
        %swap3A_358 = vector.shape_cast %swap3A_357 : vector<1x1x16xf32> to vector<16xf32>
        %swap3A_359 = vector.shape_cast %mul3A_352 : vector<16xf32> to vector<1x1x16xf32>
        tpu.vector_store %arg9[%swap3A_354, %swap3A_355, %swap3A_356], %swap3A_359 {strides = array<i32>} : memref<2x80x128xf32, #tpu.memory_space<vmem>>, vector<1x1x16xf32>,
      }
      %scan3A_146 = arith.constant 80 : i32
      %dma_start3A_147 = arith.constant 0 : i32
      %dma_start3A_148 = arith.constant 0 : i32
      %dma_start3A_149 = arith.constant 0 : i32
      %dma_start3A_150 = arith.constant 0 : i32
      %dma_start3A_151 = tpu.memref_slice %arg9[%dma_start3A_147, %dma_start3A_149, %dma_start3A_150] : memref<2x80x128xf32, #tpu.memory_space<vmem>> -> memref<1x80x128xf32, #tpu.memory_space<vmem>>
      %dma_start3A_152 = tpu.memref_squeeze %dma_start3A_151 : memref<1x80x128xf32, #tpu.memory_space<vmem>> -> memref<80x128xf32, #tpu.memory_space<vmem>>
      %dma_start3A_153 = arith.constant 0 : i32
      %dma_start3A_154 = tpu.memref_slice %arg8[%dma_start3A_148, %dma_start3A_153] : memref<2x80xi32, #tpu.memory_space<vmem>> -> memref<1x80xi32, #tpu.memory_space<vmem>>
      %dma_start3A_155 = tpu.memref_squeeze %dma_start3A_154 : memref<1x80xi32, #tpu.memory_space<vmem>> -> memref<80xi32, #tpu.memory_space<vmem>>
      %dma_start3A_156 = arith.constant 0 : i32
      %dma_start3A_157 = arith.constant 0 : i32
      %dma_start3A_158 = tpu.memref_slice %arg11[%dma_start3A_156, %dma_start3A_157] : memref<10000x128xf32, #tpu.memory_space<vmem_shared>> -> memref<10000x128xf32, #tpu.memory_space<vmem_shared>>
      tpu.enqueue_indirect_dma source(%dma_start3A_152 : memref<80x128xf32, #tpu.memory_space<vmem>>) target(%dma_start3A_158 : memref<10000x128xf32, #tpu.memory_space<vmem_shared>>) offsets(%dma_start3A_155 : memref<80xi32, #tpu.memory_space<vmem>>) semaphore(%arg13 : memref<!tpu.dma_semaphore, #tpu.memory_space<semaphore_mem>>) {add = true}
      %mul3A_159 = arith.constant 2 : i32
      %mul3A_160 = arith.muli %mul3A_159, %scan3A_103 : i32
      %add3A_161 = arith.constant 1 : i32
      %add3A_162 = arith.addi %mul3A_160, %add3A_161 : i32
      %mul3A_163 = arith.constant 10000 : i32
      %mul3A_164 = arith.muli %add3A, %mul3A_163 : i32
      %mul3A_165 = arith.constant 80 : i32
      %mul3A_166 = arith.muli %add3A_162, %mul3A_165 : i32
      %add3A_167 = arith.addi %mul3A_164, %mul3A_166 : i32
      %ge3A_168 = arith.constant 2 : i32
      %ge3A_169 = arith.cmpi sge, %add3A_162, %ge3A_168 : i32
      %convert_element_type3A_170 = arith.extui %ge3A_169 : i1 to i32
      %cond3A_171 = arith.constant 0 : i32
      %cond3A_172 = arith.cmpi ne, %convert_element_type3A_170, %cond3A_171 : i32
      scf.if %cond3A_172 {
        %dma_wait3A_217 = arith.constant 1 : i32
        %dma_wait3A_218 = arith.constant 1 : i32
        %dma_wait3A_219 = arith.constant 0 : i32
        %dma_wait3A_220 = arith.constant 0 : i32
        %dma_wait3A_221 = tpu.memref_slice %arg9[%dma_wait3A_217, %dma_wait3A_219, %dma_wait3A_220] : memref<2x80x128xf32, #tpu.memory_space<vmem>> -> memref<1x80x128xf32, #tpu.memory_space<vmem>>
        %dma_wait3A_222 = tpu.memref_squeeze %dma_wait3A_221 : memref<1x80x128xf32, #tpu.memory_space<vmem>> -> memref<80x128xf32, #tpu.memory_space<vmem>>
        %dma_wait3A_223 = arith.constant 0 : i32
        %dma_wait3A_224 = tpu.memref_slice %arg8[%dma_wait3A_218, %dma_wait3A_223] : memref<2x80xi32, #tpu.memory_space<vmem>> -> memref<1x80xi32, #tpu.memory_space<vmem>>
        %dma_wait3A_225 = tpu.memref_squeeze %dma_wait3A_224 : memref<1x80xi32, #tpu.memory_space<vmem>> -> memref<80xi32, #tpu.memory_space<vmem>>
        %dma_wait3A_226 = arith.constant 0 : i32
        %dma_wait3A_227 = arith.constant 0 : i32
        %dma_wait3A_228 = tpu.memref_slice %arg11[%dma_wait3A_226, %dma_wait3A_227] : memref<10000x128xf32, #tpu.memory_space<vmem_shared>> -> memref<10000x128xf32, #tpu.memory_space<vmem_shared>>
        tpu.wait_indirect_dma semaphore(%arg14 : memref<!tpu.dma_semaphore, #tpu.memory_space<semaphore_mem>>) src(%dma_wait3A_222 : memref<80x128xf32, #tpu.memory_space<vmem>>) dst(%dma_wait3A_228 : memref<10000x128xf32, #tpu.memory_space<vmem_shared>>)
      } else {
      }
      %run_scoped3A_173 = arith.constant 1 : i32
      "tpu.region"() ({
        %run_scoped3A_217 = tpu.sem_alloc : memref<!tpu.dma_semaphore, #tpu.memory_space<semaphore_mem>>
        %dma_start3A_218 = arith.constant 0 : i32
        %dma_start3A_219 = tpu.memref_slice %arg7[%run_scoped3A_173, %dma_start3A_218] : memref<2x80xi32, #tpu.memory_space<vmem>> -> memref<1x80xi32, #tpu.memory_space<vmem>>
        %dma_start3A_220 = tpu.memref_squeeze %dma_start3A_219 : memref<1x80xi32, #tpu.memory_space<vmem>> -> memref<80xi32, #tpu.memory_space<vmem>>
        %dma_start3A_221 = tpu.memref_slice %arg4[%add3A_167] : memref<320000xi32, #tpu.memory_space<hbm>> -> memref<80xi32, #tpu.memory_space<hbm>>
        %dma_start3A_222 = arith.constant 0 : i32
        %dma_start3A_223 = tpu.memref_slice %arg7[%run_scoped3A_173, %dma_start3A_222] : memref<2x80xi32, #tpu.memory_space<vmem>> -> memref<1x80xi32, #tpu.memory_space<vmem>>
        %dma_start3A_224 = tpu.memref_squeeze %dma_start3A_223 : memref<1x80xi32, #tpu.memory_space<vmem>> -> memref<80xi32, #tpu.memory_space<vmem>>
        %dma_start3A_225 = tpu.memref_slice %arg4[%add3A_167] : memref<320000xi32, #tpu.memory_space<hbm>> -> memref<80xi32, #tpu.memory_space<hbm>>
        tpu.enqueue_dma source(%dma_start3A_225 : memref<80xi32, #tpu.memory_space<hbm>>) target(%dma_start3A_224 : memref<80xi32, #tpu.memory_space<vmem>>) target_semaphore(%run_scoped3A_217 : memref<!tpu.dma_semaphore, #tpu.memory_space<semaphore_mem>>)
        %dma_wait3A_226 = arith.constant 0 : i32
        %dma_wait3A_227 = tpu.memref_slice %arg7[%run_scoped3A_173, %dma_wait3A_226] : memref<2x80xi32, #tpu.memory_space<vmem>> -> memref<1x80xi32, #tpu.memory_space<vmem>>
        %dma_wait3A_228 = tpu.memref_squeeze %dma_wait3A_227 : memref<1x80xi32, #tpu.memory_space<vmem>> -> memref<80xi32, #tpu.memory_space<vmem>>
        %dma_wait3A_229 = tpu.memref_slice %arg4[%add3A_167] : memref<320000xi32, #tpu.memory_space<hbm>> -> memref<80xi32, #tpu.memory_space<hbm>>
        %dma_wait3A_230 = arith.constant 0 : i32
        %dma_wait3A_231 = tpu.memref_slice %arg7[%run_scoped3A_173, %dma_wait3A_230] : memref<2x80xi32, #tpu.memory_space<vmem>> -> memref<1x80xi32, #tpu.memory_space<vmem>>
        %dma_wait3A_232 = tpu.memref_squeeze %dma_wait3A_231 : memref<1x80xi32, #tpu.memory_space<vmem>> -> memref<80xi32, #tpu.memory_space<vmem>>
        %dma_wait3A_233 = tpu.memref_slice %arg4[%add3A_167] : memref<320000xi32, #tpu.memory_space<hbm>> -> memref<80xi32, #tpu.memory_space<hbm>>
        tpu.wait_dma2 semaphore(%run_scoped3A_217 : memref<!tpu.dma_semaphore, #tpu.memory_space<semaphore_mem>>) src(%dma_wait3A_233 : memref<80xi32, #tpu.memory_space<hbm>>) dst(%dma_wait3A_232 : memref<80xi32, #tpu.memory_space<vmem>>)
        tpu.yield
      }) : () -> ()
      %run_scoped3A_174 = arith.constant 1 : i32
      "tpu.region"() ({
        %run_scoped3A_217 = tpu.sem_alloc : memref<!tpu.dma_semaphore, #tpu.memory_space<semaphore_mem>>
        %dma_start3A_218 = arith.constant 0 : i32
        %dma_start3A_219 = tpu.memref_slice %arg8[%run_scoped3A_174, %dma_start3A_218] : memref<2x80xi32, #tpu.memory_space<vmem>> -> memref<1x80xi32, #tpu.memory_space<vmem>>
        %dma_start3A_220 = tpu.memref_squeeze %dma_start3A_219 : memref<1x80xi32, #tpu.memory_space<vmem>> -> memref<80xi32, #tpu.memory_space<vmem>>
        %dma_start3A_221 = tpu.memref_slice %arg5[%add3A_167] : memref<320000xi32, #tpu.memory_space<hbm>> -> memref<80xi32, #tpu.memory_space<hbm>>
        %dma_start3A_222 = arith.constant 0 : i32
        %dma_start3A_223 = tpu.memref_slice %arg8[%run_scoped3A_174, %dma_start3A_222] : memref<2x80xi32, #tpu.memory_space<vmem>> -> memref<1x80xi32, #tpu.memory_space<vmem>>
        %dma_start3A_224 = tpu.memref_squeeze %dma_start3A_223 : memref<1x80xi32, #tpu.memory_space<vmem>> -> memref<80xi32, #tpu.memory_space<vmem>>
        %dma_start3A_225 = tpu.memref_slice %arg5[%add3A_167] : memref<320000xi32, #tpu.memory_space<hbm>> -> memref<80xi32, #tpu.memory_space<hbm>>
        tpu.enqueue_dma source(%dma_start3A_225 : memref<80xi32, #tpu.memory_space<hbm>>) target(%dma_start3A_224 : memref<80xi32, #tpu.memory_space<vmem>>) target_semaphore(%run_scoped3A_217 : memref<!tpu.dma_semaphore, #tpu.memory_space<semaphore_mem>>)
        %dma_wait3A_226 = arith.constant 0 : i32
        %dma_wait3A_227 = tpu.memref_slice %arg8[%run_scoped3A_174, %dma_wait3A_226] : memref<2x80xi32, #tpu.memory_space<vmem>> -> memref<1x80xi32, #tpu.memory_space<vmem>>
        %dma_wait3A_228 = tpu.memref_squeeze %dma_wait3A_227 : memref<1x80xi32, #tpu.memory_space<vmem>> -> memref<80xi32, #tpu.memory_space<vmem>>
        %dma_wait3A_229 = tpu.memref_slice %arg5[%add3A_167] : memref<320000xi32, #tpu.memory_space<hbm>> -> memref<80xi32, #tpu.memory_space<hbm>>
        %dma_wait3A_230 = arith.constant 0 : i32
        %dma_wait3A_231 = tpu.memref_slice %arg8[%run_scoped3A_174, %dma_wait3A_230] : memref<2x80xi32, #tpu.memory_space<vmem>> -> memref<1x80xi32, #tpu.memory_space<vmem>>
        %dma_wait3A_232 = tpu.memref_squeeze %dma_wait3A_231 : memref<1x80xi32, #tpu.memory_space<vmem>> -> memref<80xi32, #tpu.memory_space<vmem>>
        %dma_wait3A_233 = tpu.memref_slice %arg5[%add3A_167] : memref<320000xi32, #tpu.memory_space<hbm>> -> memref<80xi32, #tpu.memory_space<hbm>>
        tpu.wait_dma2 semaphore(%run_scoped3A_217 : memref<!tpu.dma_semaphore, #tpu.memory_space<semaphore_mem>>) src(%dma_wait3A_233 : memref<80xi32, #tpu.memory_space<hbm>>) dst(%dma_wait3A_232 : memref<80xi32, #tpu.memory_space<vmem>>)
        tpu.yield
      }) : () -> ()
      %dma_start3A_175 = arith.constant 1 : i32
      %dma_start3A_176 = arith.constant 1 : i32
      %dma_start3A_177 = arith.constant 0 : i32
      %dma_start3A_178 = arith.constant 0 : i32
      %dma_start3A_179 = tpu.memref_slice %arg9[%dma_start3A_176, %dma_start3A_177, %dma_start3A_178] : memref<2x80x128xf32, #tpu.memory_space<vmem>> -> memref<1x80x128xf32, #tpu.memory_space<vmem>>
      %dma_start3A_180 = tpu.memref_squeeze %dma_start3A_179 : memref<1x80x128xf32, #tpu.memory_space<vmem>> -> memref<80x128xf32, #tpu.memory_space<vmem>>
      %dma_start3A_181 = arith.constant 0 : i32
      %dma_start3A_182 = tpu.memref_slice %arg7[%dma_start3A_175, %dma_start3A_181] : memref<2x80xi32, #tpu.memory_space<vmem>> -> memref<1x80xi32, #tpu.memory_space<vmem>>
      %dma_start3A_183 = tpu.memref_squeeze %dma_start3A_182 : memref<1x80xi32, #tpu.memory_space<vmem>> -> memref<80xi32, #tpu.memory_space<vmem>>
      %dma_start3A_184 = arith.constant 0 : i32
      %dma_start3A_185 = arith.constant 0 : i32
      %dma_start3A_186 = tpu.memref_slice %arg2[%dma_start3A_184, %dma_start3A_185] : memref<10000x128xf32, #tpu.memory_space<hbm>> -> memref<10000x128xf32, #tpu.memory_space<hbm>>
      tpu.enqueue_indirect_dma source(%dma_start3A_186 : memref<10000x128xf32, #tpu.memory_space<hbm>>) target(%dma_start3A_180 : memref<80x128xf32, #tpu.memory_space<vmem>>) offsets(%dma_start3A_183 : memref<80xi32, #tpu.memory_space<vmem>>) semaphore(%arg12 : memref<!tpu.dma_semaphore, #tpu.memory_space<semaphore_mem>>)
      "tpu.region"() ({
        %run_scoped3A_217 = tpu.sem_alloc : memref<!tpu.dma_semaphore, #tpu.memory_space<semaphore_mem>>
        %dma_start3A_218 = arith.constant 0 : i32
        %dma_start3A_219 = tpu.memref_slice %arg3[%add3A_167, %dma_start3A_218] : memref<320000x128xf32, #tpu.memory_space<hbm>> -> memref<80x128xf32, #tpu.memory_space<hbm>>
        %dma_start3A_220 = arith.constant 0 : i32
        %dma_start3A_221 = tpu.memref_slice %arg3[%add3A_167, %dma_start3A_220] : memref<320000x128xf32, #tpu.memory_space<hbm>> -> memref<80x128xf32, #tpu.memory_space<hbm>>
        tpu.enqueue_dma source(%dma_start3A_221 : memref<80x128xf32, #tpu.memory_space<hbm>>) target(%arg10 : memref<80x128xf32, #tpu.memory_space<vmem>>) target_semaphore(%run_scoped3A_217 : memref<!tpu.dma_semaphore, #tpu.memory_space<semaphore_mem>>)
        %dma_wait3A_222 = arith.constant 0 : i32
        %dma_wait3A_223 = tpu.memref_slice %arg3[%add3A_167, %dma_wait3A_222] : memref<320000x128xf32, #tpu.memory_space<hbm>> -> memref<80x128xf32, #tpu.memory_space<hbm>>
        %dma_wait3A_224 = arith.constant 0 : i32
        %dma_wait3A_225 = tpu.memref_slice %arg3[%add3A_167, %dma_wait3A_224] : memref<320000x128xf32, #tpu.memory_space<hbm>> -> memref<80x128xf32, #tpu.memory_space<hbm>>
        tpu.wait_dma2 semaphore(%run_scoped3A_217 : memref<!tpu.dma_semaphore, #tpu.memory_space<semaphore_mem>>) src(%dma_wait3A_225 : memref<80x128xf32, #tpu.memory_space<hbm>>) dst(%arg10 : memref<80x128xf32, #tpu.memory_space<vmem>>)
        tpu.yield
      }) : () -> ()
      %dma_wait3A_187 = arith.constant 1 : i32
      %dma_wait3A_188 = arith.constant 1 : i32
      %dma_wait3A_189 = arith.constant 0 : i32
      %dma_wait3A_190 = arith.constant 0 : i32
      %dma_wait3A_191 = tpu.memref_slice %arg9[%dma_wait3A_188, %dma_wait3A_189, %dma_wait3A_190] : memref<2x80x128xf32, #tpu.memory_space<vmem>> -> memref<1x80x128xf32, #tpu.memory_space<vmem>>
      %dma_wait3A_192 = tpu.memref_squeeze %dma_wait3A_191 : memref<1x80x128xf32, #tpu.memory_space<vmem>> -> memref<80x128xf32, #tpu.memory_space<vmem>>
      %dma_wait3A_193 = arith.constant 0 : i32
      %dma_wait3A_194 = tpu.memref_slice %arg7[%dma_wait3A_187, %dma_wait3A_193] : memref<2x80xi32, #tpu.memory_space<vmem>> -> memref<1x80xi32, #tpu.memory_space<vmem>>
      %dma_wait3A_195 = tpu.memref_squeeze %dma_wait3A_194 : memref<1x80xi32, #tpu.memory_space<vmem>> -> memref<80xi32, #tpu.memory_space<vmem>>
      %dma_wait3A_196 = arith.constant 0 : i32
      %dma_wait3A_197 = arith.constant 0 : i32
      %dma_wait3A_198 = tpu.memref_slice %arg2[%dma_wait3A_196, %dma_wait3A_197] : memref<10000x128xf32, #tpu.memory_space<hbm>> -> memref<10000x128xf32, #tpu.memory_space<hbm>>
      tpu.wait_indirect_dma semaphore(%arg12 : memref<!tpu.dma_semaphore, #tpu.memory_space<semaphore_mem>>) src(%dma_wait3A_198 : memref<10000x128xf32, #tpu.memory_space<hbm>>) dst(%dma_wait3A_192 : memref<80x128xf32, #tpu.memory_space<vmem>>)
      %scan3A_199 = arith.constant 0 : i32
      %scan3A_200 = arith.constant 0 : i32
      %scan3A_201 = arith.constant 80 : i32
      %scan3A_202 = arith.addi %scan3A_200, %scan3A_201 : i32
      %scan3A_203 = arith.constant 1 : i32
      scf.for %scan3A_217 = %scan3A_200 to %scan3A_202 step %scan3A_203  : i32 {
        %get3A = arith.constant 1 : i32
        %get3A_218 = arith.index_cast %get3A : i32 to index
        %get3A_219 = arith.index_cast %scan3A_217 : i32 to index
        %get3A_220 = arith.constant 0 : index
        %get3A_221 = tpu.vector_load %arg9[%get3A_218, %get3A_219, %get3A_220] {strides = array<i32>} : memref<2x80x128xf32, #tpu.memory_space<vmem>>, vector<1x1x16xf32>,
        %get3A_222 = vector.shape_cast %get3A_221 : vector<1x1x16xf32> to vector<16xf32>
        %get3A_223 = arith.index_cast %scan3A_217 : i32 to index
        %get3A_224 = arith.constant 0 : index
        %get3A_225 = tpu.vector_load %arg10[%get3A_223, %get3A_224] {strides = array<i32>} : memref<80x128xf32, #tpu.memory_space<vmem>>, vector<1x16xf32>,
        %get3A_226 = vector.shape_cast %get3A_225 : vector<1x16xf32> to vector<16xf32>
        %mul3A_227 = arith.mulf %get3A_222, %get3A_226 : vector<16xf32>
        %swap3A = arith.constant 1 : i32
        %swap3A_228 = arith.index_cast %swap3A : i32 to index
        %swap3A_229 = arith.index_cast %scan3A_217 : i32 to index
        %swap3A_230 = arith.constant 0 : index
        %swap3A_231 = tpu.vector_load %arg9[%swap3A_228, %swap3A_229, %swap3A_230] {strides = array<i32>} : memref<2x80x128xf32, #tpu.memory_space<vmem>>, vector<1x1x16xf32>,
        %swap3A_232 = vector.shape_cast %swap3A_231 : vector<1x1x16xf32> to vector<16xf32>
        %swap3A_233 = vector.shape_cast %mul3A_227 : vector<16xf32> to vector<1x1x16xf32>
        tpu.vector_store %arg9[%swap3A_228, %swap3A_229, %swap3A_230], %swap3A_233 {strides = array<i32>} : memref<2x80x128xf32, #tpu.memory_space<vmem>>, vector<1x1x16xf32>,
        %get3A_234 = arith.constant 1 : i32
        %get3A_235 = arith.index_cast %get3A_234 : i32 to index
        %get3A_236 = arith.index_cast %scan3A_217 : i32 to index
        %get3A_237 = arith.constant 16 : index
        %get3A_238 = tpu.vector_load %arg9[%get3A_235, %get3A_236, %get3A_237] {strides = array<i32>} : memref<2x80x128xf32, #tpu.memory_space<vmem>>, vector<1x1x16xf32>,
        %get3A_239 = vector.shape_cast %get3A_238 : vector<1x1x16xf32> to vector<16xf32>
        %get3A_240 = arith.index_cast %scan3A_217 : i32 to index
        %get3A_241 = arith.constant 16 : index
        %get3A_242 = tpu.vector_load %arg10[%get3A_240, %get3A_241] {strides = array<i32>} : memref<80x128xf32, #tpu.memory_space<vmem>>, vector<1x16xf32>,
        %get3A_243 = vector.shape_cast %get3A_242 : vector<1x16xf32> to vector<16xf32>
        %mul3A_244 = arith.mulf %get3A_239, %get3A_243 : vector<16xf32>
        %swap3A_245 = arith.constant 1 : i32
        %swap3A_246 = arith.index_cast %swap3A_245 : i32 to index
        %swap3A_247 = arith.index_cast %scan3A_217 : i32 to index
        %swap3A_248 = arith.constant 16 : index
        %swap3A_249 = tpu.vector_load %arg9[%swap3A_246, %swap3A_247, %swap3A_248] {strides = array<i32>} : memref<2x80x128xf32, #tpu.memory_space<vmem>>, vector<1x1x16xf32>,
        %swap3A_250 = vector.shape_cast %swap3A_249 : vector<1x1x16xf32> to vector<16xf32>
        %swap3A_251 = vector.shape_cast %mul3A_244 : vector<16xf32> to vector<1x1x16xf32>
        tpu.vector_store %arg9[%swap3A_246, %swap3A_247, %swap3A_248], %swap3A_251 {strides = array<i32>} : memref<2x80x128xf32, #tpu.memory_space<vmem>>, vector<1x1x16xf32>,
        %get3A_252 = arith.constant 1 : i32
        %get3A_253 = arith.index_cast %get3A_252 : i32 to index
        %get3A_254 = arith.index_cast %scan3A_217 : i32 to index
        %get3A_255 = arith.constant 32 : index
        %get3A_256 = tpu.vector_load %arg9[%get3A_253, %get3A_254, %get3A_255] {strides = array<i32>} : memref<2x80x128xf32, #tpu.memory_space<vmem>>, vector<1x1x16xf32>,
        %get3A_257 = vector.shape_cast %get3A_256 : vector<1x1x16xf32> to vector<16xf32>
        %get3A_258 = arith.index_cast %scan3A_217 : i32 to index
        %get3A_259 = arith.constant 32 : index
        %get3A_260 = tpu.vector_load %arg10[%get3A_258, %get3A_259] {strides = array<i32>} : memref<80x128xf32, #tpu.memory_space<vmem>>, vector<1x16xf32>,
        %get3A_261 = vector.shape_cast %get3A_260 : vector<1x16xf32> to vector<16xf32>
        %mul3A_262 = arith.mulf %get3A_257, %get3A_261 : vector<16xf32>
        %swap3A_263 = arith.constant 1 : i32
        %swap3A_264 = arith.index_cast %swap3A_263 : i32 to index
        %swap3A_265 = arith.index_cast %scan3A_217 : i32 to index
        %swap3A_266 = arith.constant 32 : index
        %swap3A_267 = tpu.vector_load %arg9[%swap3A_264, %swap3A_265, %swap3A_266] {strides = array<i32>} : memref<2x80x128xf32, #tpu.memory_space<vmem>>, vector<1x1x16xf32>,
        %swap3A_268 = vector.shape_cast %swap3A_267 : vector<1x1x16xf32> to vector<16xf32>
        %swap3A_269 = vector.shape_cast %mul3A_262 : vector<16xf32> to vector<1x1x16xf32>
        tpu.vector_store %arg9[%swap3A_264, %swap3A_265, %swap3A_266], %swap3A_269 {strides = array<i32>} : memref<2x80x128xf32, #tpu.memory_space<vmem>>, vector<1x1x16xf32>,
        %get3A_270 = arith.constant 1 : i32
        %get3A_271 = arith.index_cast %get3A_270 : i32 to index
        %get3A_272 = arith.index_cast %scan3A_217 : i32 to index
        %get3A_273 = arith.constant 48 : index
        %get3A_274 = tpu.vector_load %arg9[%get3A_271, %get3A_272, %get3A_273] {strides = array<i32>} : memref<2x80x128xf32, #tpu.memory_space<vmem>>, vector<1x1x16xf32>,
        %get3A_275 = vector.shape_cast %get3A_274 : vector<1x1x16xf32> to vector<16xf32>
        %get3A_276 = arith.index_cast %scan3A_217 : i32 to index
        %get3A_277 = arith.constant 48 : index
        %get3A_278 = tpu.vector_load %arg10[%get3A_276, %get3A_277] {strides = array<i32>} : memref<80x128xf32, #tpu.memory_space<vmem>>, vector<1x16xf32>,
        %get3A_279 = vector.shape_cast %get3A_278 : vector<1x16xf32> to vector<16xf32>
        %mul3A_280 = arith.mulf %get3A_275, %get3A_279 : vector<16xf32>
        %swap3A_281 = arith.constant 1 : i32
        %swap3A_282 = arith.index_cast %swap3A_281 : i32 to index
        %swap3A_283 = arith.index_cast %scan3A_217 : i32 to index
        %swap3A_284 = arith.constant 48 : index
        %swap3A_285 = tpu.vector_load %arg9[%swap3A_282, %swap3A_283, %swap3A_284] {strides = array<i32>} : memref<2x80x128xf32, #tpu.memory_space<vmem>>, vector<1x1x16xf32>,
        %swap3A_286 = vector.shape_cast %swap3A_285 : vector<1x1x16xf32> to vector<16xf32>
        %swap3A_287 = vector.shape_cast %mul3A_280 : vector<16xf32> to vector<1x1x16xf32>
        tpu.vector_store %arg9[%swap3A_282, %swap3A_283, %swap3A_284], %swap3A_287 {strides = array<i32>} : memref<2x80x128xf32, #tpu.memory_space<vmem>>, vector<1x1x16xf32>,
        %get3A_288 = arith.constant 1 : i32
        %get3A_289 = arith.index_cast %get3A_288 : i32 to index
        %get3A_290 = arith.index_cast %scan3A_217 : i32 to index
        %get3A_291 = arith.constant 64 : index
        %get3A_292 = tpu.vector_load %arg9[%get3A_289, %get3A_290, %get3A_291] {strides = array<i32>} : memref<2x80x128xf32, #tpu.memory_space<vmem>>, vector<1x1x16xf32>,
        %get3A_293 = vector.shape_cast %get3A_292 : vector<1x1x16xf32> to vector<16xf32>
        %get3A_294 = arith.index_cast %scan3A_217 : i32 to index
        %get3A_295 = arith.constant 64 : index
        %get3A_296 = tpu.vector_load %arg10[%get3A_294, %get3A_295] {strides = array<i32>} : memref<80x128xf32, #tpu.memory_space<vmem>>, vector<1x16xf32>,
        %get3A_297 = vector.shape_cast %get3A_296 : vector<1x16xf32> to vector<16xf32>
        %mul3A_298 = arith.mulf %get3A_293, %get3A_297 : vector<16xf32>
        %swap3A_299 = arith.constant 1 : i32
        %swap3A_300 = arith.index_cast %swap3A_299 : i32 to index
        %swap3A_301 = arith.index_cast %scan3A_217 : i32 to index
        %swap3A_302 = arith.constant 64 : index
        %swap3A_303 = tpu.vector_load %arg9[%swap3A_300, %swap3A_301, %swap3A_302] {strides = array<i32>} : memref<2x80x128xf32, #tpu.memory_space<vmem>>, vector<1x1x16xf32>,
        %swap3A_304 = vector.shape_cast %swap3A_303 : vector<1x1x16xf32> to vector<16xf32>
        %swap3A_305 = vector.shape_cast %mul3A_298 : vector<16xf32> to vector<1x1x16xf32>
        tpu.vector_store %arg9[%swap3A_300, %swap3A_301, %swap3A_302], %swap3A_305 {strides = array<i32>} : memref<2x80x128xf32, #tpu.memory_space<vmem>>, vector<1x1x16xf32>,
        %get3A_306 = arith.constant 1 : i32
        %get3A_307 = arith.index_cast %get3A_306 : i32 to index
        %get3A_308 = arith.index_cast %scan3A_217 : i32 to index
        %get3A_309 = arith.constant 80 : index
        %get3A_310 = tpu.vector_load %arg9[%get3A_307, %get3A_308, %get3A_309] {strides = array<i32>} : memref<2x80x128xf32, #tpu.memory_space<vmem>>, vector<1x1x16xf32>,
        %get3A_311 = vector.shape_cast %get3A_310 : vector<1x1x16xf32> to vector<16xf32>
        %get3A_312 = arith.index_cast %scan3A_217 : i32 to index
        %get3A_313 = arith.constant 80 : index
        %get3A_314 = tpu.vector_load %arg10[%get3A_312, %get3A_313] {strides = array<i32>} : memref<80x128xf32, #tpu.memory_space<vmem>>, vector<1x16xf32>,
        %get3A_315 = vector.shape_cast %get3A_314 : vector<1x16xf32> to vector<16xf32>
        %mul3A_316 = arith.mulf %get3A_311, %get3A_315 : vector<16xf32>
        %swap3A_317 = arith.constant 1 : i32
        %swap3A_318 = arith.index_cast %swap3A_317 : i32 to index
        %swap3A_319 = arith.index_cast %scan3A_217 : i32 to index
        %swap3A_320 = arith.constant 80 : index
        %swap3A_321 = tpu.vector_load %arg9[%swap3A_318, %swap3A_319, %swap3A_320] {strides = array<i32>} : memref<2x80x128xf32, #tpu.memory_space<vmem>>, vector<1x1x16xf32>,
        %swap3A_322 = vector.shape_cast %swap3A_321 : vector<1x1x16xf32> to vector<16xf32>
        %swap3A_323 = vector.shape_cast %mul3A_316 : vector<16xf32> to vector<1x1x16xf32>
        tpu.vector_store %arg9[%swap3A_318, %swap3A_319, %swap3A_320], %swap3A_323 {strides = array<i32>} : memref<2x80x128xf32, #tpu.memory_space<vmem>>, vector<1x1x16xf32>,
        %get3A_324 = arith.constant 1 : i32
        %get3A_325 = arith.index_cast %get3A_324 : i32 to index
        %get3A_326 = arith.index_cast %scan3A_217 : i32 to index
        %get3A_327 = arith.constant 96 : index
        %get3A_328 = tpu.vector_load %arg9[%get3A_325, %get3A_326, %get3A_327] {strides = array<i32>} : memref<2x80x128xf32, #tpu.memory_space<vmem>>, vector<1x1x16xf32>,
        %get3A_329 = vector.shape_cast %get3A_328 : vector<1x1x16xf32> to vector<16xf32>
        %get3A_330 = arith.index_cast %scan3A_217 : i32 to index
        %get3A_331 = arith.constant 96 : index
        %get3A_332 = tpu.vector_load %arg10[%get3A_330, %get3A_331] {strides = array<i32>} : memref<80x128xf32, #tpu.memory_space<vmem>>, vector<1x16xf32>,
        %get3A_333 = vector.shape_cast %get3A_332 : vector<1x16xf32> to vector<16xf32>
        %mul3A_334 = arith.mulf %get3A_329, %get3A_333 : vector<16xf32>
        %swap3A_335 = arith.constant 1 : i32
        %swap3A_336 = arith.index_cast %swap3A_335 : i32 to index
        %swap3A_337 = arith.index_cast %scan3A_217 : i32 to index
        %swap3A_338 = arith.constant 96 : index
        %swap3A_339 = tpu.vector_load %arg9[%swap3A_336, %swap3A_337, %swap3A_338] {strides = array<i32>} : memref<2x80x128xf32, #tpu.memory_space<vmem>>, vector<1x1x16xf32>,
        %swap3A_340 = vector.shape_cast %swap3A_339 : vector<1x1x16xf32> to vector<16xf32>
        %swap3A_341 = vector.shape_cast %mul3A_334 : vector<16xf32> to vector<1x1x16xf32>
        tpu.vector_store %arg9[%swap3A_336, %swap3A_337, %swap3A_338], %swap3A_341 {strides = array<i32>} : memref<2x80x128xf32, #tpu.memory_space<vmem>>, vector<1x1x16xf32>,
        %get3A_342 = arith.constant 1 : i32
        %get3A_343 = arith.index_cast %get3A_342 : i32 to index
        %get3A_344 = arith.index_cast %scan3A_217 : i32 to index
        %get3A_345 = arith.constant 112 : index
        %get3A_346 = tpu.vector_load %arg9[%get3A_343, %get3A_344, %get3A_345] {strides = array<i32>} : memref<2x80x128xf32, #tpu.memory_space<vmem>>, vector<1x1x16xf32>,
        %get3A_347 = vector.shape_cast %get3A_346 : vector<1x1x16xf32> to vector<16xf32>
        %get3A_348 = arith.index_cast %scan3A_217 : i32 to index
        %get3A_349 = arith.constant 112 : index
        %get3A_350 = tpu.vector_load %arg10[%get3A_348, %get3A_349] {strides = array<i32>} : memref<80x128xf32, #tpu.memory_space<vmem>>, vector<1x16xf32>,
        %get3A_351 = vector.shape_cast %get3A_350 : vector<1x16xf32> to vector<16xf32>
        %mul3A_352 = arith.mulf %get3A_347, %get3A_351 : vector<16xf32>
        %swap3A_353 = arith.constant 1 : i32
        %swap3A_354 = arith.index_cast %swap3A_353 : i32 to index
        %swap3A_355 = arith.index_cast %scan3A_217 : i32 to index
        %swap3A_356 = arith.constant 112 : index
        %swap3A_357 = tpu.vector_load %arg9[%swap3A_354, %swap3A_355, %swap3A_356] {strides = array<i32>} : memref<2x80x128xf32, #tpu.memory_space<vmem>>, vector<1x1x16xf32>,
        %swap3A_358 = vector.shape_cast %swap3A_357 : vector<1x1x16xf32> to vector<16xf32>
        %swap3A_359 = vector.shape_cast %mul3A_352 : vector<16xf32> to vector<1x1x16xf32>
        tpu.vector_store %arg9[%swap3A_354, %swap3A_355, %swap3A_356], %swap3A_359 {strides = array<i32>} : memref<2x80x128xf32, #tpu.memory_space<vmem>>, vector<1x1x16xf32>,
      }
      %scan3A_204 = arith.constant 80 : i32
      %dma_start3A_205 = arith.constant 1 : i32
      %dma_start3A_206 = arith.constant 1 : i32
      %dma_start3A_207 = arith.constant 0 : i32
      %dma_start3A_208 = arith.constant 0 : i32
      %dma_start3A_209 = tpu.memref_slice %arg9[%dma_start3A_205, %dma_start3A_207, %dma_start3A_208] : memref<2x80x128xf32, #tpu.memory_space<vmem>> -> memref<1x80x128xf32, #tpu.memory_space<vmem>>
      %dma_start3A_210 = tpu.memref_squeeze %dma_start3A_209 : memref<1x80x128xf32, #tpu.memory_space<vmem>> -> memref<80x128xf32, #tpu.memory_space<vmem>>
      %dma_start3A_211 = arith.constant 0 : i32
      %dma_start3A_212 = tpu.memref_slice %arg8[%dma_start3A_206, %dma_start3A_211] : memref<2x80xi32, #tpu.memory_space<vmem>> -> memref<1x80xi32, #tpu.memory_space<vmem>>
      %dma_start3A_213 = tpu.memref_squeeze %dma_start3A_212 : memref<1x80xi32, #tpu.memory_space<vmem>> -> memref<80xi32, #tpu.memory_space<vmem>>
      %dma_start3A_214 = arith.constant 0 : i32
      %dma_start3A_215 = arith.constant 0 : i32
      %dma_start3A_216 = tpu.memref_slice %arg11[%dma_start3A_214, %dma_start3A_215] : memref<10000x128xf32, #tpu.memory_space<vmem_shared>> -> memref<10000x128xf32, #tpu.memory_space<vmem_shared>>
      tpu.enqueue_indirect_dma source(%dma_start3A_210 : memref<80x128xf32, #tpu.memory_space<vmem>>) target(%dma_start3A_216 : memref<10000x128xf32, #tpu.memory_space<vmem_shared>>) offsets(%dma_start3A_213 : memref<80xi32, #tpu.memory_space<vmem>>) semaphore(%arg14 : memref<!tpu.dma_semaphore, #tpu.memory_space<semaphore_mem>>) {add = true}
    }
    %scan3A_11 = arith.constant 62 : i32
    %mul3A_12 = arith.constant 10000 : i32
    %mul3A_13 = arith.muli %add3A, %mul3A_12 : i32
    %add3A_14 = arith.constant 9920 : i32
    %add3A_15 = arith.addi %mul3A_13, %add3A_14 : i32
    %dma_wait3A = arith.constant 0 : i32
    %dma_wait3A_16 = arith.constant 0 : i32
    %dma_wait3A_17 = arith.constant 0 : i32
    %dma_wait3A_18 = arith.constant 0 : i32
    %dma_wait3A_19 = tpu.memref_slice %arg9[%dma_wait3A, %dma_wait3A_17, %dma_wait3A_18] : memref<2x80x128xf32, #tpu.memory_space<vmem>> -> memref<1x80x128xf32, #tpu.memory_space<vmem>>
    %dma_wait3A_20 = tpu.memref_squeeze %dma_wait3A_19 : memref<1x80x128xf32, #tpu.memory_space<vmem>> -> memref<80x128xf32, #tpu.memory_space<vmem>>
    %dma_wait3A_21 = arith.constant 0 : i32
    %dma_wait3A_22 = tpu.memref_slice %arg8[%dma_wait3A_16, %dma_wait3A_21] : memref<2x80xi32, #tpu.memory_space<vmem>> -> memref<1x80xi32, #tpu.memory_space<vmem>>
    %dma_wait3A_23 = tpu.memref_squeeze %dma_wait3A_22 : memref<1x80xi32, #tpu.memory_space<vmem>> -> memref<80xi32, #tpu.memory_space<vmem>>
    %dma_wait3A_24 = arith.constant 0 : i32
    %dma_wait3A_25 = arith.constant 0 : i32
    %dma_wait3A_26 = tpu.memref_slice %arg11[%dma_wait3A_24, %dma_wait3A_25] : memref<10000x128xf32, #tpu.memory_space<vmem_shared>> -> memref<10000x128xf32, #tpu.memory_space<vmem_shared>>
    tpu.wait_indirect_dma semaphore(%arg13 : memref<!tpu.dma_semaphore, #tpu.memory_space<semaphore_mem>>) src(%dma_wait3A_20 : memref<80x128xf32, #tpu.memory_space<vmem>>) dst(%dma_wait3A_26 : memref<10000x128xf32, #tpu.memory_space<vmem_shared>>)
    %run_scoped3A = arith.constant 0 : i32
    "tpu.region"() ({
      %run_scoped3A_103 = tpu.sem_alloc : memref<!tpu.dma_semaphore, #tpu.memory_space<semaphore_mem>>
      %dma_start3A_104 = arith.constant 0 : i32
      %dma_start3A_105 = tpu.memref_slice %arg7[%run_scoped3A, %dma_start3A_104] : memref<2x80xi32, #tpu.memory_space<vmem>> -> memref<1x80xi32, #tpu.memory_space<vmem>>
      %dma_start3A_106 = tpu.memref_squeeze %dma_start3A_105 : memref<1x80xi32, #tpu.memory_space<vmem>> -> memref<80xi32, #tpu.memory_space<vmem>>
      %dma_start3A_107 = tpu.memref_slice %arg4[%add3A_15] : memref<320000xi32, #tpu.memory_space<hbm>> -> memref<80xi32, #tpu.memory_space<hbm>>
      %dma_start3A_108 = arith.constant 0 : i32
      %dma_start3A_109 = tpu.memref_slice %arg7[%run_scoped3A, %dma_start3A_108] : memref<2x80xi32, #tpu.memory_space<vmem>> -> memref<1x80xi32, #tpu.memory_space<vmem>>
      %dma_start3A_110 = tpu.memref_squeeze %dma_start3A_109 : memref<1x80xi32, #tpu.memory_space<vmem>> -> memref<80xi32, #tpu.memory_space<vmem>>
      %dma_start3A_111 = tpu.memref_slice %arg4[%add3A_15] : memref<320000xi32, #tpu.memory_space<hbm>> -> memref<80xi32, #tpu.memory_space<hbm>>
      tpu.enqueue_dma source(%dma_start3A_111 : memref<80xi32, #tpu.memory_space<hbm>>) target(%dma_start3A_110 : memref<80xi32, #tpu.memory_space<vmem>>) target_semaphore(%run_scoped3A_103 : memref<!tpu.dma_semaphore, #tpu.memory_space<semaphore_mem>>)
      %dma_wait3A_112 = arith.constant 0 : i32
      %dma_wait3A_113 = tpu.memref_slice %arg7[%run_scoped3A, %dma_wait3A_112] : memref<2x80xi32, #tpu.memory_space<vmem>> -> memref<1x80xi32, #tpu.memory_space<vmem>>
      %dma_wait3A_114 = tpu.memref_squeeze %dma_wait3A_113 : memref<1x80xi32, #tpu.memory_space<vmem>> -> memref<80xi32, #tpu.memory_space<vmem>>
      %dma_wait3A_115 = tpu.memref_slice %arg4[%add3A_15] : memref<320000xi32, #tpu.memory_space<hbm>> -> memref<80xi32, #tpu.memory_space<hbm>>
      %dma_wait3A_116 = arith.constant 0 : i32
      %dma_wait3A_117 = tpu.memref_slice %arg7[%run_scoped3A, %dma_wait3A_116] : memref<2x80xi32, #tpu.memory_space<vmem>> -> memref<1x80xi32, #tpu.memory_space<vmem>>
      %dma_wait3A_118 = tpu.memref_squeeze %dma_wait3A_117 : memref<1x80xi32, #tpu.memory_space<vmem>> -> memref<80xi32, #tpu.memory_space<vmem>>
      %dma_wait3A_119 = tpu.memref_slice %arg4[%add3A_15] : memref<320000xi32, #tpu.memory_space<hbm>> -> memref<80xi32, #tpu.memory_space<hbm>>
      tpu.wait_dma2 semaphore(%run_scoped3A_103 : memref<!tpu.dma_semaphore, #tpu.memory_space<semaphore_mem>>) src(%dma_wait3A_119 : memref<80xi32, #tpu.memory_space<hbm>>) dst(%dma_wait3A_118 : memref<80xi32, #tpu.memory_space<vmem>>)
      tpu.yield
    }) : () -> ()
    %run_scoped3A_27 = arith.constant 0 : i32
    "tpu.region"() ({
      %run_scoped3A_103 = tpu.sem_alloc : memref<!tpu.dma_semaphore, #tpu.memory_space<semaphore_mem>>
      %dma_start3A_104 = arith.constant 0 : i32
      %dma_start3A_105 = tpu.memref_slice %arg8[%run_scoped3A_27, %dma_start3A_104] : memref<2x80xi32, #tpu.memory_space<vmem>> -> memref<1x80xi32, #tpu.memory_space<vmem>>
      %dma_start3A_106 = tpu.memref_squeeze %dma_start3A_105 : memref<1x80xi32, #tpu.memory_space<vmem>> -> memref<80xi32, #tpu.memory_space<vmem>>
      %dma_start3A_107 = tpu.memref_slice %arg5[%add3A_15] : memref<320000xi32, #tpu.memory_space<hbm>> -> memref<80xi32, #tpu.memory_space<hbm>>
      %dma_start3A_108 = arith.constant 0 : i32
      %dma_start3A_109 = tpu.memref_slice %arg8[%run_scoped3A_27, %dma_start3A_108] : memref<2x80xi32, #tpu.memory_space<vmem>> -> memref<1x80xi32, #tpu.memory_space<vmem>>
      %dma_start3A_110 = tpu.memref_squeeze %dma_start3A_109 : memref<1x80xi32, #tpu.memory_space<vmem>> -> memref<80xi32, #tpu.memory_space<vmem>>
      %dma_start3A_111 = tpu.memref_slice %arg5[%add3A_15] : memref<320000xi32, #tpu.memory_space<hbm>> -> memref<80xi32, #tpu.memory_space<hbm>>
      tpu.enqueue_dma source(%dma_start3A_111 : memref<80xi32, #tpu.memory_space<hbm>>) target(%dma_start3A_110 : memref<80xi32, #tpu.memory_space<vmem>>) target_semaphore(%run_scoped3A_103 : memref<!tpu.dma_semaphore, #tpu.memory_space<semaphore_mem>>)
      %dma_wait3A_112 = arith.constant 0 : i32
      %dma_wait3A_113 = tpu.memref_slice %arg8[%run_scoped3A_27, %dma_wait3A_112] : memref<2x80xi32, #tpu.memory_space<vmem>> -> memref<1x80xi32, #tpu.memory_space<vmem>>
      %dma_wait3A_114 = tpu.memref_squeeze %dma_wait3A_113 : memref<1x80xi32, #tpu.memory_space<vmem>> -> memref<80xi32, #tpu.memory_space<vmem>>
      %dma_wait3A_115 = tpu.memref_slice %arg5[%add3A_15] : memref<320000xi32, #tpu.memory_space<hbm>> -> memref<80xi32, #tpu.memory_space<hbm>>
      %dma_wait3A_116 = arith.constant 0 : i32
      %dma_wait3A_117 = tpu.memref_slice %arg8[%run_scoped3A_27, %dma_wait3A_116] : memref<2x80xi32, #tpu.memory_space<vmem>> -> memref<1x80xi32, #tpu.memory_space<vmem>>
      %dma_wait3A_118 = tpu.memref_squeeze %dma_wait3A_117 : memref<1x80xi32, #tpu.memory_space<vmem>> -> memref<80xi32, #tpu.memory_space<vmem>>
      %dma_wait3A_119 = tpu.memref_slice %arg5[%add3A_15] : memref<320000xi32, #tpu.memory_space<hbm>> -> memref<80xi32, #tpu.memory_space<hbm>>
      tpu.wait_dma2 semaphore(%run_scoped3A_103 : memref<!tpu.dma_semaphore, #tpu.memory_space<semaphore_mem>>) src(%dma_wait3A_119 : memref<80xi32, #tpu.memory_space<hbm>>) dst(%dma_wait3A_118 : memref<80xi32, #tpu.memory_space<vmem>>)
      tpu.yield
    }) : () -> ()
    %dma_start3A = arith.constant 0 : i32
    %dma_start3A_28 = arith.constant 0 : i32
    %dma_start3A_29 = arith.constant 0 : i32
    %dma_start3A_30 = arith.constant 0 : i32
    %dma_start3A_31 = tpu.memref_slice %arg9[%dma_start3A_28, %dma_start3A_29, %dma_start3A_30] : memref<2x80x128xf32, #tpu.memory_space<vmem>> -> memref<1x80x128xf32, #tpu.memory_space<vmem>>
    %dma_start3A_32 = tpu.memref_squeeze %dma_start3A_31 : memref<1x80x128xf32, #tpu.memory_space<vmem>> -> memref<80x128xf32, #tpu.memory_space<vmem>>
    %dma_start3A_33 = arith.constant 0 : i32
    %dma_start3A_34 = tpu.memref_slice %arg7[%dma_start3A, %dma_start3A_33] : memref<2x80xi32, #tpu.memory_space<vmem>> -> memref<1x80xi32, #tpu.memory_space<vmem>>
    %dma_start3A_35 = tpu.memref_squeeze %dma_start3A_34 : memref<1x80xi32, #tpu.memory_space<vmem>> -> memref<80xi32, #tpu.memory_space<vmem>>
    %dma_start3A_36 = arith.constant 0 : i32
    %dma_start3A_37 = arith.constant 0 : i32
    %dma_start3A_38 = tpu.memref_slice %arg2[%dma_start3A_36, %dma_start3A_37] : memref<10000x128xf32, #tpu.memory_space<hbm>> -> memref<10000x128xf32, #tpu.memory_space<hbm>>
    tpu.enqueue_indirect_dma source(%dma_start3A_38 : memref<10000x128xf32, #tpu.memory_space<hbm>>) target(%dma_start3A_32 : memref<80x128xf32, #tpu.memory_space<vmem>>) offsets(%dma_start3A_35 : memref<80xi32, #tpu.memory_space<vmem>>) semaphore(%arg12 : memref<!tpu.dma_semaphore, #tpu.memory_space<semaphore_mem>>)
    "tpu.region"() ({
      %run_scoped3A_103 = tpu.sem_alloc : memref<!tpu.dma_semaphore, #tpu.memory_space<semaphore_mem>>
      %dma_start3A_104 = arith.constant 0 : i32
      %dma_start3A_105 = tpu.memref_slice %arg3[%add3A_15, %dma_start3A_104] : memref<320000x128xf32, #tpu.memory_space<hbm>> -> memref<80x128xf32, #tpu.memory_space<hbm>>
      %dma_start3A_106 = arith.constant 0 : i32
      %dma_start3A_107 = tpu.memref_slice %arg3[%add3A_15, %dma_start3A_106] : memref<320000x128xf32, #tpu.memory_space<hbm>> -> memref<80x128xf32, #tpu.memory_space<hbm>>
      tpu.enqueue_dma source(%dma_start3A_107 : memref<80x128xf32, #tpu.memory_space<hbm>>) target(%arg10 : memref<80x128xf32, #tpu.memory_space<vmem>>) target_semaphore(%run_scoped3A_103 : memref<!tpu.dma_semaphore, #tpu.memory_space<semaphore_mem>>)
      %dma_wait3A_108 = arith.constant 0 : i32
      %dma_wait3A_109 = tpu.memref_slice %arg3[%add3A_15, %dma_wait3A_108] : memref<320000x128xf32, #tpu.memory_space<hbm>> -> memref<80x128xf32, #tpu.memory_space<hbm>>
      %dma_wait3A_110 = arith.constant 0 : i32
      %dma_wait3A_111 = tpu.memref_slice %arg3[%add3A_15, %dma_wait3A_110] : memref<320000x128xf32, #tpu.memory_space<hbm>> -> memref<80x128xf32, #tpu.memory_space<hbm>>
      tpu.wait_dma2 semaphore(%run_scoped3A_103 : memref<!tpu.dma_semaphore, #tpu.memory_space<semaphore_mem>>) src(%dma_wait3A_111 : memref<80x128xf32, #tpu.memory_space<hbm>>) dst(%arg10 : memref<80x128xf32, #tpu.memory_space<vmem>>)
      tpu.yield
    }) : () -> ()
    %dma_wait3A_39 = arith.constant 0 : i32
    %dma_wait3A_40 = arith.constant 0 : i32
    %dma_wait3A_41 = arith.constant 0 : i32
    %dma_wait3A_42 = arith.constant 0 : i32
    %dma_wait3A_43 = tpu.memref_slice %arg9[%dma_wait3A_40, %dma_wait3A_41, %dma_wait3A_42] : memref<2x80x128xf32, #tpu.memory_space<vmem>> -> memref<1x80x128xf32, #tpu.memory_space<vmem>>
    %dma_wait3A_44 = tpu.memref_squeeze %dma_wait3A_43 : memref<1x80x128xf32, #tpu.memory_space<vmem>> -> memref<80x128xf32, #tpu.memory_space<vmem>>
    %dma_wait3A_45 = arith.constant 0 : i32
    %dma_wait3A_46 = tpu.memref_slice %arg7[%dma_wait3A_39, %dma_wait3A_45] : memref<2x80xi32, #tpu.memory_space<vmem>> -> memref<1x80xi32, #tpu.memory_space<vmem>>
    %dma_wait3A_47 = tpu.memref_squeeze %dma_wait3A_46 : memref<1x80xi32, #tpu.memory_space<vmem>> -> memref<80xi32, #tpu.memory_space<vmem>>
    %dma_wait3A_48 = arith.constant 0 : i32
    %dma_wait3A_49 = arith.constant 0 : i32
    %dma_wait3A_50 = tpu.memref_slice %arg2[%dma_wait3A_48, %dma_wait3A_49] : memref<10000x128xf32, #tpu.memory_space<hbm>> -> memref<10000x128xf32, #tpu.memory_space<hbm>>
    tpu.wait_indirect_dma semaphore(%arg12 : memref<!tpu.dma_semaphore, #tpu.memory_space<semaphore_mem>>) src(%dma_wait3A_50 : memref<10000x128xf32, #tpu.memory_space<hbm>>) dst(%dma_wait3A_44 : memref<80x128xf32, #tpu.memory_space<vmem>>)
    %scan3A_51 = arith.constant 0 : i32
    %scan3A_52 = arith.constant 0 : i32
    %scan3A_53 = arith.constant 80 : i32
    %scan3A_54 = arith.addi %scan3A_52, %scan3A_53 : i32
    %scan3A_55 = arith.constant 1 : i32
    scf.for %scan3A_103 = %scan3A_52 to %scan3A_54 step %scan3A_55  : i32 {
      %get3A = arith.constant 0 : i32
      %get3A_104 = arith.index_cast %get3A : i32 to index
      %get3A_105 = arith.index_cast %scan3A_103 : i32 to index
      %get3A_106 = arith.constant 0 : index
      %get3A_107 = tpu.vector_load %arg9[%get3A_104, %get3A_105, %get3A_106] {strides = array<i32>} : memref<2x80x128xf32, #tpu.memory_space<vmem>>, vector<1x1x16xf32>,
      %get3A_108 = vector.shape_cast %get3A_107 : vector<1x1x16xf32> to vector<16xf32>
      %get3A_109 = arith.index_cast %scan3A_103 : i32 to index
      %get3A_110 = arith.constant 0 : index
      %get3A_111 = tpu.vector_load %arg10[%get3A_109, %get3A_110] {strides = array<i32>} : memref<80x128xf32, #tpu.memory_space<vmem>>, vector<1x16xf32>,
      %get3A_112 = vector.shape_cast %get3A_111 : vector<1x16xf32> to vector<16xf32>
      %mul3A_113 = arith.mulf %get3A_108, %get3A_112 : vector<16xf32>
      %swap3A = arith.constant 0 : i32
      %swap3A_114 = arith.index_cast %swap3A : i32 to index
      %swap3A_115 = arith.index_cast %scan3A_103 : i32 to index
      %swap3A_116 = arith.constant 0 : index
      %swap3A_117 = tpu.vector_load %arg9[%swap3A_114, %swap3A_115, %swap3A_116] {strides = array<i32>} : memref<2x80x128xf32, #tpu.memory_space<vmem>>, vector<1x1x16xf32>,
      %swap3A_118 = vector.shape_cast %swap3A_117 : vector<1x1x16xf32> to vector<16xf32>
      %swap3A_119 = vector.shape_cast %mul3A_113 : vector<16xf32> to vector<1x1x16xf32>
      tpu.vector_store %arg9[%swap3A_114, %swap3A_115, %swap3A_116], %swap3A_119 {strides = array<i32>} : memref<2x80x128xf32, #tpu.memory_space<vmem>>, vector<1x1x16xf32>,
      %get3A_120 = arith.constant 0 : i32
      %get3A_121 = arith.index_cast %get3A_120 : i32 to index
      %get3A_122 = arith.index_cast %scan3A_103 : i32 to index
      %get3A_123 = arith.constant 16 : index
      %get3A_124 = tpu.vector_load %arg9[%get3A_121, %get3A_122, %get3A_123] {strides = array<i32>} : memref<2x80x128xf32, #tpu.memory_space<vmem>>, vector<1x1x16xf32>,
      %get3A_125 = vector.shape_cast %get3A_124 : vector<1x1x16xf32> to vector<16xf32>
      %get3A_126 = arith.index_cast %scan3A_103 : i32 to index
      %get3A_127 = arith.constant 16 : index
      %get3A_128 = tpu.vector_load %arg10[%get3A_126, %get3A_127] {strides = array<i32>} : memref<80x128xf32, #tpu.memory_space<vmem>>, vector<1x16xf32>,
      %get3A_129 = vector.shape_cast %get3A_128 : vector<1x16xf32> to vector<16xf32>
      %mul3A_130 = arith.mulf %get3A_125, %get3A_129 : vector<16xf32>
      %swap3A_131 = arith.constant 0 : i32
      %swap3A_132 = arith.index_cast %swap3A_131 : i32 to index
      %swap3A_133 = arith.index_cast %scan3A_103 : i32 to index
      %swap3A_134 = arith.constant 16 : index
      %swap3A_135 = tpu.vector_load %arg9[%swap3A_132, %swap3A_133, %swap3A_134] {strides = array<i32>} : memref<2x80x128xf32, #tpu.memory_space<vmem>>, vector<1x1x16xf32>,
      %swap3A_136 = vector.shape_cast %swap3A_135 : vector<1x1x16xf32> to vector<16xf32>
      %swap3A_137 = vector.shape_cast %mul3A_130 : vector<16xf32> to vector<1x1x16xf32>
      tpu.vector_store %arg9[%swap3A_132, %swap3A_133, %swap3A_134], %swap3A_137 {strides = array<i32>} : memref<2x80x128xf32, #tpu.memory_space<vmem>>, vector<1x1x16xf32>,
      %get3A_138 = arith.constant 0 : i32
      %get3A_139 = arith.index_cast %get3A_138 : i32 to index
      %get3A_140 = arith.index_cast %scan3A_103 : i32 to index
      %get3A_141 = arith.constant 32 : index
      %get3A_142 = tpu.vector_load %arg9[%get3A_139, %get3A_140, %get3A_141] {strides = array<i32>} : memref<2x80x128xf32, #tpu.memory_space<vmem>>, vector<1x1x16xf32>,
      %get3A_143 = vector.shape_cast %get3A_142 : vector<1x1x16xf32> to vector<16xf32>
      %get3A_144 = arith.index_cast %scan3A_103 : i32 to index
      %get3A_145 = arith.constant 32 : index
      %get3A_146 = tpu.vector_load %arg10[%get3A_144, %get3A_145] {strides = array<i32>} : memref<80x128xf32, #tpu.memory_space<vmem>>, vector<1x16xf32>,
      %get3A_147 = vector.shape_cast %get3A_146 : vector<1x16xf32> to vector<16xf32>
      %mul3A_148 = arith.mulf %get3A_143, %get3A_147 : vector<16xf32>
      %swap3A_149 = arith.constant 0 : i32
      %swap3A_150 = arith.index_cast %swap3A_149 : i32 to index
      %swap3A_151 = arith.index_cast %scan3A_103 : i32 to index
      %swap3A_152 = arith.constant 32 : index
      %swap3A_153 = tpu.vector_load %arg9[%swap3A_150, %swap3A_151, %swap3A_152] {strides = array<i32>} : memref<2x80x128xf32, #tpu.memory_space<vmem>>, vector<1x1x16xf32>,
      %swap3A_154 = vector.shape_cast %swap3A_153 : vector<1x1x16xf32> to vector<16xf32>
      %swap3A_155 = vector.shape_cast %mul3A_148 : vector<16xf32> to vector<1x1x16xf32>
      tpu.vector_store %arg9[%swap3A_150, %swap3A_151, %swap3A_152], %swap3A_155 {strides = array<i32>} : memref<2x80x128xf32, #tpu.memory_space<vmem>>, vector<1x1x16xf32>,
      %get3A_156 = arith.constant 0 : i32
      %get3A_157 = arith.index_cast %get3A_156 : i32 to index
      %get3A_158 = arith.index_cast %scan3A_103 : i32 to index
      %get3A_159 = arith.constant 48 : index
      %get3A_160 = tpu.vector_load %arg9[%get3A_157, %get3A_158, %get3A_159] {strides = array<i32>} : memref<2x80x128xf32, #tpu.memory_space<vmem>>, vector<1x1x16xf32>,
      %get3A_161 = vector.shape_cast %get3A_160 : vector<1x1x16xf32> to vector<16xf32>
      %get3A_162 = arith.index_cast %scan3A_103 : i32 to index
      %get3A_163 = arith.constant 48 : index
      %get3A_164 = tpu.vector_load %arg10[%get3A_162, %get3A_163] {strides = array<i32>} : memref<80x128xf32, #tpu.memory_space<vmem>>, vector<1x16xf32>,
      %get3A_165 = vector.shape_cast %get3A_164 : vector<1x16xf32> to vector<16xf32>
      %mul3A_166 = arith.mulf %get3A_161, %get3A_165 : vector<16xf32>
      %swap3A_167 = arith.constant 0 : i32
      %swap3A_168 = arith.index_cast %swap3A_167 : i32 to index
      %swap3A_169 = arith.index_cast %scan3A_103 : i32 to index
      %swap3A_170 = arith.constant 48 : index
      %swap3A_171 = tpu.vector_load %arg9[%swap3A_168, %swap3A_169, %swap3A_170] {strides = array<i32>} : memref<2x80x128xf32, #tpu.memory_space<vmem>>, vector<1x1x16xf32>,
      %swap3A_172 = vector.shape_cast %swap3A_171 : vector<1x1x16xf32> to vector<16xf32>
      %swap3A_173 = vector.shape_cast %mul3A_166 : vector<16xf32> to vector<1x1x16xf32>
      tpu.vector_store %arg9[%swap3A_168, %swap3A_169, %swap3A_170], %swap3A_173 {strides = array<i32>} : memref<2x80x128xf32, #tpu.memory_space<vmem>>, vector<1x1x16xf32>,
      %get3A_174 = arith.constant 0 : i32
      %get3A_175 = arith.index_cast %get3A_174 : i32 to index
      %get3A_176 = arith.index_cast %scan3A_103 : i32 to index
      %get3A_177 = arith.constant 64 : index
      %get3A_178 = tpu.vector_load %arg9[%get3A_175, %get3A_176, %get3A_177] {strides = array<i32>} : memref<2x80x128xf32, #tpu.memory_space<vmem>>, vector<1x1x16xf32>,
      %get3A_179 = vector.shape_cast %get3A_178 : vector<1x1x16xf32> to vector<16xf32>
      %get3A_180 = arith.index_cast %scan3A_103 : i32 to index
      %get3A_181 = arith.constant 64 : index
      %get3A_182 = tpu.vector_load %arg10[%get3A_180, %get3A_181] {strides = array<i32>} : memref<80x128xf32, #tpu.memory_space<vmem>>, vector<1x16xf32>,
      %get3A_183 = vector.shape_cast %get3A_182 : vector<1x16xf32> to vector<16xf32>
      %mul3A_184 = arith.mulf %get3A_179, %get3A_183 : vector<16xf32>
      %swap3A_185 = arith.constant 0 : i32
      %swap3A_186 = arith.index_cast %swap3A_185 : i32 to index
      %swap3A_187 = arith.index_cast %scan3A_103 : i32 to index
      %swap3A_188 = arith.constant 64 : index
      %swap3A_189 = tpu.vector_load %arg9[%swap3A_186, %swap3A_187, %swap3A_188] {strides = array<i32>} : memref<2x80x128xf32, #tpu.memory_space<vmem>>, vector<1x1x16xf32>,
      %swap3A_190 = vector.shape_cast %swap3A_189 : vector<1x1x16xf32> to vector<16xf32>
      %swap3A_191 = vector.shape_cast %mul3A_184 : vector<16xf32> to vector<1x1x16xf32>
      tpu.vector_store %arg9[%swap3A_186, %swap3A_187, %swap3A_188], %swap3A_191 {strides = array<i32>} : memref<2x80x128xf32, #tpu.memory_space<vmem>>, vector<1x1x16xf32>,
      %get3A_192 = arith.constant 0 : i32
      %get3A_193 = arith.index_cast %get3A_192 : i32 to index
      %get3A_194 = arith.index_cast %scan3A_103 : i32 to index
      %get3A_195 = arith.constant 80 : index
      %get3A_196 = tpu.vector_load %arg9[%get3A_193, %get3A_194, %get3A_195] {strides = array<i32>} : memref<2x80x128xf32, #tpu.memory_space<vmem>>, vector<1x1x16xf32>,
      %get3A_197 = vector.shape_cast %get3A_196 : vector<1x1x16xf32> to vector<16xf32>
      %get3A_198 = arith.index_cast %scan3A_103 : i32 to index
      %get3A_199 = arith.constant 80 : index
      %get3A_200 = tpu.vector_load %arg10[%get3A_198, %get3A_199] {strides = array<i32>} : memref<80x128xf32, #tpu.memory_space<vmem>>, vector<1x16xf32>,
      %get3A_201 = vector.shape_cast %get3A_200 : vector<1x16xf32> to vector<16xf32>
      %mul3A_202 = arith.mulf %get3A_197, %get3A_201 : vector<16xf32>
      %swap3A_203 = arith.constant 0 : i32
      %swap3A_204 = arith.index_cast %swap3A_203 : i32 to index
      %swap3A_205 = arith.index_cast %scan3A_103 : i32 to index
      %swap3A_206 = arith.constant 80 : index
      %swap3A_207 = tpu.vector_load %arg9[%swap3A_204, %swap3A_205, %swap3A_206] {strides = array<i32>} : memref<2x80x128xf32, #tpu.memory_space<vmem>>, vector<1x1x16xf32>,
      %swap3A_208 = vector.shape_cast %swap3A_207 : vector<1x1x16xf32> to vector<16xf32>
      %swap3A_209 = vector.shape_cast %mul3A_202 : vector<16xf32> to vector<1x1x16xf32>
      tpu.vector_store %arg9[%swap3A_204, %swap3A_205, %swap3A_206], %swap3A_209 {strides = array<i32>} : memref<2x80x128xf32, #tpu.memory_space<vmem>>, vector<1x1x16xf32>,
      %get3A_210 = arith.constant 0 : i32
      %get3A_211 = arith.index_cast %get3A_210 : i32 to index
      %get3A_212 = arith.index_cast %scan3A_103 : i32 to index
      %get3A_213 = arith.constant 96 : index
      %get3A_214 = tpu.vector_load %arg9[%get3A_211, %get3A_212, %get3A_213] {strides = array<i32>} : memref<2x80x128xf32, #tpu.memory_space<vmem>>, vector<1x1x16xf32>,
      %get3A_215 = vector.shape_cast %get3A_214 : vector<1x1x16xf32> to vector<16xf32>
      %get3A_216 = arith.index_cast %scan3A_103 : i32 to index
      %get3A_217 = arith.constant 96 : index
      %get3A_218 = tpu.vector_load %arg10[%get3A_216, %get3A_217] {strides = array<i32>} : memref<80x128xf32, #tpu.memory_space<vmem>>, vector<1x16xf32>,
      %get3A_219 = vector.shape_cast %get3A_218 : vector<1x16xf32> to vector<16xf32>
      %mul3A_220 = arith.mulf %get3A_215, %get3A_219 : vector<16xf32>
      %swap3A_221 = arith.constant 0 : i32
      %swap3A_222 = arith.index_cast %swap3A_221 : i32 to index
      %swap3A_223 = arith.index_cast %scan3A_103 : i32 to index
      %swap3A_224 = arith.constant 96 : index
      %swap3A_225 = tpu.vector_load %arg9[%swap3A_222, %swap3A_223, %swap3A_224] {strides = array<i32>} : memref<2x80x128xf32, #tpu.memory_space<vmem>>, vector<1x1x16xf32>,
      %swap3A_226 = vector.shape_cast %swap3A_225 : vector<1x1x16xf32> to vector<16xf32>
      %swap3A_227 = vector.shape_cast %mul3A_220 : vector<16xf32> to vector<1x1x16xf32>
      tpu.vector_store %arg9[%swap3A_222, %swap3A_223, %swap3A_224], %swap3A_227 {strides = array<i32>} : memref<2x80x128xf32, #tpu.memory_space<vmem>>, vector<1x1x16xf32>,
      %get3A_228 = arith.constant 0 : i32
      %get3A_229 = arith.index_cast %get3A_228 : i32 to index
      %get3A_230 = arith.index_cast %scan3A_103 : i32 to index
      %get3A_231 = arith.constant 112 : index
      %get3A_232 = tpu.vector_load %arg9[%get3A_229, %get3A_230, %get3A_231] {strides = array<i32>} : memref<2x80x128xf32, #tpu.memory_space<vmem>>, vector<1x1x16xf32>,
      %get3A_233 = vector.shape_cast %get3A_232 : vector<1x1x16xf32> to vector<16xf32>
      %get3A_234 = arith.index_cast %scan3A_103 : i32 to index
      %get3A_235 = arith.constant 112 : index
      %get3A_236 = tpu.vector_load %arg10[%get3A_234, %get3A_235] {strides = array<i32>} : memref<80x128xf32, #tpu.memory_space<vmem>>, vector<1x16xf32>,
      %get3A_237 = vector.shape_cast %get3A_236 : vector<1x16xf32> to vector<16xf32>
      %mul3A_238 = arith.mulf %get3A_233, %get3A_237 : vector<16xf32>
      %swap3A_239 = arith.constant 0 : i32
      %swap3A_240 = arith.index_cast %swap3A_239 : i32 to index
      %swap3A_241 = arith.index_cast %scan3A_103 : i32 to index
      %swap3A_242 = arith.constant 112 : index
      %swap3A_243 = tpu.vector_load %arg9[%swap3A_240, %swap3A_241, %swap3A_242] {strides = array<i32>} : memref<2x80x128xf32, #tpu.memory_space<vmem>>, vector<1x1x16xf32>,
      %swap3A_244 = vector.shape_cast %swap3A_243 : vector<1x1x16xf32> to vector<16xf32>
      %swap3A_245 = vector.shape_cast %mul3A_238 : vector<16xf32> to vector<1x1x16xf32>
      tpu.vector_store %arg9[%swap3A_240, %swap3A_241, %swap3A_242], %swap3A_245 {strides = array<i32>} : memref<2x80x128xf32, #tpu.memory_space<vmem>>, vector<1x1x16xf32>,
    }
    %scan3A_56 = arith.constant 80 : i32
    %dma_start3A_57 = arith.constant 0 : i32
    %dma_start3A_58 = arith.constant 0 : i32
    %dma_start3A_59 = arith.constant 0 : i32
    %dma_start3A_60 = arith.constant 0 : i32
    %dma_start3A_61 = tpu.memref_slice %arg9[%dma_start3A_57, %dma_start3A_59, %dma_start3A_60] : memref<2x80x128xf32, #tpu.memory_space<vmem>> -> memref<1x80x128xf32, #tpu.memory_space<vmem>>
    %dma_start3A_62 = tpu.memref_squeeze %dma_start3A_61 : memref<1x80x128xf32, #tpu.memory_space<vmem>> -> memref<80x128xf32, #tpu.memory_space<vmem>>
    %dma_start3A_63 = arith.constant 0 : i32
    %dma_start3A_64 = tpu.memref_slice %arg8[%dma_start3A_58, %dma_start3A_63] : memref<2x80xi32, #tpu.memory_space<vmem>> -> memref<1x80xi32, #tpu.memory_space<vmem>>
    %dma_start3A_65 = tpu.memref_squeeze %dma_start3A_64 : memref<1x80xi32, #tpu.memory_space<vmem>> -> memref<80xi32, #tpu.memory_space<vmem>>
    %dma_start3A_66 = arith.constant 0 : i32
    %dma_start3A_67 = arith.constant 0 : i32
    %dma_start3A_68 = tpu.memref_slice %arg11[%dma_start3A_66, %dma_start3A_67] : memref<10000x128xf32, #tpu.memory_space<vmem_shared>> -> memref<10000x128xf32, #tpu.memory_space<vmem_shared>>
    tpu.enqueue_indirect_dma source(%dma_start3A_62 : memref<80x128xf32, #tpu.memory_space<vmem>>) target(%dma_start3A_68 : memref<10000x128xf32, #tpu.memory_space<vmem_shared>>) offsets(%dma_start3A_65 : memref<80xi32, #tpu.memory_space<vmem>>) semaphore(%arg13 : memref<!tpu.dma_semaphore, #tpu.memory_space<semaphore_mem>>) {add = true}
    %dma_wait3A_69 = arith.constant 0 : i32
    %dma_wait3A_70 = arith.constant 0 : i32
    %dma_wait3A_71 = arith.constant 0 : i32
    %dma_wait3A_72 = arith.constant 0 : i32
    %dma_wait3A_73 = tpu.memref_slice %arg9[%dma_wait3A_69, %dma_wait3A_71, %dma_wait3A_72] : memref<2x80x128xf32, #tpu.memory_space<vmem>> -> memref<1x80x128xf32, #tpu.memory_space<vmem>>
    %dma_wait3A_74 = tpu.memref_squeeze %dma_wait3A_73 : memref<1x80x128xf32, #tpu.memory_space<vmem>> -> memref<80x128xf32, #tpu.memory_space<vmem>>
    %dma_wait3A_75 = arith.constant 0 : i32
    %dma_wait3A_76 = tpu.memref_slice %arg8[%dma_wait3A_70, %dma_wait3A_75] : memref<2x80xi32, #tpu.memory_space<vmem>> -> memref<1x80xi32, #tpu.memory_space<vmem>>
    %dma_wait3A_77 = tpu.memref_squeeze %dma_wait3A_76 : memref<1x80xi32, #tpu.memory_space<vmem>> -> memref<80xi32, #tpu.memory_space<vmem>>
    %dma_wait3A_78 = arith.constant 0 : i32
    %dma_wait3A_79 = arith.constant 0 : i32
    %dma_wait3A_80 = tpu.memref_slice %arg11[%dma_wait3A_78, %dma_wait3A_79] : memref<10000x128xf32, #tpu.memory_space<vmem_shared>> -> memref<10000x128xf32, #tpu.memory_space<vmem_shared>>
    tpu.wait_indirect_dma semaphore(%arg13 : memref<!tpu.dma_semaphore, #tpu.memory_space<semaphore_mem>>) src(%dma_wait3A_74 : memref<80x128xf32, #tpu.memory_space<vmem>>) dst(%dma_wait3A_80 : memref<10000x128xf32, #tpu.memory_space<vmem_shared>>)
    %dma_wait3A_81 = arith.constant 1 : i32
    %dma_wait3A_82 = arith.constant 1 : i32
    %dma_wait3A_83 = arith.constant 0 : i32
    %dma_wait3A_84 = arith.constant 0 : i32
    %dma_wait3A_85 = tpu.memref_slice %arg9[%dma_wait3A_81, %dma_wait3A_83, %dma_wait3A_84] : memref<2x80x128xf32, #tpu.memory_space<vmem>> -> memref<1x80x128xf32, #tpu.memory_space<vmem>>
    %dma_wait3A_86 = tpu.memref_squeeze %dma_wait3A_85 : memref<1x80x128xf32, #tpu.memory_space<vmem>> -> memref<80x128xf32, #tpu.memory_space<vmem>>
    %dma_wait3A_87 = arith.constant 0 : i32
    %dma_wait3A_88 = tpu.memref_slice %arg8[%dma_wait3A_82, %dma_wait3A_87] : memref<2x80xi32, #tpu.memory_space<vmem>> -> memref<1x80xi32, #tpu.memory_space<vmem>>
    %dma_wait3A_89 = tpu.memref_squeeze %dma_wait3A_88 : memref<1x80xi32, #tpu.memory_space<vmem>> -> memref<80xi32, #tpu.memory_space<vmem>>
    %dma_wait3A_90 = arith.constant 0 : i32
    %dma_wait3A_91 = arith.constant 0 : i32
    %dma_wait3A_92 = tpu.memref_slice %arg11[%dma_wait3A_90, %dma_wait3A_91] : memref<10000x128xf32, #tpu.memory_space<vmem_shared>> -> memref<10000x128xf32, #tpu.memory_space<vmem_shared>>
    tpu.wait_indirect_dma semaphore(%arg14 : memref<!tpu.dma_semaphore, #tpu.memory_space<semaphore_mem>>) src(%dma_wait3A_86 : memref<80x128xf32, #tpu.memory_space<vmem>>) dst(%dma_wait3A_92 : memref<10000x128xf32, #tpu.memory_space<vmem_shared>>)
    %barrier3A_93 = arith.constant 0 : index
    tpu.barrier barrier_id(%barrier3A_93)
    %mul3A_94 = arith.constant 624 : i32
    %mul3A_95 = arith.muli %arg1, %mul3A_94 : i32
    %mul3A_96 = arith.constant 624 : i32
    %mul3A_97 = arith.muli %arg1, %mul3A_96 : i32
    "tpu.region"() ({
      %run_scoped3A_103 = tpu.sem_alloc : memref<!tpu.dma_semaphore, #tpu.memory_space<semaphore_mem>>
      %dma_start3A_104 = arith.constant 0 : i32
      %dma_start3A_105 = tpu.memref_slice %arg6[%arg0, %mul3A_97, %dma_start3A_104] : memref<2x10000x128xf32, #tpu.memory_space<hbm>> -> memref<1x624x128xf32, #tpu.memory_space<hbm>>
      %dma_start3A_106 = tpu.memref_squeeze %dma_start3A_105 : memref<1x624x128xf32, #tpu.memory_space<hbm>> -> memref<624x128xf32, #tpu.memory_space<hbm>>
      %dma_start3A_107 = arith.constant 0 : i32
      %dma_start3A_108 = tpu.memref_slice %arg11[%mul3A_95, %dma_start3A_107] : memref<10000x128xf32, #tpu.memory_space<vmem_shared>> -> memref<624x128xf32, #tpu.memory_space<vmem_shared>>
      tpu.enqueue_dma source(%dma_start3A_108 : memref<624x128xf32, #tpu.memory_space<vmem_shared>>) target(%dma_start3A_106 : memref<624x128xf32, #tpu.memory_space<hbm>>) target_semaphore(%run_scoped3A_103 : memref<!tpu.dma_semaphore, #tpu.memory_space<semaphore_mem>>)
      %dma_wait3A_109 = arith.constant 0 : i32
      %dma_wait3A_110 = tpu.memref_slice %arg6[%arg0, %mul3A_97, %dma_wait3A_109] : memref<2x10000x128xf32, #tpu.memory_space<hbm>> -> memref<1x624x128xf32, #tpu.memory_space<hbm>>
      %dma_wait3A_111 = tpu.memref_squeeze %dma_wait3A_110 : memref<1x624x128xf32, #tpu.memory_space<hbm>> -> memref<624x128xf32, #tpu.memory_space<hbm>>
      %dma_wait3A_112 = arith.constant 0 : i32
      %dma_wait3A_113 = tpu.memref_slice %arg11[%mul3A_95, %dma_wait3A_112] : memref<10000x128xf32, #tpu.memory_space<vmem_shared>> -> memref<624x128xf32, #tpu.memory_space<vmem_shared>>
      tpu.wait_dma2 semaphore(%run_scoped3A_103 : memref<!tpu.dma_semaphore, #tpu.memory_space<semaphore_mem>>) src(%dma_wait3A_113 : memref<624x128xf32, #tpu.memory_space<vmem_shared>>) dst(%dma_wait3A_111 : memref<624x128xf32, #tpu.memory_space<hbm>>)
      tpu.yield
    }) : () -> ()
    %eq3A_98 = arith.constant 0 : i32
    %eq3A_99 = arith.cmpi eq, %arg1, %eq3A_98 : i32
    %convert_element_type3A_100 = arith.extui %eq3A_99 : i1 to i32
    %cond3A_101 = arith.constant 0 : i32
    %cond3A_102 = arith.cmpi ne, %convert_element_type3A_100, %cond3A_101 : i32
    scf.if %cond3A_102 {
      "tpu.region"() ({
        %run_scoped3A_103 = tpu.sem_alloc : memref<!tpu.dma_semaphore, #tpu.memory_space<semaphore_mem>>
        %dma_start3A_104 = arith.constant 9984 : i32
        %dma_start3A_105 = arith.constant 0 : i32
        %dma_start3A_106 = tpu.memref_slice %arg6[%arg0, %dma_start3A_104, %dma_start3A_105] : memref<2x10000x128xf32, #tpu.memory_space<hbm>> -> memref<1x16x128xf32, #tpu.memory_space<hbm>>
        %dma_start3A_107 = tpu.memref_squeeze %dma_start3A_106 : memref<1x16x128xf32, #tpu.memory_space<hbm>> -> memref<16x128xf32, #tpu.memory_space<hbm>>
        %dma_start3A_108 = arith.constant 9984 : i32
        %dma_start3A_109 = arith.constant 0 : i32
        %dma_start3A_110 = tpu.memref_slice %arg11[%dma_start3A_108, %dma_start3A_109] : memref<10000x128xf32, #tpu.memory_space<vmem_shared>> -> memref<16x128xf32, #tpu.memory_space<vmem_shared>>
        tpu.enqueue_dma source(%dma_start3A_110 : memref<16x128xf32, #tpu.memory_space<vmem_shared>>) target(%dma_start3A_107 : memref<16x128xf32, #tpu.memory_space<hbm>>) target_semaphore(%run_scoped3A_103 : memref<!tpu.dma_semaphore, #tpu.memory_space<semaphore_mem>>)
        %dma_wait3A_111 = arith.constant 9984 : i32
        %dma_wait3A_112 = arith.constant 0 : i32
        %dma_wait3A_113 = tpu.memref_slice %arg6[%arg0, %dma_wait3A_111, %dma_wait3A_112] : memref<2x10000x128xf32, #tpu.memory_space<hbm>> -> memref<1x16x128xf32, #tpu.memory_space<hbm>>
        %dma_wait3A_114 = tpu.memref_squeeze %dma_wait3A_113 : memref<1x16x128xf32, #tpu.memory_space<hbm>> -> memref<16x128xf32, #tpu.memory_space<hbm>>
        %dma_wait3A_115 = arith.constant 9984 : i32
        %dma_wait3A_116 = arith.constant 0 : i32
        %dma_wait3A_117 = tpu.memref_slice %arg11[%dma_wait3A_115, %dma_wait3A_116] : memref<10000x128xf32, #tpu.memory_space<vmem_shared>> -> memref<16x128xf32, #tpu.memory_space<vmem_shared>>
        tpu.wait_dma2 semaphore(%run_scoped3A_103 : memref<!tpu.dma_semaphore, #tpu.memory_space<semaphore_mem>>) src(%dma_wait3A_117 : memref<16x128xf32, #tpu.memory_space<vmem_shared>>) dst(%dma_wait3A_114 : memref<16x128xf32, #tpu.memory_space<hbm>>)
        tpu.yield
      }) : () -> ()
    } else {
    }
    return
  }
}

module attributes {stable_mosaic.version = 14 : i64} {
  func.func @_matmul_bias_body(%arg0: i32, %arg1: memref<4000x16xf32, #tpu.memory_space<vmem>>, %arg2: memref<16x128xf32, #tpu.memory_space<vmem>>, %arg3: memref<1x128xf32, #tpu.memory_space<vmem>>, %arg4: memref<4000x128xf32, #tpu.memory_space<vmem>>) attributes {dimension_semantics = [#tpu.dimension_semantics<arbitrary>], iteration_bounds = array<i64: 80>, scalar_prefetch = 0 : i64, scratch_operands = 0 : i64, tpu.core_type = #tpu.core_type<tc>, window_params = [{transform_indices = @transform_0, window_bounds = array<i64: 4000, 16>}, {pipeline_mode = #tpu.pipeline_mode<synchronous>, transform_indices = @transform_1, window_bounds = array<i64: 16, 128>}, {pipeline_mode = #tpu.pipeline_mode<synchronous>, transform_indices = @transform_2, window_bounds = array<i64: 1, 128>}, {transform_indices = @transform_3, window_bounds = array<i64: 4000, 128>}]} {
    %get3A = arith.constant 0 : index
    %get3A_0 = arith.constant 0 : index
    %get3A_1 = vector.load %arg1[%get3A, %get3A_0] : memref<4000x16xf32, #tpu.memory_space<vmem>>, vector<4000x16xf32>
    %get3A_2 = arith.constant 0 : index
    %get3A_3 = arith.constant 0 : index
    %get3A_4 = vector.load %arg2[%get3A_2, %get3A_3] : memref<16x128xf32, #tpu.memory_space<vmem>>, vector<16x128xf32>
    %dot_general3A = arith.constant dense<0.000000e+00> : vector<4000x128xf32>
    %dot_general3A_5 = tpu.matmul %get3A_1, %get3A_4, %dot_general3A {dimension_numbers = #tpu.dot_dimension_numbers<[1], [0], [0], [1], [0, 0, 1, 1], [], []>, transpose_lhs_hint = false} : vector<4000x16xf32>, vector<16x128xf32>, vector<4000x128xf32> -> vector<4000x128xf32>
    %get3A_6 = arith.constant 0 : index
    %get3A_7 = arith.constant 0 : index
    %get3A_8 = vector.load %arg3[%get3A_6, %get3A_7] : memref<1x128xf32, #tpu.memory_space<vmem>>, vector<1x128xf32>
    %add3A = vector.broadcast %get3A_8 : vector<1x128xf32> to vector<4000x128xf32>
    %add3A_9 = arith.addf %dot_general3A_5, %add3A : vector<4000x128xf32>
    %swap3A = arith.constant 0 : index
    %swap3A_10 = arith.constant 0 : index
    %swap3A_11 = vector.load %arg4[%swap3A, %swap3A_10] : memref<4000x128xf32, #tpu.memory_space<vmem>>, vector<4000x128xf32>
    tpu.vector_store %arg4[%swap3A, %swap3A_10], %add3A_9 {strides = array<i32>} : memref<4000x128xf32, #tpu.memory_space<vmem>>, vector<4000x128xf32>,
    return
  }
  func.func @transform_0(%arg0: i32) -> (i32, i32) {
    %c0_i32 = arith.constant 0 : i32
    %c0_i32_0 = arith.constant 0 : i32
    return %arg0, %c0_i32 : i32, i32
  }
  func.func @transform_1(%arg0: i32) -> (i32, i32) {
    %c0_i32 = arith.constant 0 : i32
    %c0_i32_0 = arith.constant 0 : i32
    %c0_i32_1 = arith.constant 0 : i32
    return %c0_i32, %c0_i32_0 : i32, i32
  }
  func.func @transform_2(%arg0: i32) -> (i32, i32) {
    %c0_i32 = arith.constant 0 : i32
    %c0_i32_0 = arith.constant 0 : i32
    %c0_i32_1 = arith.constant 0 : i32
    return %c0_i32, %c0_i32_0 : i32, i32
  }
  func.func @transform_3(%arg0: i32) -> (i32, i32) {
    %c0_i32 = arith.constant 0 : i32
    %c0_i32_0 = arith.constant 0 : i32
    return %arg0, %c0_i32 : i32, i32
  }
}

module attributes {stable_mosaic.version = 14 : i64} {
  func.func @_matmul_bias_body(%arg0: i32, %arg1: memref<2000x128xf32, #tpu.memory_space<vmem>>, %arg2: memref<128x128xf32, #tpu.memory_space<vmem>>, %arg3: memref<1x128xf32, #tpu.memory_space<vmem>>, %arg4: memref<2000x128xf32, #tpu.memory_space<vmem>>) attributes {dimension_semantics = [#tpu.dimension_semantics<arbitrary>], iteration_bounds = array<i64: 5>, scalar_prefetch = 0 : i64, scratch_operands = 0 : i64, tpu.core_type = #tpu.core_type<tc>, window_params = [{transform_indices = @transform_0, window_bounds = array<i64: 2000, 128>}, {pipeline_mode = #tpu.pipeline_mode<synchronous>, transform_indices = @transform_1, window_bounds = array<i64: 128, 128>}, {pipeline_mode = #tpu.pipeline_mode<synchronous>, transform_indices = @transform_2, window_bounds = array<i64: 1, 128>}, {transform_indices = @transform_3, window_bounds = array<i64: 2000, 128>}]} {
    %get3A = arith.constant 0 : index
    %get3A_0 = arith.constant 0 : index
    %get3A_1 = vector.load %arg1[%get3A, %get3A_0] : memref<2000x128xf32, #tpu.memory_space<vmem>>, vector<2000x128xf32>
    %get3A_2 = arith.constant 0 : index
    %get3A_3 = arith.constant 0 : index
    %get3A_4 = vector.load %arg2[%get3A_2, %get3A_3] : memref<128x128xf32, #tpu.memory_space<vmem>>, vector<128x128xf32>
    %dot_general3A = arith.constant dense<0.000000e+00> : vector<2000x128xf32>
    %dot_general3A_5 = tpu.matmul %get3A_1, %get3A_4, %dot_general3A {dimension_numbers = #tpu.dot_dimension_numbers<[1], [0], [0], [1], [0, 0, 1, 1], [], []>, transpose_lhs_hint = false} : vector<2000x128xf32>, vector<128x128xf32>, vector<2000x128xf32> -> vector<2000x128xf32>
    %get3A_6 = arith.constant 0 : index
    %get3A_7 = arith.constant 0 : index
    %get3A_8 = vector.load %arg3[%get3A_6, %get3A_7] : memref<1x128xf32, #tpu.memory_space<vmem>>, vector<1x128xf32>
    %add3A = vector.broadcast %get3A_8 : vector<1x128xf32> to vector<2000x128xf32>
    %add3A_9 = arith.addf %dot_general3A_5, %add3A : vector<2000x128xf32>
    %swap3A = arith.constant 0 : index
    %swap3A_10 = arith.constant 0 : index
    %swap3A_11 = vector.load %arg4[%swap3A, %swap3A_10] : memref<2000x128xf32, #tpu.memory_space<vmem>>, vector<2000x128xf32>
    tpu.vector_store %arg4[%swap3A, %swap3A_10], %add3A_9 {strides = array<i32>} : memref<2000x128xf32, #tpu.memory_space<vmem>>, vector<2000x128xf32>,
    return
  }
  func.func @transform_0(%arg0: i32) -> (i32, i32) {
    %c0_i32 = arith.constant 0 : i32
    %c0_i32_0 = arith.constant 0 : i32
    return %arg0, %c0_i32 : i32, i32
  }
  func.func @transform_1(%arg0: i32) -> (i32, i32) {
    %c0_i32 = arith.constant 0 : i32
    %c0_i32_0 = arith.constant 0 : i32
    %c0_i32_1 = arith.constant 0 : i32
    return %c0_i32, %c0_i32_0 : i32, i32
  }
  func.func @transform_2(%arg0: i32) -> (i32, i32) {
    %c0_i32 = arith.constant 0 : i32
    %c0_i32_0 = arith.constant 0 : i32
    %c0_i32_1 = arith.constant 0 : i32
    return %c0_i32, %c0_i32_0 : i32, i32
  }
  func.func @transform_3(%arg0: i32) -> (i32, i32) {
    %c0_i32 = arith.constant 0 : i32
    %c0_i32_0 = arith.constant 0 : i32
    return %arg0, %c0_i32 : i32, i32
  }
}

module attributes {stable_mosaic.version = 14 : i64} {
  func.func @_combine_body(%arg0: i32, %arg1: memref<1x2000x128xf32, #tpu.memory_space<vmem>>, %arg2: memref<1x2000x128xf32, #tpu.memory_space<vmem>>, %arg3: memref<2000x128xf32, #tpu.memory_space<vmem>>, %arg4: memref<2000x128xf32, #tpu.memory_space<vmem>>) attributes {dimension_semantics = [#tpu.dimension_semantics<arbitrary>], iteration_bounds = array<i64: 5>, scalar_prefetch = 0 : i64, scratch_operands = 0 : i64, tpu.core_type = #tpu.core_type<tc>, window_params = [{transform_indices = @transform_0, window_bounds = array<i64: 1, 2000, 128>}, {transform_indices = @transform_1, window_bounds = array<i64: 1, 2000, 128>}, {transform_indices = @transform_2, window_bounds = array<i64: 2000, 128>}, {transform_indices = @transform_3, window_bounds = array<i64: 2000, 128>}]} {
    %get3A = arith.constant 0 : index
    %get3A_0 = arith.constant 0 : index
    %get3A_1 = arith.constant 0 : index
    %get3A_2 = vector.load %arg1[%get3A, %get3A_0, %get3A_1] : memref<1x2000x128xf32, #tpu.memory_space<vmem>>, vector<1x2000x128xf32>
    %get3A_3 = vector.shape_cast %get3A_2 : vector<1x2000x128xf32> to vector<2000x128xf32>
    %get3A_4 = arith.constant 0 : index
    %get3A_5 = arith.constant 0 : index
    %get3A_6 = arith.constant 0 : index
    %get3A_7 = vector.load %arg2[%get3A_4, %get3A_5, %get3A_6] : memref<1x2000x128xf32, #tpu.memory_space<vmem>>, vector<1x2000x128xf32>
    %get3A_8 = vector.shape_cast %get3A_7 : vector<1x2000x128xf32> to vector<2000x128xf32>
    %add3A = arith.addf %get3A_3, %get3A_8 : vector<2000x128xf32>
    %get3A_9 = arith.constant 0 : index
    %get3A_10 = arith.constant 0 : index
    %get3A_11 = vector.load %arg3[%get3A_9, %get3A_10] : memref<2000x128xf32, #tpu.memory_space<vmem>>, vector<2000x128xf32>
    %sub3A = arith.subf %add3A, %get3A_11 : vector<2000x128xf32>
    %swap3A = arith.constant 0 : index
    %swap3A_12 = arith.constant 0 : index
    %swap3A_13 = vector.load %arg4[%swap3A, %swap3A_12] : memref<2000x128xf32, #tpu.memory_space<vmem>>, vector<2000x128xf32>
    tpu.vector_store %arg4[%swap3A, %swap3A_12], %sub3A {strides = array<i32>} : memref<2000x128xf32, #tpu.memory_space<vmem>>, vector<2000x128xf32>,
    return
  }
  func.func @transform_0(%arg0: i32) -> (i32, i32, i32) {
    %c0_i32 = arith.constant 0 : i32
    %c0_i32_0 = arith.constant 0 : i32
    %c0_i32_1 = arith.constant 0 : i32
    return %c0_i32, %arg0, %c0_i32_0 : i32, i32, i32
  }
  func.func @transform_1(%arg0: i32) -> (i32, i32, i32) {
    %c1_i32 = arith.constant 1 : i32
    %c0_i32 = arith.constant 0 : i32
    %c0_i32_0 = arith.constant 0 : i32
    return %c1_i32, %arg0, %c0_i32 : i32, i32, i32
  }
  func.func @transform_2(%arg0: i32) -> (i32, i32) {
    %c0_i32 = arith.constant 0 : i32
    %c0_i32_0 = arith.constant 0 : i32
    return %arg0, %c0_i32 : i32, i32
  }
  func.func @transform_3(%arg0: i32) -> (i32, i32) {
    %c0_i32 = arith.constant 0 : i32
    %c0_i32_0 = arith.constant 0 : i32
    return %arg0, %c0_i32 : i32, i32
  }
}

module attributes {stable_mosaic.version = 14 : i64} {
  func.func @_mlp_pool_body(%arg0: i32, %arg1: memref<1x2000x128xf32, #tpu.memory_space<vmem>>, %arg2: memref<1x2000x128xf32, #tpu.memory_space<vmem>>, %arg3: memref<2000x128xf32, #tpu.memory_space<vmem>>, %arg4: memref<128x128xf32, #tpu.memory_space<vmem>>, %arg5: memref<1x128xf32, #tpu.memory_space<vmem>>, %arg6: memref<128x64xf32, #tpu.memory_space<vmem>>, %arg7: memref<1x64xf32, #tpu.memory_space<vmem>>, %arg8: memref<64x1xf32, #tpu.memory_space<vmem>>, %arg9: memref<1x1x2000xi32, #tpu.memory_space<vmem>>, %arg10: memref<64x1xf32, #tpu.memory_space<vmem>>) attributes {dimension_semantics = [#tpu.dimension_semantics<arbitrary>], iteration_bounds = array<i64: 5>, scalar_prefetch = 0 : i64, scratch_operands = 0 : i64, tpu.core_type = #tpu.core_type<tc>, window_params = [{transform_indices = @transform_0, window_bounds = array<i64: 1, 2000, 128>}, {transform_indices = @transform_1, window_bounds = array<i64: 1, 2000, 128>}, {transform_indices = @transform_2, window_bounds = array<i64: 2000, 128>}, {pipeline_mode = #tpu.pipeline_mode<synchronous>, transform_indices = @transform_3, window_bounds = array<i64: 128, 128>}, {pipeline_mode = #tpu.pipeline_mode<synchronous>, transform_indices = @transform_4, window_bounds = array<i64: 1, 128>}, {pipeline_mode = #tpu.pipeline_mode<synchronous>, transform_indices = @transform_5, window_bounds = array<i64: 128, 64>}, {pipeline_mode = #tpu.pipeline_mode<synchronous>, transform_indices = @transform_6, window_bounds = array<i64: 1, 64>}, {pipeline_mode = #tpu.pipeline_mode<synchronous>, transform_indices = @transform_7, window_bounds = array<i64: 64, 1>}, {transform_indices = @transform_8, window_bounds = array<i64: 1, 1, 2000>}, {pipeline_mode = #tpu.pipeline_mode<synchronous>, transform_indices = @transform_9, window_bounds = array<i64: 64, 1>}]} {
    %get3A = arith.constant 0 : index
    %get3A_0 = arith.constant 0 : index
    %get3A_1 = arith.constant 0 : index
    %get3A_2 = vector.load %arg1[%get3A, %get3A_0, %get3A_1] : memref<1x2000x128xf32, #tpu.memory_space<vmem>>, vector<1x2000x128xf32>
    %get3A_3 = vector.shape_cast %get3A_2 : vector<1x2000x128xf32> to vector<2000x128xf32>
    %get3A_4 = arith.constant 0 : index
    %get3A_5 = arith.constant 0 : index
    %get3A_6 = arith.constant 0 : index
    %get3A_7 = vector.load %arg2[%get3A_4, %get3A_5, %get3A_6] : memref<1x2000x128xf32, #tpu.memory_space<vmem>>, vector<1x2000x128xf32>
    %get3A_8 = vector.shape_cast %get3A_7 : vector<1x2000x128xf32> to vector<2000x128xf32>
    %add3A = arith.addf %get3A_3, %get3A_8 : vector<2000x128xf32>
    %get3A_9 = arith.constant 0 : index
    %get3A_10 = arith.constant 0 : index
    %get3A_11 = vector.load %arg3[%get3A_9, %get3A_10] : memref<2000x128xf32, #tpu.memory_space<vmem>>, vector<2000x128xf32>
    %sub3A = arith.subf %add3A, %get3A_11 : vector<2000x128xf32>
    %max3A = arith.constant 0.000000e+00 : f32
    %max3A_12 = vector.broadcast %max3A : f32 to vector<2000x128xf32>
    %max3A_13 = arith.maximumf %sub3A, %max3A_12 : vector<2000x128xf32>
    %get3A_14 = arith.constant 0 : index
    %get3A_15 = arith.constant 0 : index
    %get3A_16 = vector.load %arg4[%get3A_14, %get3A_15] : memref<128x128xf32, #tpu.memory_space<vmem>>, vector<128x128xf32>
    %dot_general3A = arith.constant dense<0.000000e+00> : vector<2000x128xf32>
    %dot_general3A_17 = tpu.matmul %max3A_13, %get3A_16, %dot_general3A {dimension_numbers = #tpu.dot_dimension_numbers<[1], [0], [0], [1], [0, 0, 1, 1], [], []>, transpose_lhs_hint = false} : vector<2000x128xf32>, vector<128x128xf32>, vector<2000x128xf32> -> vector<2000x128xf32>
    %get3A_18 = arith.constant 0 : index
    %get3A_19 = arith.constant 0 : index
    %get3A_20 = vector.load %arg5[%get3A_18, %get3A_19] : memref<1x128xf32, #tpu.memory_space<vmem>>, vector<1x128xf32>
    %add3A_21 = vector.broadcast %get3A_20 : vector<1x128xf32> to vector<2000x128xf32>
    %add3A_22 = arith.addf %dot_general3A_17, %add3A_21 : vector<2000x128xf32>
    %max3A_23 = arith.constant 0.000000e+00 : f32
    %max3A_24 = vector.broadcast %max3A_23 : f32 to vector<2000x128xf32>
    %max3A_25 = arith.maximumf %add3A_22, %max3A_24 : vector<2000x128xf32>
    %get3A_26 = arith.constant 0 : index
    %get3A_27 = arith.constant 0 : index
    %get3A_28 = vector.load %arg6[%get3A_26, %get3A_27] : memref<128x64xf32, #tpu.memory_space<vmem>>, vector<128x64xf32>
    %dot_general3A_29 = arith.constant dense<0.000000e+00> : vector<2000x64xf32>
    %dot_general3A_30 = tpu.matmul %max3A_25, %get3A_28, %dot_general3A_29 {dimension_numbers = #tpu.dot_dimension_numbers<[1], [0], [0], [1], [0, 0, 1, 1], [], []>, transpose_lhs_hint = false} : vector<2000x128xf32>, vector<128x64xf32>, vector<2000x64xf32> -> vector<2000x64xf32>
    %get3A_31 = arith.constant 0 : index
    %get3A_32 = arith.constant 0 : index
    %get3A_33 = vector.load %arg7[%get3A_31, %get3A_32] : memref<1x64xf32, #tpu.memory_space<vmem>>, vector<1x64xf32>
    %add3A_34 = vector.broadcast %get3A_33 : vector<1x64xf32> to vector<2000x64xf32>
    %add3A_35 = arith.addf %dot_general3A_30, %add3A_34 : vector<2000x64xf32>
    %max3A_36 = arith.constant 0.000000e+00 : f32
    %max3A_37 = vector.broadcast %max3A_36 : f32 to vector<2000x64xf32>
    %max3A_38 = arith.maximumf %add3A_35, %max3A_37 : vector<2000x64xf32>
    %get3A_39 = arith.constant 0 : index
    %get3A_40 = arith.constant 0 : index
    %get3A_41 = vector.load %arg8[%get3A_39, %get3A_40] : memref<64x1xf32, #tpu.memory_space<vmem>>, vector<64x1xf32>
    %dot_general3A_42 = arith.constant dense<0.000000e+00> : vector<2000x1xf32>
    %dot_general3A_43 = tpu.matmul %max3A_38, %get3A_41, %dot_general3A_42 {dimension_numbers = #tpu.dot_dimension_numbers<[1], [0], [0], [1], [0, 0, 1, 1], [], []>, transpose_lhs_hint = false} : vector<2000x64xf32>, vector<64x1xf32>, vector<2000x1xf32> -> vector<2000x1xf32>
    %get3A_44 = arith.constant 0 : index
    %get3A_45 = arith.constant 0 : index
    %get3A_46 = arith.constant 0 : index
    %get3A_47 = vector.load %arg9[%get3A_44, %get3A_45, %get3A_46] : memref<1x1x2000xi32, #tpu.memory_space<vmem>>, vector<1x1x2000xi32>
    %reshape3A = vector.shape_cast %get3A_47 : vector<1x1x2000xi32> to vector<2000xi32>
    %iota3A = tpu.iota {dimensions = array<i32: 1>} : vector<2000x64xi32>
    %broadcast_in_dim3A = vector.shape_cast %reshape3A : vector<2000xi32> to vector<2000x1xi32>
    %eq3A = vector.broadcast %broadcast_in_dim3A : vector<2000x1xi32> to vector<2000x64xi32>
    %eq3A_48 = arith.cmpi eq, %eq3A, %iota3A : vector<2000x64xi32>
    %convert_element_type3A = arith.extui %eq3A_48 : vector<2000x64xi1> to vector<2000x64xi32>
    %convert_element_type3A_49 = arith.sitofp %convert_element_type3A : vector<2000x64xi32> to vector<2000x64xf32>
    %dot_general3A_50 = arith.constant dense<0.000000e+00> : vector<64x1xf32>
    %dot_general3A_51 = tpu.matmul %convert_element_type3A_49, %dot_general3A_43, %dot_general3A_50 {dimension_numbers = #tpu.dot_dimension_numbers<[0], [0], [1], [1], [0, 1, 1, 1], [], []>, transpose_lhs_hint = false} : vector<2000x64xf32>, vector<2000x1xf32>, vector<64x1xf32> -> vector<64x1xf32>
    %eq3A_52 = arith.constant 0 : i32
    %eq3A_53 = arith.cmpi eq, %arg0, %eq3A_52 : i32
    %convert_element_type3A_54 = arith.extui %eq3A_53 : i1 to i32
    %cond3A = arith.constant 0 : i32
    %cond3A_55 = arith.cmpi ne, %convert_element_type3A_54, %cond3A : i32
    scf.if %cond3A_55 {
      %broadcast_in_dim3A_62 = arith.constant 0.000000e+00 : f32
      %broadcast_in_dim3A_63 = vector.broadcast %broadcast_in_dim3A_62 : f32 to vector<64x1xf32>
      %swap3A_64 = arith.constant 0 : index
      %swap3A_65 = arith.constant 0 : index
      %swap3A_66 = vector.load %arg10[%swap3A_64, %swap3A_65] : memref<64x1xf32, #tpu.memory_space<vmem>>, vector<64x1xf32>
      tpu.vector_store %arg10[%swap3A_64, %swap3A_65], %broadcast_in_dim3A_63 {strides = array<i32>} : memref<64x1xf32, #tpu.memory_space<vmem>>, vector<64x1xf32>,
    } else {
    }
    %get3A_56 = arith.constant 0 : index
    %get3A_57 = arith.constant 0 : index
    %get3A_58 = vector.load %arg10[%get3A_56, %get3A_57] : memref<64x1xf32, #tpu.memory_space<vmem>>, vector<64x1xf32>
    %add3A_59 = arith.addf %get3A_58, %dot_general3A_51 : vector<64x1xf32>
    %swap3A = arith.constant 0 : index
    %swap3A_60 = arith.constant 0 : index
    %swap3A_61 = vector.load %arg10[%swap3A, %swap3A_60] : memref<64x1xf32, #tpu.memory_space<vmem>>, vector<64x1xf32>
    tpu.vector_store %arg10[%swap3A, %swap3A_60], %add3A_59 {strides = array<i32>} : memref<64x1xf32, #tpu.memory_space<vmem>>, vector<64x1xf32>,
    return
  }
  func.func @transform_0(%arg0: i32) -> (i32, i32, i32) {
    %c0_i32 = arith.constant 0 : i32
    %c0_i32_0 = arith.constant 0 : i32
    %c0_i32_1 = arith.constant 0 : i32
    return %c0_i32, %arg0, %c0_i32_0 : i32, i32, i32
  }
  func.func @transform_1(%arg0: i32) -> (i32, i32, i32) {
    %c1_i32 = arith.constant 1 : i32
    %c0_i32 = arith.constant 0 : i32
    %c0_i32_0 = arith.constant 0 : i32
    return %c1_i32, %arg0, %c0_i32 : i32, i32, i32
  }
  func.func @transform_2(%arg0: i32) -> (i32, i32) {
    %c0_i32 = arith.constant 0 : i32
    %c0_i32_0 = arith.constant 0 : i32
    return %arg0, %c0_i32 : i32, i32
  }
  func.func @transform_3(%arg0: i32) -> (i32, i32) {
    %c0_i32 = arith.constant 0 : i32
    %c0_i32_0 = arith.constant 0 : i32
    %c0_i32_1 = arith.constant 0 : i32
    return %c0_i32, %c0_i32_0 : i32, i32
  }
  func.func @transform_4(%arg0: i32) -> (i32, i32) {
    %c0_i32 = arith.constant 0 : i32
    %c0_i32_0 = arith.constant 0 : i32
    %c0_i32_1 = arith.constant 0 : i32
    return %c0_i32, %c0_i32_0 : i32, i32
  }
  func.func @transform_5(%arg0: i32) -> (i32, i32) {
    %c0_i32 = arith.constant 0 : i32
    %c0_i32_0 = arith.constant 0 : i32
    %c0_i32_1 = arith.constant 0 : i32
    return %c0_i32, %c0_i32_0 : i32, i32
  }
  func.func @transform_6(%arg0: i32) -> (i32, i32) {
    %c0_i32 = arith.constant 0 : i32
    %c0_i32_0 = arith.constant 0 : i32
    %c0_i32_1 = arith.constant 0 : i32
    return %c0_i32, %c0_i32_0 : i32, i32
  }
  func.func @transform_7(%arg0: i32) -> (i32, i32) {
    %c0_i32 = arith.constant 0 : i32
    %c0_i32_0 = arith.constant 0 : i32
    %c0_i32_1 = arith.constant 0 : i32
    return %c0_i32, %c0_i32_0 : i32, i32
  }
  func.func @transform_8(%arg0: i32) -> (i32, i32, i32) {
    %c0_i32 = arith.constant 0 : i32
    %c0_i32_0 = arith.constant 0 : i32
    %c0_i32_1 = arith.constant 0 : i32
    return %arg0, %c0_i32, %c0_i32_0 : i32, i32, i32
  }
  func.func @transform_9(%arg0: i32) -> (i32, i32) {
    %c0_i32 = arith.constant 0 : i32
    %c0_i32_0 = arith.constant 0 : i32
    %c0_i32_1 = arith.constant 0 : i32
    return %c0_i32, %c0_i32_0 : i32, i32
  }
}

</mosaic_0001>

<sc_bundles>
// kernel: kernel.11.cloned.1.call-start
scs
__scs_entry_jumppad:
0x0: {  	(pc) =	sbr.rel $0x88, $3  }
0x1: {  	(tag) =	ssettag $0x0;
	lr =	simm.s32 $0x1  }
0x2: {  	[smem:$0x3F94] =	sst lr;
	_ =	strace $0xD0000000  }
0x3: {  	_ = 	snop  }
0x4: {  	_ = 	snop  }
0x5: {  	_ = 	snop  }
0x6: {  	_ = 	snop  }
0x7: {  	_ = 	snop  }
__scs_overlays_trampoline_lowered:
0x8: {  	[smem:$0x3FA3] =	sst s0  }
0x9: {  	[smem:$0x3FA4] =	sst s1  }
0xa: {  	[smem:$0x3FA5] =	sst s2  }
0xb: {  	[smem:$0x3FA6] =	sst s3  }
0xc: {  	[smem:$0x3FA7] =	sst s4  }
0xd: {  	[smem:$0x3FA8] =	sst s5  }
0xe: {  	[smem:$0x3FA9] =	sst s6  }
0xf: {  	[smem:$0x3FAA] =	sst s7  }
0x10: {  	[smem:$0x3FAB] =	sst s8  }
0x11: {  	[smem:$0x3FAC] =	sst s9;
	s0 =	simm.s32 @!p0 $0x0  }
0x12: {  	s1 =	sld [smem:$0x3F92];
	s0 =	simm.s32 @p0 $0x1  }
0x13: {  	[smem:$0x3FAD] =	sst s0;
	s0 =	simm.s32 @!p1 $0x0  }
0x14: {  	s2 =	sld [smem:$0x3F91];
	s0 =	simm.s32 @p1 $0x1  }
0x15: {  	[smem:$0x3FAE] =	sst s0;
	s0 =	simm.s32 @!p2 $0x0  }
0x16: {  	s3 =	sld [smem:$0x3FDB];
	s0 =	simm.s32 @p2 $0x1  }
0x17: {  	s4 =	simm.s32 $0x1BF5;
	[smem:$0x3FB0] =	sst s0  }
0x18: {  	s0 =	sld [smem:$0x3F93];
	_ =	swait.ge [sflag:s4], $0x0  }
0x19: {  	s7 =	sld [smem:$0x3F94]  }
0x1a: {  	s8 =	sadd.s32 $0xFFFFE003, lr  }
0x1b: {  	s9 =	sadd.s32 $0xFFFFFEF7, lr;
	s5 =	simm.s32 $0xFFFFFFFF;
	p2 =	slt.u32 s8, $0xFFFFF086  }
0x1c: {  	p1 =	slt.u32 s9, $0xF7A;
	s5 =	simm.s32 @!p2 $0x0  }
0x1d: {  	s5 =	simm.s32 @p1 $0x1;
	p0 =	seq.s32 s7, s2  }
0x1e: {  	s7 =	smul.u32 @!p0 $0xF7A, s2;
	p2 =	seq.s32 @!p0 s5, $0x0  }
0x1f: {  	s9 =	smul.u32 $0xF7A, s1;
	s8 =	simm.s32 @!p0 $0x1BF5;
	p2 =	por !p2, p0  }
0x20: {  	[sflag:s8] =	ssyncset.s32 @!p0 $0xFFFFF086;
	s6 =	sadd.s32 @!p0 s3, s7;
	s7 =	simm.s32 @!p0 $0x108  }
0x21: {  	s3 =	sadd.s32 s3, s9;
	s6 =	sadd.s32 @!p0 $0x88, s6;
	s7 =	simm.s32 @p2 $0x1082  }
0x22: {  	[simem:s7], [sflag:s8] =	dma.local @!p0 [hbm:s6], $0xF7A  }
0x23: {  	s9 =	sor.u32 $0xD0000000, s2;
	s6 =	simm.s32 $0x108;
	_ =	swait.ge @!p0 [sflag:s8], $0x0  }
0x24: {  	s3 =	sadd.s32 $0x88, s3;
	s6 =	simm.s32 @!p1 $0x1082;
	[sflag:s4] =	ssyncset.s32 $0xFFFFF086  }
0x25: {  	[simem:s6], [sflag:s4] =	dma.local [hbm:s3], $0xF7A  }
0x26: {  	[smem:$0x3F94] =	sst s1;
	(tag) =	ssettag s2;
	_ =	strace s9  }
0x27: {  	s1 =	sld [smem:$0x3FA4]  }
0x28: {  	s2 =	sld [smem:$0x3FA5]  }
0x29: {  	s4 =	sld [smem:$0x3FA7]  }
0x2a: {  	p0 =	seq.s32 s5, $0x0;
	s5 =	sld [smem:$0x3FA8]  }
0x2b: {  	s6 =	sld [smem:$0x3FA9]  }
0x2c: {  	s7 =	sld [smem:$0x3FAA]  }
0x2d: {  	s3 =	simm.s32 $0x108;
	s8 =	sld [smem:$0x3FAB]  }
0x2e: {  	s3 =	simm.s32 @!p0 $0x1082;
	s9 =	sld [smem:$0x3FAC]  }
0x2f: {  	lr =	sadd.s32 s0, s3;
	s0 =	sld [smem:$0x3FA3]  }
0x30: {  	s3 =	sld [smem:$0x3FA6]  }
0x31: {  	[smem:$0x3FAF] =	sst s10  }
0x32: {  	s10 =	sld [smem:$0x3FAD];
	_ =	sdelay $0x3  }
0x33: {  	p0 =	seq.s32 s10, $0x1;
	s10 =	sld [smem:$0x3FAF];
	_ =	sdelay $0x3  }
0x34: {  	[smem:$0x3FAF] =	sst s10  }
0x35: {  	s10 =	sld [smem:$0x3FAE];
	_ =	sdelay $0x3  }
0x36: {  	p1 =	seq.s32 s10, $0x1;
	s10 =	sld [smem:$0x3FAF];
	_ =	sdelay $0x3  }
0x37: {  	[smem:$0x3FAF] =	sst s10  }
0x38: {  	s10 =	sld [smem:$0x3FB0]  }
0x39: {  	_ = 	snop;
	(pc) =	sbr.ind lr, $3  }
0x3a: {  	_ = 	snop  }
0x3b: {  	_ = 	snop  }
0x3c: {  	p2 =	seq.s32 s10, $0x1;
	s10 =	sld [smem:$0x3FAF]  }
0x3d: {  	_ =	shalt  }
0x3e: {  	_ =	shalt  }
0x3f: {  	_ =	shalt  }
0x40: {  	_ =	shalt  }
0x41: {  	_ =	shalt  }
0x42: {  	_ =	shalt  }
0x43: {  	_ =	shalt  }
0x44: {  	_ =	shalt  }
0x45: {  	_ =	shalt  }
0x46: {  	_ =	shalt  }
0x47: {  	_ =	shalt  }
0x48: {  	_ =	shalt  }
0x49: {  	_ =	shalt  }
0x4a: {  	_ =	shalt  }
0x4b: {  	_ =	shalt  }
0x4c: {  	_ =	shalt  }
0x4d: {  	_ =	shalt  }
0x4e: {  	_ =	shalt  }
0x4f: {  	_ =	shalt  }
0x50: {  	_ =	shalt  }
0x51: {  	_ =	shalt  }
0x52: {  	_ =	shalt  }
0x53: {  	_ =	shalt  }
0x54: {  	_ =	shalt  }
0x55: {  	_ =	shalt  }
0x56: {  	_ =	shalt  }
0x57: {  	_ =	shalt  }
0x58: {  	_ =	shalt  }
0x59: {  	_ =	shalt  }
0x5a: {  	_ =	shalt  }
0x5b: {  	_ =	shalt  }
0x5c: {  	_ =	shalt  }
0x5d: {  	_ =	shalt  }
0x5e: {  	_ =	shalt  }
0x5f: {  	_ =	shalt  }
0x60: {  	_ =	shalt  }
0x61: {  	_ =	shalt  }
0x62: {  	_ =	shalt  }
0x63: {  	_ =	shalt  }
0x64: {  	_ =	shalt  }
0x65: {  	_ =	shalt  }
0x66: {  	_ =	shalt  }
0x67: {  	_ =	shalt  }
0x68: {  	_ =	shalt  }
0x69: {  	_ =	shalt  }
0x6a: {  	_ =	shalt  }
0x6b: {  	_ =	shalt  }
0x6c: {  	_ =	shalt  }
0x6d: {  	_ =	shalt  }
0x6e: {  	_ =	shalt  }
0x6f: {  	_ =	shalt  }
0x70: {  	_ =	shalt  }
0x71: {  	_ =	shalt  }
0x72: {  	_ =	shalt  }
0x73: {  	_ =	shalt  }
0x74: {  	_ =	shalt  }
0x75: {  	_ =	shalt  }
0x76: {  	_ =	shalt  }
0x77: {  	_ =	shalt  }
0x78: {  	_ =	shalt  }
0x79: {  	_ =	shalt  }
0x7a: {  	_ =	shalt  }
0x7b: {  	_ =	shalt  }
0x7c: {  	_ =	shalt  }
0x7d: {  	_ =	shalt  }
0x7e: {  	_ =	shalt  }
0x7f: {  	_ =	shalt  }
0x80: {  	_ =	shalt  }
0x81: {  	_ =	shalt  }
0x82: {  	_ =	shalt  }
0x83: {  	_ =	shalt  }
0x84: {  	_ =	shalt  }
0x85: {  	_ =	shalt  }
0x86: {  	_ =	shalt  }
0x87: {  	_ =	shalt  }
.Lfunc_end0:
.L_simem_size_0:
called_computation.1_lowered:
.L_overlay_start_0:
0x88: {  	s2 =	sld [smem:$0x3FD9]  }
0x89: {  	s3 =	sld [smem:$0x3FFE];
	_ =	sdelay $0x1  }
0x8a: {  	s1 =	srdreg.scid  }
0x8b: {  	s0 =	sand.u32 $0x1, s1  }
0x8c: {  	s16 =	sshll.u32 s0, $0xA;
	s2 =	sadd.s32 s3, s2  }
0x8d: {  	s2 =	sadd.s32 s2, s16  }
0x8e: {  	[smem:$0x3FBB] =	sst s2  }
0x8f: {  	_ = 	snop  }
0x90: {  	(tm) =	ssettm $0x1  }
0x91: {  	s17 =	sld [smem:$0x3FFB];
	_ =	sdelay $0x3  }
0x92: {  	_ =	strace s17  }
0x93: {  	s2 =	sld [smem:$0x3FFC];
	_ =	sdelay $0x3  }
0x94: {  	_ =	strace s2  }
0x95: {  	s2 =	sld [smem:$0x3FFD];
	_ =	sdelay $0x3  }
0x96: {  	_ =	strace s2  }
0x97: {  	_ =	strace $0x8FFFFFFF  }
0x98: {  	s18 =	sld [smem:$0x3FDB];
	_ =	sdelay $0x1  }
0x99: {  	s19 =	simm.s32 $_scs_section_size  }
0x9a: {  	s4 =	simm.s32 $_size__tile_overlayer_lowered;
	s5 =	simm.s32 $_tile_overlayer_lowered  }
0x9b: {  	s22 =	simm.s32 $0x1BFF;
	s21 =	sshll.u32 s5, $0x1;
	s2 =	sadd.s32 s19, s18  }
0x9c: {  	s6 =	simm.s32 $0x0;
	s20 =	sshll.u32 s4, $0x1;
	s4 =	sadd.s32 s21, s2  }
0x9d: {  	[timem:s6], [sflag:s22] =	dma.local [hbm:s4], s20  }
0x9e: {  	_ =	swait.ge [sflag:s22], s20  }
0x9f: {  	s3 =	ssub.s32 $0x0, s20;
	[sflag:s22] =	ssyncset.done $0x0  }
0xa0: {  	[sflag:s22] =	ssyncadd.s32 s3;
	_ =	sdelay $0x1  }
0xa1: {  	s23 =	simm.s32 $0x1B8B  }
0xa2: {  	_ =	swait.ge [sflag:s23], $0x1  }
0xa3: {  	[sflag:s23] =	ssyncset.done $0x0  }
0xa4: {  	s25 =	simm.s32 $0x1B8E;
	s24 =	sld [smem:$0x3FFE];
	[sflag:s23] =	ssyncadd.s32 $0xFFFFFFFF  }
0xa5: {  	s26 =	simm.s32 $execute0_lowered;
	[smem:$0x3FD2] =	sst s25  }
0xa6: {  	s4 =	sshll.u32 s26, $0x1;
	_ =	strace $0x80000049;
	[dreg:$0x1] =	wrdreg $0xFFFFFFFF  }
0xa7: {  	s28 =	simm.s32 $_size_execute0_lowered;
	s2 =	sadd.s32 s2, s4;
	[dreg:$0x0] =	wrdreg $0x0  }
0xa8: {  	s4 =	sshll.u32 s28, $0x1;
	[dreg:$0x2] =	wrdreg s2  }
0xa9: {  	[dreg:$0x3] =	wrdreg s4  }
0xaa: {  	[dreg:$0x4] =	wrdreg $0xC0  }
0xab: {  	_ =	task [dreg:s6], $0x5FFFF  }
0xac: {  	[dreg:$0x1] =	wrdreg $0xFFFFFFFF  }
0xad: {  	[dreg:$0x0] =	wrdreg $0x60  }
0xae: {  	[dreg:$0x2] =	wrdreg s24  }
0xaf: {  	[dreg:$0x3] =	wrdreg $0x7A000  }
0xb0: {  	[dreg:$0x4] =	wrdreg $0x9  }
0xb1: {  	_ =	task.clear_ibuf [dreg:s6], $0x5FFFF;
	_ =	strace $0x90000049  }
0xb2: {  	s29 =	simm.s32 $0x9;
	_ =	strace $0x8000004B  }
0xb3: {  	_ =	swait.ge [sflag:s29], $0x1  }
0xb4: {  	[sflag:s29] =	ssyncadd.s32 $0xFFFFFFFF  }
0xb5: {  	_ =	strace $0x9000004B  }
0xb6: {  	_ =	sfence  }
0xb7: {  	s30 =	sld [smem:$0x0];
	_ =	sdelay $0x2  }
0xb8: {  	s31 =	sshll.u32 s1, $0xD;
	s1 =	sshrl.u32 s1, $0x2  }
0xb9: {  	s3 =	sand.u32 $0x4000, s31;
	s1 =	sadd.s32 s1, s30  }
0xba: {  	s0 =	sor.u32 s3, s0;
	s1 =	sshll.u32 s1, $0x11  }
0xbb: {  	s0 =	sor.u32 s1, s0  }
0xbc: {  	s0 =	sadd.s32 $0x8F2B, s0  }
0xbd: {  	[sflag:s0] =	ssyncadd.remote.s32 $0x1  }
0xbe: {  	_ =	sfence.sel $0xFFFF  }
0xbf: {  	[dreg:$0x0] =	wrdreg $0xFFFFFFFF;
	(pc) =	sbr.abs _section_cstart, $3  }
0xc0: {  	[dreg:$0x1] =	wrdreg $0xFFFFFFFF  }
0xc1: {  	_ =	task.clear_ibuf [dreg:s6], $0x2FFFF;
	_ =	strace $0x9FFFFFFF  }
0xc2: {  	(tm) =	ssettm $0x7FFFFFFF  }
0xc3: {  	_ =	shalt  }
tec
execute0_lowered:
.L_overlay_start_1:
0x0: {  	(tag) =	ssettag $0x1  }
0x1: {  	s0 =	rddreg [dreg:$0x0]  }
0x2: {  	s1 =	rddreg [dreg:$0x1];
	s2 =	simm.s32 $0x0;
	s7 =	srdreg.scid  }
0x3: {  	s8 =	stileid.u32;
	s28 =	simm.s32 $0x180;
	s29 =	simm.s32 $0x2A00  }
0x4: {  	s30 =	simm.s32 $0x2;
	s31 =	simm.s32 $0x3;
	[smem:$0x7FF] =	sst s2  }
0x5: {  	s3 =	sadd.s32 $0x16400, s0;
	s4 =	sadd.s32 $0x4F8400, s0;
	s5 =	sadd.s32 $0xC600, s0  }
0x6: {  	s6 =	sadd.s32 $0x2800, s0;
	s10 =	sand.u32 $0x1, s7;
	s9 =	smul.u32 $0x4E000, s8  }
0x7: {  	s11 =	sadd.s32 $0x3D600, s0;
	s15 =	smul.u32 $0x13800, s8;
	s20 =	sshll.u32 s8, $0x6  }
0x8: {  	s22 =	sadd.s32 $0x138000, s1;
	s0 =	sadd.s32 $0x3D400, s0;
	p0 =	sne.s32 s8, $0x0  }
0x9: {  	_ =	strace $0x8000004A;
	s7 =	ssub.s32 $0x2, s10;
	[dreg:$0x4] =	wrdreg s22  }
0xa: {  	s13 =	sshll.u32 s10, $0x4;
	s10 =	smul.u32 $0x138800, s10;
	[dreg:$0x5] =	wrdreg s0  }
0xb: {  	s22 =	simm.s32 $0x50;
	s12 =	sshrl.u32 s7, $0x1;
	s16 =	sor.u32 s8, s13  }
0xc: {  	s9 =	sshrl.u32 s9, $0x2;
	s17 =	sshrl.u32 s15, $0x3;
	s18 =	ssub.s32 s7, s12  }
0xd: {  	s7 =	smul.u32 $0x2710, s16;
	s19 =	sadd.s32 s9, s1;
	s21 =	sadd.s32 s3, s17  }
0xe: {  	s9 =	sor.u32 $0x1C04, s20;
	s25 =	sadd.s32 s15, s10;
	s10 =	sshrl.u32 s10, $0x3  }
0xf: {  	s20 =	simm.s32 $0x4;
	s15 =	simm.s32 $0x0;
	[dreg:$0x3] =	wrdreg s21  }
0x10: {  	s26 =	sadd.s32 s11, s10;
	s18 =	smax.u32 s18, $0x1;
	s19 =	sshrl.u32 s19, $0x3  }
0x11: {  	s21 =	simm.s32 $0x100;
	s23 =	sadd.s32 $0x26C0, s7;
	s12 =	sadd.s32 $0x50, s7  }
0x12: {  	s17 =	sadd.s32 $0x27000, s26;
	s26 =	simm.s32 $0x80;
	s24 =	sshrl.u32 s23, $0x3  }
0x13: {  	s13 =	sshll.u32 s23, $0x4;
	s23 =	simm.s32 $0x200;
	s14 =	sadd.s32 s5, s24  }
0x14: {  	s0 =	sadd.s32 s6, s24;
	s13 =	sadd.s32 s4, s13;
	[dreg:$0x6] =	wrdreg s14  }
0x15: {  	s24 =	simm.s32 $0x5200;
	[dreg:$0x7] =	wrdreg s0;
	s0 =	sshrl.u32 s25, $0x3  }
0x16: {  	[dreg:$0x8] =	wrdreg s13;
	s25 =	simm.s32 $0x1;
	s16 =	sadd.s32 s11, s0  }
.LBB2_1:
0x17: {  	s0 =	rddreg [dreg:$0x3]  }
0x18: {  	[spmem:s19], [sflag:s9] =	dma.local [hbm:s0], $0x2700  }
0x19: {  	_ =	swait.ge [sflag:s20], $0x2700  }
0x1a: {  	[sflag:s20] =	ssyncset.done $0x0;
	s0 =	rddreg [dreg:$0x4]  }
0x1b: {  	s8 =	rddreg [dreg:$0x5];
	[sflag:s20] =	ssyncadd.s32 $0xFFFFD900;
	s0 =	sshrl.u32 @!p0 s0, $0x3  }
0x1c: {  	[spmem:s0], [sflag:s9] =	dma.local @!p0 [hbm:s8], $0x100  }
0x1d: {  	s8 =	simm.s32 @!p0 $0x4  }
0x1e: {  	_ =	swait.ge @!p0 [sflag:s8], $0x100  }
0x1f: {  	[sflag:s8] =	ssyncset.done @!p0 $0x0  }
0x20: {  	[sflag:s8] =	ssyncadd.s32 @!p0 $0xFFFFFF00  }
0x21: {  	s8 =	simm.s32 $0x0;
	[bflag:$0x0] =	sbarrier.arrive $0xFFFF  }
.LBB2_2:
0x22: {  	s10 =	smul.u32 $0xA0, s8;
	p1 =	seq.s32 s8, $0x0  }
0x23: {  	s11 =	simm.s32 @!p1 $0x2  }
0x24: {  	s13 =	sadd.s32 s7, s10;
	_ =	swait.ge @!p1 [sflag:s11], $0x2800  }
0x25: {  	[sflag:s11] =	ssyncset.done @!p1 $0x0;
	s14 =	sshrl.u32 s13, $0x3  }
0x26: {  	[sflag:s11] =	ssyncadd.s32 @!p1 $0xFFFFD800;
	s11 =	sadd.s32 s5, s14  }
0x27: {  	[tilespmem:s15], [sflag:$0x4] =	stream.linear.gather [hbm4b:s11+s15], $0x50, $0x38;
	[tilespmem:$0x1B280] =	vst v63  }
0x28: {  	_ =	swait.ge [sflag:s20], $0x50  }
0x29: {  	[sflag:s20] =	ssyncset.done $0x0  }
0x2a: {  	s14 =	sadd.s32 s6, s14;
	[sflag:s20] =	ssyncadd.s32 $0xFFFFFFB0  }
0x2b: {  	[tilespmem:s21], [sflag:$0x4] =	stream.linear.gather [hbm4b:s14+s15], $0x50, $0x38;
	[tilespmem:$0x1B280] =	vst v63  }
0x2c: {  	_ =	swait.ge [sflag:s20], $0x50  }
0x2d: {  	[sflag:s20] =	ssyncset.done $0x0  }
0x2e: {  	s14 =	sshll.u32 s13, $0x4;
	[sflag:s20] =	ssyncadd.s32 $0xFFFFFFB0  }
0x2f: {  	[tilespmem:s23], [sflag:$0x1] =	stream.indirect.gather [hbm4b:s3+s22], $0x80, s15, s22, $0xb8;
	[tilespmem:$0x1B280] =	vst v63  }
0x30: {  	s11 =	sadd.s32 s4, s14  }
0x31: {  	[tilespmem:s24], [sflag:$0x4] =	stream.linear.gather [hbm4b:s11+s15], $0x2800, $0x38;
	[tilespmem:$0x1B280] =	vst v63  }
0x32: {  	_ =	swait.ge [sflag:s20], $0x2800  }
0x33: {  	[sflag:s20] =	ssyncset.done $0x0  }
0x34: {  	[sflag:s20] =	ssyncadd.s32 $0xFFFFD800  }
0x35: {  	_ =	swait.ge [sflag:s25], $0x2800  }
0x36: {  	[sflag:s25] =	ssyncset.done $0x0  }
0x37: {  	s11 =	simm.s32 $0x0;
	[sflag:s25] =	ssyncadd.s32 $0xFFFFD800  }
0x38: {  	v7 =	vld [tilespmem:s11+$0x5200]  }
0x39: {  	v11 =	vld [tilespmem:s11+$0x5210]  }
0x3a: {  	v5 =	vld [tilespmem:s11+$0x5220]  }
0x3b: {  	v4 =	vld [tilespmem:s11+$0x5230]  }
0x3c: {  	v3 =	vld [tilespmem:s11+$0x5240]  }
0x3d: {  	v2 =	vld [tilespmem:s11+$0x5250]  }
0x3e: {  	v1 =	vld [tilespmem:s11+$0x5260]  }
0x3f: {  	v0 =	vld [tilespmem:s11+$0x5270]  }
0x40: {  	v12 =	vld [tilespmem:s11+$0x200]  }
0x41: {  	v13 =	vld [tilespmem:s11+$0x210]  }
0x42: {  	v10 =	vld [tilespmem:s11+$0x220]  }
0x43: {  	v9 =	vld [tilespmem:s11+$0x230]  }
0x44: {  	v8 =	vld [tilespmem:s11+$0x240]  }
0x45: {  	v6 =	vld [tilespmem:s11+$0x250];
	v12 =	vmul.f32 v7, v12  }
0x46: {  	s13 =	simm.s32 $0x200;
	v11 =	vmul.f32 v11, v13;
	v7 =	vld [tilespmem:s11+$0x260]  }
.LBB2_3:
0x47: {  	s14 =	sshra.s32 s13, $0x2;
	p2 =	sne.s32 s13, $0x9E00;
	[tilespmem:s11+$0x200] =	vst v12;
	v5 =	vmul.f32 v5, v10;
	v10 =	vld [tilespmem:s11+$0x270]  }
0x48: {  	v12 =	vld [tilespmem:s14+$0x5200];
	[tilespmem:s11+$0x210] =	vst v11;
	v4 =	vmul.f32 v4, v9  }
0x49: {  	v11 =	vld [tilespmem:s14+$0x5210];
	[tilespmem:s11+$0x220] =	vst v5;
	v3 =	vmul.f32 v3, v8  }
0x4a: {  	v5 =	vld [tilespmem:s14+$0x5220];
	[tilespmem:s11+$0x230] =	vst v4;
	v2 =	vmul.f32 v2, v6  }
0x4b: {  	v4 =	vld [tilespmem:s14+$0x5230];
	[tilespmem:s11+$0x240] =	vst v3;
	v1 =	vmul.f32 v1, v7  }
0x4c: {  	v3 =	vld [tilespmem:s14+$0x5240];
	[tilespmem:s11+$0x250] =	vst v2;
	v0 =	vmul.f32 v0, v10  }
0x4d: {  	v2 =	vld [tilespmem:s14+$0x5250];
	[tilespmem:s11+$0x260] =	vst v1  }
0x4e: {  	v1 =	vld [tilespmem:s14+$0x5260];
	[tilespmem:s11+$0x270] =	vst v0;
	s11 =	smov.u32 s14  }
0x4f: {  	v0 =	vld [tilespmem:s11+$0x5270]  }
0x50: {  	v6 =	vld [tilespmem:s11+$0x200]  }
0x51: {  	v7 =	vld [tilespmem:s11+$0x210]  }
.Ltmp0:
0x52: {  	v10 =	vld [tilespmem:s11+$0x220];
	(pc) =	sbr.rel @p2 .LBB2_3-.Ltmp0, $4  }
0x53: {  	v9 =	vld [tilespmem:s11+$0x230]  }
0x54: {  	v8 =	vld [tilespmem:s11+$0x240]  }
0x55: {  	v12 =	vmul.f32 v12, v6;
	v6 =	vld [tilespmem:s11+$0x250]  }
0x56: {  	s13 =	sadd.s32 $0x200, s13;
	v11 =	vmul.f32 v11, v7;
	v7 =	vld [tilespmem:s11+$0x260]  }
0x57: {  	[tilespmem:s11+$0x200] =	vst v12;
	v5 =	vmul.f32 v5, v10;
	v10 =	vld [tilespmem:s11+$0x270]  }
0x58: {  	[tilespmem:s11+$0x210] =	vst v11;
	v4 =	vmul.f32 v4, v9  }
0x59: {  	[tilespmem:s11+$0x220] =	vst v5;
	v3 =	vmul.f32 v3, v8  }
0x5a: {  	[tilespmem:s11+$0x230] =	vst v4;
	v2 =	vmul.f32 v2, v6  }
0x5b: {  	[tilespmem:s11+$0x240] =	vst v3;
	v1 =	vmul.f32 v1, v7  }
0x5c: {  	[tilespmem:s11+$0x250] =	vst v2;
	v0 =	vmul.f32 v0, v10  }
0x5d: {  	[tilespmem:s11+$0x260] =	vst v1  }
0x5e: {  	[tilespmem:s11+$0x270] =	vst v0;
	s11 =	simm.s32 @!p1 $0x3  }
0x5f: {  	[spmem:s1] =	stream.indirect.scatter.add.f32 [tilespmem:s23], [sflag:$0x2], $0x80, s21, s22, $0xb8;
	[tilespmem:$0x1B280] =	vst v63  }
0x60: {  	s10 =	sadd.s32 s12, s10;
	_ =	swait.ge @!p1 [sflag:s11], $0x2800  }
0x61: {  	s13 =	sshrl.u32 s10, $0x3;
	[sflag:s11] =	ssyncset.done @!p1 $0x0  }
0x62: {  	s14 =	simm.s32 $0x0;
	[sflag:s11] =	ssyncadd.s32 @!p1 $0xFFFFD800;
	s11 =	sadd.s32 s5, s13  }
0x63: {  	[tilespmem:s26], [sflag:$0x4] =	stream.linear.gather [hbm4b:s11+s14], $0x50, $0x38;
	[tilespmem:$0x1B280] =	vst v63  }
0x64: {  	_ =	swait.ge [sflag:s20], $0x50  }
0x65: {  	[sflag:s20] =	ssyncset.done $0x0  }
0x66: {  	s13 =	sadd.s32 s6, s13;
	[sflag:s20] =	ssyncadd.s32 $0xFFFFFFB0  }
0x67: {  	[tilespmem:s28], [sflag:$0x4] =	stream.linear.gather [hbm4b:s13+s14], $0x50, $0x38;
	[tilespmem:$0x1B280] =	vst v63  }
0x68: {  	_ =	swait.ge [sflag:s20], $0x50  }
0x69: {  	[sflag:s20] =	ssyncset.done $0x0  }
0x6a: {  	s10 =	sshll.u32 s10, $0x4;
	[sflag:s20] =	ssyncadd.s32 $0xFFFFFFB0  }
0x6b: {  	[tilespmem:s29], [sflag:$0x1] =	stream.indirect.gather [hbm4b:s3+s22], $0x80, s26, s22, $0xb8;
	[tilespmem:$0x1B280] =	vst v63  }
0x6c: {  	s10 =	sadd.s32 s4, s10  }
0x6d: {  	[tilespmem:s24], [sflag:$0x4] =	stream.linear.gather [hbm4b:s10+s14], $0x2800, $0x38;
	[tilespmem:$0x1B280] =	vst v63  }
0x6e: {  	_ =	swait.ge [sflag:s20], $0x2800  }
0x6f: {  	[sflag:s20] =	ssyncset.done $0x0  }
0x70: {  	[sflag:s20] =	ssyncadd.s32 $0xFFFFD800  }
0x71: {  	_ =	swait.ge [sflag:s25], $0x2800  }
0x72: {  	[sflag:s25] =	ssyncset.done $0x0  }
0x73: {  	s10 =	simm.s32 $0x0;
	[sflag:s25] =	ssyncadd.s32 $0xFFFFD800  }
0x74: {  	v7 =	vld [tilespmem:s10+$0x5200]  }
0x75: {  	v11 =	vld [tilespmem:s10+$0x5210]  }
0x76: {  	v5 =	vld [tilespmem:s10+$0x5220]  }
0x77: {  	v4 =	vld [tilespmem:s10+$0x5230]  }
0x78: {  	v3 =	vld [tilespmem:s10+$0x5240]  }
0x79: {  	v2 =	vld [tilespmem:s10+$0x5250]  }
0x7a: {  	v1 =	vld [tilespmem:s10+$0x5260]  }
0x7b: {  	v0 =	vld [tilespmem:s10+$0x5270]  }
0x7c: {  	v12 =	vld [tilespmem:s10+$0x2A00]  }
0x7d: {  	v13 =	vld [tilespmem:s10+$0x2A10]  }
0x7e: {  	v10 =	vld [tilespmem:s10+$0x2A20]  }
0x7f: {  	v9 =	vld [tilespmem:s10+$0x2A30]  }
0x80: {  	v8 =	vld [tilespmem:s10+$0x2A40]  }
0x81: {  	v6 =	vld [tilespmem:s10+$0x2A50];
	v12 =	vmul.f32 v7, v12  }
0x82: {  	s11 =	simm.s32 $0x200;
	v11 =	vmul.f32 v11, v13;
	v7 =	vld [tilespmem:s10+$0x2A60]  }
.LBB2_5:
0x83: {  	s13 =	sshra.s32 s11, $0x2;
	p1 =	sne.s32 s11, $0x9E00;
	[tilespmem:s10+$0x2A00] =	vst v12;
	v5 =	vmul.f32 v5, v10;
	v10 =	vld [tilespmem:s10+$0x2A70]  }
0x84: {  	v12 =	vld [tilespmem:s13+$0x5200];
	[tilespmem:s10+$0x2A10] =	vst v11;
	v4 =	vmul.f32 v4, v9  }
0x85: {  	v11 =	vld [tilespmem:s13+$0x5210];
	[tilespmem:s10+$0x2A20] =	vst v5;
	v3 =	vmul.f32 v3, v8  }
0x86: {  	v5 =	vld [tilespmem:s13+$0x5220];
	[tilespmem:s10+$0x2A30] =	vst v4;
	v2 =	vmul.f32 v2, v6  }
0x87: {  	v4 =	vld [tilespmem:s13+$0x5230];
	[tilespmem:s10+$0x2A40] =	vst v3;
	v1 =	vmul.f32 v1, v7  }
0x88: {  	v3 =	vld [tilespmem:s13+$0x5240];
	[tilespmem:s10+$0x2A50] =	vst v2;
	v0 =	vmul.f32 v0, v10  }
0x89: {  	v2 =	vld [tilespmem:s13+$0x5250];
	[tilespmem:s10+$0x2A60] =	vst v1  }
0x8a: {  	v1 =	vld [tilespmem:s13+$0x5260];
	[tilespmem:s10+$0x2A70] =	vst v0;
	s10 =	smov.u32 s13  }
0x8b: {  	v0 =	vld [tilespmem:s10+$0x5270]  }
0x8c: {  	v6 =	vld [tilespmem:s10+$0x2A00]  }
0x8d: {  	v7 =	vld [tilespmem:s10+$0x2A10]  }
.Ltmp1:
0x8e: {  	v10 =	vld [tilespmem:s10+$0x2A20];
	(pc) =	sbr.rel @p1 .LBB2_5-.Ltmp1, $4  }
0x8f: {  	v9 =	vld [tilespmem:s10+$0x2A30]  }
0x90: {  	v8 =	vld [tilespmem:s10+$0x2A40]  }
0x91: {  	v12 =	vmul.f32 v12, v6;
	v6 =	vld [tilespmem:s10+$0x2A50]  }
0x92: {  	s11 =	sadd.s32 $0x200, s11;
	v11 =	vmul.f32 v11, v7;
	v7 =	vld [tilespmem:s10+$0x2A60]  }
0x93: {  	[tilespmem:s10+$0x2A00] =	vst v12;
	v5 =	vmul.f32 v5, v10;
	v63 =	vld [tilespmem:s10+$0x2A70]  }
0x94: {  	[tilespmem:s10+$0x2A10] =	vst v11;
	v4 =	vmul.f32 v4, v9  }
0x95: {  	s8 =	sadd.s32 $0x1, s8;
	[tilespmem:s10+$0x2A20] =	vst v5;
	v3 =	vmul.f32 v3, v8  }
0x96: {  	p1 =	sne.s32 s8, $0x3E;
	[tilespmem:s10+$0x2A30] =	vst v4;
	v2 =	vmul.f32 v2, v6  }
.Ltmp2:
0x97: {  	[tilespmem:s10+$0x2A40] =	vst v3;
	v1 =	vmul.f32 v1, v7;
	(pc) =	sbr.rel @p1 .LBB2_2-.Ltmp2, $4  }
0x98: {  	[tilespmem:s10+$0x2A50] =	vst v2;
	v0 =	vmul.f32 v0, v63  }
0x99: {  	[tilespmem:s10+$0x2A60] =	vst v1  }
0x9a: {  	[tilespmem:s10+$0x2A70] =	vst v0  }
0x9b: {  	[spmem:s1] =	stream.indirect.scatter.add.f32 [tilespmem:s29], [sflag:$0x3], $0x80, s28, s22, $0xb8;
	[tilespmem:$0x1B280] =	vst v63  }
0x9c: {  	_ =	swait.ge [sflag:s30], $0x2800  }
0x9d: {  	[sflag:s30] =	ssyncset.done $0x0  }
0x9e: {  	s8 =	simm.s32 $0x0;
	s10 =	rddreg [dreg:$0x6];
	[sflag:s30] =	ssyncadd.s32 $0xFFFFD800  }
0x9f: {  	[tilespmem:s8], [sflag:$0x4] =	stream.linear.gather [hbm4b:s10+s8], $0x50, $0x38;
	[tilespmem:$0x1B280] =	vst v63  }
0xa0: {  	_ =	swait.ge [sflag:s20], $0x50  }
0xa1: {  	[sflag:s20] =	ssyncset.done $0x0  }
0xa2: {  	s13 =	rddreg [dreg:$0x7];
	[sflag:s20] =	ssyncadd.s32 $0xFFFFFFB0  }
0xa3: {  	[tilespmem:s21], [sflag:$0x4] =	stream.linear.gather [hbm4b:s13+s8], $0x50, $0x38;
	[tilespmem:$0x1B280] =	vst v63  }
0xa4: {  	_ =	swait.ge [sflag:s20], $0x50  }
0xa5: {  	[sflag:s20] =	ssyncset.done $0x0  }
0xa6: {  	[sflag:s20] =	ssyncadd.s32 $0xFFFFFFB0  }
0xa7: {  	[tilespmem:s23], [sflag:$0x1] =	stream.indirect.gather [hbm4b:s3+s22], $0x80, s8, s22, $0xb8;
	[tilespmem:$0x1B280] =	vst v63  }
0xa8: {  	s14 =	rddreg [dreg:$0x8]  }
0xa9: {  	[tilespmem:s24], [sflag:$0x4] =	stream.linear.gather [hbm4b:s14+s8], $0x2800, $0x38;
	[tilespmem:$0x1B280] =	vst v63  }
0xaa: {  	_ =	swait.ge [sflag:s20], $0x2800  }
0xab: {  	[sflag:s20] =	ssyncset.done $0x0  }
0xac: {  	[sflag:s20] =	ssyncadd.s32 $0xFFFFD800  }
0xad: {  	_ =	swait.ge [sflag:s25], $0x2800  }
0xae: {  	[sflag:s25] =	ssyncset.done $0x0  }
0xaf: {  	s8 =	simm.s32 $0x0;
	[sflag:s25] =	ssyncadd.s32 $0xFFFFD800  }
0xb0: {  	v7 =	vld [tilespmem:s8+$0x5200]  }
0xb1: {  	v11 =	vld [tilespmem:s8+$0x5210]  }
0xb2: {  	v5 =	vld [tilespmem:s8+$0x5220]  }
0xb3: {  	v4 =	vld [tilespmem:s8+$0x5230]  }
0xb4: {  	v3 =	vld [tilespmem:s8+$0x5240]  }
0xb5: {  	v2 =	vld [tilespmem:s8+$0x5250]  }
0xb6: {  	v1 =	vld [tilespmem:s8+$0x5260]  }
0xb7: {  	v0 =	vld [tilespmem:s8+$0x5270]  }
0xb8: {  	v12 =	vld [tilespmem:s8+$0x200]  }
0xb9: {  	v13 =	vld [tilespmem:s8+$0x210]  }
0xba: {  	v10 =	vld [tilespmem:s8+$0x220]  }
0xbb: {  	v9 =	vld [tilespmem:s8+$0x230]  }
0xbc: {  	v8 =	vld [tilespmem:s8+$0x240]  }
0xbd: {  	v6 =	vld [tilespmem:s8+$0x250];
	v12 =	vmul.f32 v7, v12  }
0xbe: {  	s10 =	simm.s32 $0x200;
	v11 =	vmul.f32 v11, v13;
	v7 =	vld [tilespmem:s8+$0x260]  }
.LBB2_8:
0xbf: {  	s11 =	sshra.s32 s10, $0x2;
	p1 =	sne.s32 s10, $0x9E00;
	[tilespmem:s8+$0x200] =	vst v12;
	v5 =	vmul.f32 v5, v10;
	v10 =	vld [tilespmem:s8+$0x270]  }
0xc0: {  	v12 =	vld [tilespmem:s11+$0x5200];
	[tilespmem:s8+$0x210] =	vst v11;
	v4 =	vmul.f32 v4, v9  }
0xc1: {  	v11 =	vld [tilespmem:s11+$0x5210];
	[tilespmem:s8+$0x220] =	vst v5;
	v3 =	vmul.f32 v3, v8  }
0xc2: {  	v5 =	vld [tilespmem:s11+$0x5220];
	[tilespmem:s8+$0x230] =	vst v4;
	v2 =	vmul.f32 v2, v6  }
0xc3: {  	v4 =	vld [tilespmem:s11+$0x5230];
	[tilespmem:s8+$0x240] =	vst v3;
	v1 =	vmul.f32 v1, v7  }
0xc4: {  	v3 =	vld [tilespmem:s11+$0x5240];
	[tilespmem:s8+$0x250] =	vst v2;
	v0 =	vmul.f32 v0, v10  }
0xc5: {  	v2 =	vld [tilespmem:s11+$0x5250];
	[tilespmem:s8+$0x260] =	vst v1  }
0xc6: {  	v1 =	vld [tilespmem:s11+$0x5260];
	[tilespmem:s8+$0x270] =	vst v0;
	s8 =	smov.u32 s11  }
0xc7: {  	v0 =	vld [tilespmem:s8+$0x5270]  }
0xc8: {  	v6 =	vld [tilespmem:s8+$0x200]  }
0xc9: {  	v7 =	vld [tilespmem:s8+$0x210]  }
.Ltmp3:
0xca: {  	v10 =	vld [tilespmem:s8+$0x220];
	(pc) =	sbr.rel @p1 .LBB2_8-.Ltmp3, $4  }
0xcb: {  	v9 =	vld [tilespmem:s8+$0x230]  }
0xcc: {  	v8 =	vld [tilespmem:s8+$0x240]  }
0xcd: {  	v12 =	vmul.f32 v12, v6;
	v6 =	vld [tilespmem:s8+$0x250]  }
0xce: {  	s10 =	sadd.s32 $0x200, s10;
	v11 =	vmul.f32 v11, v7;
	v7 =	vld [tilespmem:s8+$0x260]  }
0xcf: {  	[tilespmem:s8+$0x200] =	vst v12;
	v5 =	vmul.f32 v5, v10;
	v63 =	vld [tilespmem:s8+$0x270]  }
0xd0: {  	[tilespmem:s8+$0x210] =	vst v11;
	v4 =	vmul.f32 v4, v9  }
0xd1: {  	[tilespmem:s8+$0x220] =	vst v5;
	v3 =	vmul.f32 v3, v8  }
0xd2: {  	[tilespmem:s8+$0x230] =	vst v4;
	v2 =	vmul.f32 v2, v6  }
0xd3: {  	[tilespmem:s8+$0x240] =	vst v3;
	v1 =	vmul.f32 v1, v7  }
0xd4: {  	[tilespmem:s8+$0x250] =	vst v2;
	v0 =	vmul.f32 v0, v63  }
0xd5: {  	[tilespmem:s8+$0x260] =	vst v1  }
0xd6: {  	[tilespmem:s8+$0x270] =	vst v0  }
0xd7: {  	[spmem:s1] =	stream.indirect.scatter.add.f32 [tilespmem:s23], [sflag:$0x2], $0x80, s21, s22, $0xb8;
	[tilespmem:$0x1B280] =	vst v63  }
0xd8: {  	_ =	swait.ge [sflag:s30], $0x2800  }
0xd9: {  	[sflag:s30] =	ssyncset.done $0x0  }
0xda: {  	[sflag:s30] =	ssyncadd.s32 $0xFFFFD800  }
0xdb: {  	_ =	swait.ge [sflag:s31], $0x2800  }
0xdc: {  	[sflag:s31] =	ssyncset.done $0x0  }
0xdd: {  	[sflag:s31] =	ssyncadd.s32 $0xFFFFD800  }
0xde: {  	[bflag:$0x0] =	sbarrier.arrive $0xFFFF  }
0xdf: {  	[hbm:s16], [sflag:s9] =	dma.local [spmem:s19], $0x2700  }
0xe0: {  	_ =	swait.ge [sflag:s20], $0x2700  }
0xe1: {  	s2 =	sadd.s32 $0x1, s2;
	[sflag:s20] =	ssyncset.done $0x0  }
0xe2: {  	p1 =	sne.s32 s2, s18;
	[sflag:s20] =	ssyncadd.s32 $0xFFFFD900  }
0xe3: {  	[hbm:s17], [sflag:s9] =	dma.local @!p0 [spmem:s0], $0x100  }
.Ltmp4:
0xe4: {  	_ = 	snop;
	(pc) =	sbr.rel @p1 .LBB2_1-.Ltmp4, $4  }
0xe5: {  	s0 =	simm.s32 @!p0 $0x4  }
0xe6: {  	_ =	swait.ge @!p0 [sflag:s0], $0x100  }
0xe7: {  	[sflag:s0] =	ssyncset.done @!p0 $0x0  }
0xe8: {  	[sflag:s0] =	ssyncadd.s32 @!p0 $0xFFFFFF00  }
0xe9: {  	_ =	sfence.sel $0x180000  }
0xea: {  	[bflag:$0x0] =	sbarrier.arrive $0xFFFF  }
0xeb: {  	_ =	strace $0x9000004A  }
0xec: {  	[bflag:$0x2] =	sbarrier.arrive $0xFFFF  }
0xed: {  	s0 =	rddreg [dreg:$0x2]  }
0xee: {  	s0 =	sadd.s32 @!p0 $0x100000, s0  }
0xef: {  	[sflag:s0] =	ssyncadd.tile.s32 @!p0 $0x1;
	_ =	shalt  }
.Lfunc_end2:
_tile_overlayer_lowered:
.L_overlay_start_2:
0xf0: {  	(tag) =	ssettag $0x2  }
0xf1: {  	s0 =	rddreg [dreg:$0x0];
	s2 =	stileid.u32  }
0xf2: {  	s1 =	rddreg [dreg:$0x1];
	p0 =	sne.s32 s2, $0x0  }
0xf3: {  	s3 =	rddreg [dreg:$0x2];
	[bflag:$0x3] =	sbarrier.arrive $0xFFFF;
	s2 =	simm.s32 @!p0 $0x1C04  }
0xf4: {  	[timem:s3], [sflag:s2] =	dma.local @!p0 [hbm:s0], s1  }
0xf5: {  	s0 =	simm.s32 @!p0 $0x4  }
0xf6: {  	_ =	swait.ge @!p0 [sflag:s0], s1  }
0xf7: {  	s1 =	ssub.s32 @!p0 $0x0, s1;
	[sflag:s0] =	ssyncset.done @!p0 $0x0  }
0xf8: {  	[sflag:s0] =	ssyncadd.s32 @!p0 s1  }
0xf9: {  	[bflag:$0x3] =	sbarrier.arrive $0xFFFF  }
0xfa: {  	_ =	shalt  }

// kernel: kernel.8.cloned.1.call-start
scs
__scs_entry_jumppad:
0x0: {  	(pc) =	sbr.rel $0x88, $3  }
0x1: {  	(tag) =	ssettag $0x0;
	lr =	simm.s32 $0x1  }
0x2: {  	[smem:$0x3F94] =	sst lr;
	_ =	strace $0xD0000000  }
0x3: {  	_ = 	snop  }
0x4: {  	_ = 	snop  }
0x5: {  	_ = 	snop  }
0x6: {  	_ = 	snop  }
0x7: {  	_ = 	snop  }
__scs_overlays_trampoline_lowered:
0x8: {  	[smem:$0x3FA3] =	sst s0  }
0x9: {  	[smem:$0x3FA4] =	sst s1  }
0xa: {  	[smem:$0x3FA5] =	sst s2  }
0xb: {  	[smem:$0x3FA6] =	sst s3  }
0xc: {  	[smem:$0x3FA7] =	sst s4  }
0xd: {  	[smem:$0x3FA8] =	sst s5  }
0xe: {  	[smem:$0x3FA9] =	sst s6  }
0xf: {  	[smem:$0x3FAA] =	sst s7  }
0x10: {  	[smem:$0x3FAB] =	sst s8  }
0x11: {  	[smem:$0x3FAC] =	sst s9;
	s0 =	simm.s32 @!p0 $0x0  }
0x12: {  	s1 =	sld [smem:$0x3F92];
	s0 =	simm.s32 @p0 $0x1  }
0x13: {  	[smem:$0x3FAD] =	sst s0;
	s0 =	simm.s32 @!p1 $0x0  }
0x14: {  	s2 =	sld [smem:$0x3F91];
	s0 =	simm.s32 @p1 $0x1  }
0x15: {  	[smem:$0x3FAE] =	sst s0;
	s0 =	simm.s32 @!p2 $0x0  }
0x16: {  	s3 =	sld [smem:$0x3FDB];
	s0 =	simm.s32 @p2 $0x1  }
0x17: {  	s4 =	simm.s32 $0x1BF5;
	[smem:$0x3FB0] =	sst s0  }
0x18: {  	s0 =	sld [smem:$0x3F93];
	_ =	swait.ge [sflag:s4], $0x0  }
0x19: {  	s7 =	sld [smem:$0x3F94]  }
0x1a: {  	s8 =	sadd.s32 $0xFFFFE003, lr  }
0x1b: {  	s9 =	sadd.s32 $0xFFFFFEF7, lr;
	s5 =	simm.s32 $0xFFFFFFFF;
	p2 =	slt.u32 s8, $0xFFFFF086  }
0x1c: {  	p1 =	slt.u32 s9, $0xF7A;
	s5 =	simm.s32 @!p2 $0x0  }
0x1d: {  	s5 =	simm.s32 @p1 $0x1;
	p0 =	seq.s32 s7, s2  }
0x1e: {  	s7 =	smul.u32 @!p0 $0xF7A, s2;
	p2 =	seq.s32 @!p0 s5, $0x0  }
0x1f: {  	s9 =	smul.u32 $0xF7A, s1;
	s8 =	simm.s32 @!p0 $0x1BF5;
	p2 =	por !p2, p0  }
0x20: {  	[sflag:s8] =	ssyncset.s32 @!p0 $0xFFFFF086;
	s6 =	sadd.s32 @!p0 s3, s7;
	s7 =	simm.s32 @!p0 $0x108  }
0x21: {  	s3 =	sadd.s32 s3, s9;
	s6 =	sadd.s32 @!p0 $0x88, s6;
	s7 =	simm.s32 @p2 $0x1082  }
0x22: {  	[simem:s7], [sflag:s8] =	dma.local @!p0 [hbm:s6], $0xF7A  }
0x23: {  	s9 =	sor.u32 $0xD0000000, s2;
	s6 =	simm.s32 $0x108;
	_ =	swait.ge @!p0 [sflag:s8], $0x0  }
0x24: {  	s3 =	sadd.s32 $0x88, s3;
	s6 =	simm.s32 @!p1 $0x1082;
	[sflag:s4] =	ssyncset.s32 $0xFFFFF086  }
0x25: {  	[simem:s6], [sflag:s4] =	dma.local [hbm:s3], $0xF7A  }
0x26: {  	[smem:$0x3F94] =	sst s1;
	(tag) =	ssettag s2;
	_ =	strace s9  }
0x27: {  	s1 =	sld [smem:$0x3FA4]  }
0x28: {  	s2 =	sld [smem:$0x3FA5]  }
0x29: {  	s4 =	sld [smem:$0x3FA7]  }
0x2a: {  	p0 =	seq.s32 s5, $0x0;
	s5 =	sld [smem:$0x3FA8]  }
0x2b: {  	s6 =	sld [smem:$0x3FA9]  }
0x2c: {  	s7 =	sld [smem:$0x3FAA]  }
0x2d: {  	s3 =	simm.s32 $0x108;
	s8 =	sld [smem:$0x3FAB]  }
0x2e: {  	s3 =	simm.s32 @!p0 $0x1082;
	s9 =	sld [smem:$0x3FAC]  }
0x2f: {  	lr =	sadd.s32 s0, s3;
	s0 =	sld [smem:$0x3FA3]  }
0x30: {  	s3 =	sld [smem:$0x3FA6]  }
0x31: {  	[smem:$0x3FAF] =	sst s10  }
0x32: {  	s10 =	sld [smem:$0x3FAD];
	_ =	sdelay $0x3  }
0x33: {  	p0 =	seq.s32 s10, $0x1;
	s10 =	sld [smem:$0x3FAF];
	_ =	sdelay $0x3  }
0x34: {  	[smem:$0x3FAF] =	sst s10  }
0x35: {  	s10 =	sld [smem:$0x3FAE];
	_ =	sdelay $0x3  }
0x36: {  	p1 =	seq.s32 s10, $0x1;
	s10 =	sld [smem:$0x3FAF];
	_ =	sdelay $0x3  }
0x37: {  	[smem:$0x3FAF] =	sst s10  }
0x38: {  	s10 =	sld [smem:$0x3FB0]  }
0x39: {  	_ = 	snop;
	(pc) =	sbr.ind lr, $3  }
0x3a: {  	_ = 	snop  }
0x3b: {  	_ = 	snop  }
0x3c: {  	p2 =	seq.s32 s10, $0x1;
	s10 =	sld [smem:$0x3FAF]  }
0x3d: {  	_ =	shalt  }
0x3e: {  	_ =	shalt  }
0x3f: {  	_ =	shalt  }
0x40: {  	_ =	shalt  }
0x41: {  	_ =	shalt  }
0x42: {  	_ =	shalt  }
0x43: {  	_ =	shalt  }
0x44: {  	_ =	shalt  }
0x45: {  	_ =	shalt  }
0x46: {  	_ =	shalt  }
0x47: {  	_ =	shalt  }
0x48: {  	_ =	shalt  }
0x49: {  	_ =	shalt  }
0x4a: {  	_ =	shalt  }
0x4b: {  	_ =	shalt  }
0x4c: {  	_ =	shalt  }
0x4d: {  	_ =	shalt  }
0x4e: {  	_ =	shalt  }
0x4f: {  	_ =	shalt  }
0x50: {  	_ =	shalt  }
0x51: {  	_ =	shalt  }
0x52: {  	_ =	shalt  }
0x53: {  	_ =	shalt  }
0x54: {  	_ =	shalt  }
0x55: {  	_ =	shalt  }
0x56: {  	_ =	shalt  }
0x57: {  	_ =	shalt  }
0x58: {  	_ =	shalt  }
0x59: {  	_ =	shalt  }
0x5a: {  	_ =	shalt  }
0x5b: {  	_ =	shalt  }
0x5c: {  	_ =	shalt  }
0x5d: {  	_ =	shalt  }
0x5e: {  	_ =	shalt  }
0x5f: {  	_ =	shalt  }
0x60: {  	_ =	shalt  }
0x61: {  	_ =	shalt  }
0x62: {  	_ =	shalt  }
0x63: {  	_ =	shalt  }
0x64: {  	_ =	shalt  }
0x65: {  	_ =	shalt  }
0x66: {  	_ =	shalt  }
0x67: {  	_ =	shalt  }
0x68: {  	_ =	shalt  }
0x69: {  	_ =	shalt  }
0x6a: {  	_ =	shalt  }
0x6b: {  	_ =	shalt  }
0x6c: {  	_ =	shalt  }
0x6d: {  	_ =	shalt  }
0x6e: {  	_ =	shalt  }
0x6f: {  	_ =	shalt  }
0x70: {  	_ =	shalt  }
0x71: {  	_ =	shalt  }
0x72: {  	_ =	shalt  }
0x73: {  	_ =	shalt  }
0x74: {  	_ =	shalt  }
0x75: {  	_ =	shalt  }
0x76: {  	_ =	shalt  }
0x77: {  	_ =	shalt  }
0x78: {  	_ =	shalt  }
0x79: {  	_ =	shalt  }
0x7a: {  	_ =	shalt  }
0x7b: {  	_ =	shalt  }
0x7c: {  	_ =	shalt  }
0x7d: {  	_ =	shalt  }
0x7e: {  	_ =	shalt  }
0x7f: {  	_ =	shalt  }
0x80: {  	_ =	shalt  }
0x81: {  	_ =	shalt  }
0x82: {  	_ =	shalt  }
0x83: {  	_ =	shalt  }
0x84: {  	_ =	shalt  }
0x85: {  	_ =	shalt  }
0x86: {  	_ =	shalt  }
0x87: {  	_ =	shalt  }
.Lfunc_end0:
.L_simem_size_0:
called_computation_lowered:
.L_overlay_start_0:
0x88: {  	s2 =	sld [smem:$0x3FD9]  }
0x89: {  	s3 =	sld [smem:$0x3FFE];
	_ =	sdelay $0x1  }
0x8a: {  	s1 =	srdreg.scid  }
0x8b: {  	s0 =	sand.u32 $0x1, s1  }
0x8c: {  	s16 =	sshll.u32 s0, $0xA;
	s2 =	sadd.s32 s3, s2  }
0x8d: {  	s2 =	sadd.s32 s2, s16  }
0x8e: {  	[smem:$0x3FBB] =	sst s2  }
0x8f: {  	_ = 	snop  }
0x90: {  	(tm) =	ssettm $0x1  }
0x91: {  	s17 =	sld [smem:$0x3FFB];
	_ =	sdelay $0x3  }
0x92: {  	_ =	strace s17  }
0x93: {  	s2 =	sld [smem:$0x3FFC];
	_ =	sdelay $0x3  }
0x94: {  	_ =	strace s2  }
0x95: {  	s2 =	sld [smem:$0x3FFD];
	_ =	sdelay $0x3  }
0x96: {  	_ =	strace s2  }
0x97: {  	_ =	strace $0x8FFFFFFF  }
0x98: {  	s18 =	sld [smem:$0x3FDB];
	_ =	sdelay $0x1  }
0x99: {  	s19 =	simm.s32 $_scs_section_size  }
0x9a: {  	s4 =	simm.s32 $_size__tile_overlayer_lowered;
	s5 =	simm.s32 $_tile_overlayer_lowered  }
0x9b: {  	s22 =	simm.s32 $0x1BFF;
	s21 =	sshll.u32 s5, $0x1;
	s2 =	sadd.s32 s19, s18  }
0x9c: {  	s6 =	simm.s32 $0x0;
	s20 =	sshll.u32 s4, $0x1;
	s4 =	sadd.s32 s21, s2  }
0x9d: {  	[timem:s6], [sflag:s22] =	dma.local [hbm:s4], s20  }
0x9e: {  	_ =	swait.ge [sflag:s22], s20  }
0x9f: {  	s3 =	ssub.s32 $0x0, s20;
	[sflag:s22] =	ssyncset.done $0x0  }
0xa0: {  	[sflag:s22] =	ssyncadd.s32 s3;
	_ =	sdelay $0x1  }
0xa1: {  	s23 =	simm.s32 $0x1B8B  }
0xa2: {  	_ =	swait.ge [sflag:s23], $0x1  }
0xa3: {  	[sflag:s23] =	ssyncset.done $0x0  }
0xa4: {  	s25 =	simm.s32 $0x1B8E;
	s24 =	sld [smem:$0x3FFE];
	[sflag:s23] =	ssyncadd.s32 $0xFFFFFFFF  }
0xa5: {  	s26 =	simm.s32 $execute0_lowered;
	[smem:$0x3FD2] =	sst s25  }
0xa6: {  	s4 =	sshll.u32 s26, $0x1;
	_ =	strace $0x80000046;
	[dreg:$0x1] =	wrdreg $0xFFFFFFFF  }
0xa7: {  	s28 =	simm.s32 $_size_execute0_lowered;
	s2 =	sadd.s32 s2, s4;
	[dreg:$0x0] =	wrdreg $0x0  }
0xa8: {  	s4 =	sshll.u32 s28, $0x1;
	[dreg:$0x2] =	wrdreg s2  }
0xa9: {  	[dreg:$0x3] =	wrdreg s4  }
0xaa: {  	[dreg:$0x4] =	wrdreg $0xC0  }
0xab: {  	_ =	task [dreg:s6], $0x5FFFF  }
0xac: {  	[dreg:$0x1] =	wrdreg $0xFFFFFFFF  }
0xad: {  	[dreg:$0x0] =	wrdreg $0x60  }
0xae: {  	[dreg:$0x2] =	wrdreg s24  }
0xaf: {  	[dreg:$0x3] =	wrdreg $0x7A000  }
0xb0: {  	[dreg:$0x4] =	wrdreg $0x9  }
0xb1: {  	_ =	task.clear_ibuf [dreg:s6], $0x5FFFF;
	_ =	strace $0x90000046  }
0xb2: {  	s29 =	simm.s32 $0x9;
	_ =	strace $0x80000048  }
0xb3: {  	_ =	swait.ge [sflag:s29], $0x1  }
0xb4: {  	[sflag:s29] =	ssyncadd.s32 $0xFFFFFFFF  }
0xb5: {  	_ =	strace $0x90000048  }
0xb6: {  	_ =	sfence  }
0xb7: {  	s30 =	sld [smem:$0x0];
	_ =	sdelay $0x2  }
0xb8: {  	s31 =	sshll.u32 s1, $0xD;
	s1 =	sshrl.u32 s1, $0x2  }
0xb9: {  	s3 =	sand.u32 $0x4000, s31;
	s1 =	sadd.s32 s1, s30  }
0xba: {  	s0 =	sor.u32 s3, s0;
	s1 =	sshll.u32 s1, $0x11  }
0xbb: {  	s0 =	sor.u32 s1, s0  }
0xbc: {  	s0 =	sadd.s32 $0x8F2B, s0  }
0xbd: {  	[sflag:s0] =	ssyncadd.remote.s32 $0x1  }
0xbe: {  	_ =	sfence.sel $0xFFFF  }
0xbf: {  	[dreg:$0x0] =	wrdreg $0xFFFFFFFF;
	(pc) =	sbr.abs _section_cstart, $3  }
0xc0: {  	[dreg:$0x1] =	wrdreg $0xFFFFFFFF  }
0xc1: {  	_ =	task.clear_ibuf [dreg:s6], $0x2FFFF;
	_ =	strace $0x9FFFFFFF  }
0xc2: {  	(tm) =	ssettm $0x7FFFFFFF  }
0xc3: {  	_ =	shalt  }
tec
execute0_lowered:
.L_overlay_start_1:
0x0: {  	(tag) =	ssettag $0x1  }
0x1: {  	s0 =	rddreg [dreg:$0x0]  }
0x2: {  	s1 =	rddreg [dreg:$0x1];
	s2 =	simm.s32 $0x0;
	s7 =	srdreg.scid  }
0x3: {  	s8 =	stileid.u32;
	s28 =	simm.s32 $0x180;
	s29 =	simm.s32 $0x2A00  }
0x4: {  	s30 =	simm.s32 $0x2;
	s31 =	simm.s32 $0x3;
	[smem:$0x7FF] =	sst s2  }
0x5: {  	s3 =	sadd.s32 $0x16400, s0;
	s4 =	sadd.s32 $0x4F8400, s0;
	s5 =	sadd.s32 $0xC600, s0  }
0x6: {  	s6 =	sadd.s32 $0x2800, s0;
	s10 =	sand.u32 $0x1, s7;
	s9 =	smul.u32 $0x4E000, s8  }
0x7: {  	s11 =	sadd.s32 $0x3D600, s0;
	s15 =	smul.u32 $0x13800, s8;
	s20 =	sshll.u32 s8, $0x6  }
0x8: {  	s22 =	sadd.s32 $0x138000, s1;
	s0 =	sadd.s32 $0x3D400, s0;
	p0 =	sne.s32 s8, $0x0  }
0x9: {  	_ =	strace $0x80000047;
	s7 =	ssub.s32 $0x2, s10;
	[dreg:$0x4] =	wrdreg s22  }
0xa: {  	s13 =	sshll.u32 s10, $0x4;
	s10 =	smul.u32 $0x138800, s10;
	[dreg:$0x5] =	wrdreg s0  }
0xb: {  	s22 =	simm.s32 $0x50;
	s12 =	sshrl.u32 s7, $0x1;
	s16 =	sor.u32 s8, s13  }
0xc: {  	s9 =	sshrl.u32 s9, $0x2;
	s17 =	sshrl.u32 s15, $0x3;
	s18 =	ssub.s32 s7, s12  }
0xd: {  	s7 =	smul.u32 $0x2710, s16;
	s19 =	sadd.s32 s9, s1;
	s21 =	sadd.s32 s3, s17  }
0xe: {  	s9 =	sor.u32 $0x1C04, s20;
	s25 =	sadd.s32 s15, s10;
	s10 =	sshrl.u32 s10, $0x3  }
0xf: {  	s20 =	simm.s32 $0x4;
	s15 =	simm.s32 $0x0;
	[dreg:$0x3] =	wrdreg s21  }
0x10: {  	s26 =	sadd.s32 s11, s10;
	s18 =	smax.u32 s18, $0x1;
	s19 =	sshrl.u32 s19, $0x3  }
0x11: {  	s21 =	simm.s32 $0x100;
	s23 =	sadd.s32 $0x26C0, s7;
	s12 =	sadd.s32 $0x50, s7  }
0x12: {  	s17 =	sadd.s32 $0x27000, s26;
	s26 =	simm.s32 $0x80;
	s24 =	sshrl.u32 s23, $0x3  }
0x13: {  	s13 =	sshll.u32 s23, $0x4;
	s23 =	simm.s32 $0x200;
	s14 =	sadd.s32 s5, s24  }
0x14: {  	s0 =	sadd.s32 s6, s24;
	s13 =	sadd.s32 s4, s13;
	[dreg:$0x6] =	wrdreg s14  }
0x15: {  	s24 =	simm.s32 $0x5200;
	[dreg:$0x7] =	wrdreg s0;
	s0 =	sshrl.u32 s25, $0x3  }
0x16: {  	[dreg:$0x8] =	wrdreg s13;
	s25 =	simm.s32 $0x1;
	s16 =	sadd.s32 s11, s0  }
.LBB2_1:
0x17: {  	s0 =	rddreg [dreg:$0x3]  }
0x18: {  	[spmem:s19], [sflag:s9] =	dma.local [hbm:s0], $0x2700  }
0x19: {  	_ =	swait.ge [sflag:s20], $0x2700  }
0x1a: {  	[sflag:s20] =	ssyncset.done $0x0;
	s0 =	rddreg [dreg:$0x4]  }
0x1b: {  	s8 =	rddreg [dreg:$0x5];
	[sflag:s20] =	ssyncadd.s32 $0xFFFFD900;
	s0 =	sshrl.u32 @!p0 s0, $0x3  }
0x1c: {  	[spmem:s0], [sflag:s9] =	dma.local @!p0 [hbm:s8], $0x100  }
0x1d: {  	s8 =	simm.s32 @!p0 $0x4  }
0x1e: {  	_ =	swait.ge @!p0 [sflag:s8], $0x100  }
0x1f: {  	[sflag:s8] =	ssyncset.done @!p0 $0x0  }
0x20: {  	[sflag:s8] =	ssyncadd.s32 @!p0 $0xFFFFFF00  }
0x21: {  	s8 =	simm.s32 $0x0;
	[bflag:$0x0] =	sbarrier.arrive $0xFFFF  }
.LBB2_2:
0x22: {  	s10 =	smul.u32 $0xA0, s8;
	p1 =	seq.s32 s8, $0x0  }
0x23: {  	s11 =	simm.s32 @!p1 $0x2  }
0x24: {  	s13 =	sadd.s32 s7, s10;
	_ =	swait.ge @!p1 [sflag:s11], $0x2800  }
0x25: {  	[sflag:s11] =	ssyncset.done @!p1 $0x0;
	s14 =	sshrl.u32 s13, $0x3  }
0x26: {  	[sflag:s11] =	ssyncadd.s32 @!p1 $0xFFFFD800;
	s11 =	sadd.s32 s5, s14  }
0x27: {  	[tilespmem:s15], [sflag:$0x4] =	stream.linear.gather [hbm4b:s11+s15], $0x50, $0x38;
	[tilespmem:$0x1B280] =	vst v63  }
0x28: {  	_ =	swait.ge [sflag:s20], $0x50  }
0x29: {  	[sflag:s20] =	ssyncset.done $0x0  }
0x2a: {  	s14 =	sadd.s32 s6, s14;
	[sflag:s20] =	ssyncadd.s32 $0xFFFFFFB0  }
0x2b: {  	[tilespmem:s21], [sflag:$0x4] =	stream.linear.gather [hbm4b:s14+s15], $0x50, $0x38;
	[tilespmem:$0x1B280] =	vst v63  }
0x2c: {  	_ =	swait.ge [sflag:s20], $0x50  }
0x2d: {  	[sflag:s20] =	ssyncset.done $0x0  }
0x2e: {  	s14 =	sshll.u32 s13, $0x4;
	[sflag:s20] =	ssyncadd.s32 $0xFFFFFFB0  }
0x2f: {  	[tilespmem:s23], [sflag:$0x1] =	stream.indirect.gather [hbm4b:s3+s22], $0x80, s15, s22, $0xb8;
	[tilespmem:$0x1B280] =	vst v63  }
0x30: {  	s11 =	sadd.s32 s4, s14  }
0x31: {  	[tilespmem:s24], [sflag:$0x4] =	stream.linear.gather [hbm4b:s11+s15], $0x2800, $0x38;
	[tilespmem:$0x1B280] =	vst v63  }
0x32: {  	_ =	swait.ge [sflag:s20], $0x2800  }
0x33: {  	[sflag:s20] =	ssyncset.done $0x0  }
0x34: {  	[sflag:s20] =	ssyncadd.s32 $0xFFFFD800  }
0x35: {  	_ =	swait.ge [sflag:s25], $0x2800  }
0x36: {  	[sflag:s25] =	ssyncset.done $0x0  }
0x37: {  	s11 =	simm.s32 $0x0;
	[sflag:s25] =	ssyncadd.s32 $0xFFFFD800  }
0x38: {  	v7 =	vld [tilespmem:s11+$0x5200]  }
0x39: {  	v11 =	vld [tilespmem:s11+$0x5210]  }
0x3a: {  	v5 =	vld [tilespmem:s11+$0x5220]  }
0x3b: {  	v4 =	vld [tilespmem:s11+$0x5230]  }
0x3c: {  	v3 =	vld [tilespmem:s11+$0x5240]  }
0x3d: {  	v2 =	vld [tilespmem:s11+$0x5250]  }
0x3e: {  	v1 =	vld [tilespmem:s11+$0x5260]  }
0x3f: {  	v0 =	vld [tilespmem:s11+$0x5270]  }
0x40: {  	v12 =	vld [tilespmem:s11+$0x200]  }
0x41: {  	v13 =	vld [tilespmem:s11+$0x210]  }
0x42: {  	v10 =	vld [tilespmem:s11+$0x220]  }
0x43: {  	v9 =	vld [tilespmem:s11+$0x230]  }
0x44: {  	v8 =	vld [tilespmem:s11+$0x240]  }
0x45: {  	v6 =	vld [tilespmem:s11+$0x250];
	v12 =	vmul.f32 v7, v12  }
0x46: {  	s13 =	simm.s32 $0x200;
	v11 =	vmul.f32 v11, v13;
	v7 =	vld [tilespmem:s11+$0x260]  }
.LBB2_3:
0x47: {  	s14 =	sshra.s32 s13, $0x2;
	p2 =	sne.s32 s13, $0x9E00;
	[tilespmem:s11+$0x200] =	vst v12;
	v5 =	vmul.f32 v5, v10;
	v10 =	vld [tilespmem:s11+$0x270]  }
0x48: {  	v12 =	vld [tilespmem:s14+$0x5200];
	[tilespmem:s11+$0x210] =	vst v11;
	v4 =	vmul.f32 v4, v9  }
0x49: {  	v11 =	vld [tilespmem:s14+$0x5210];
	[tilespmem:s11+$0x220] =	vst v5;
	v3 =	vmul.f32 v3, v8  }
0x4a: {  	v5 =	vld [tilespmem:s14+$0x5220];
	[tilespmem:s11+$0x230] =	vst v4;
	v2 =	vmul.f32 v2, v6  }
0x4b: {  	v4 =	vld [tilespmem:s14+$0x5230];
	[tilespmem:s11+$0x240] =	vst v3;
	v1 =	vmul.f32 v1, v7  }
0x4c: {  	v3 =	vld [tilespmem:s14+$0x5240];
	[tilespmem:s11+$0x250] =	vst v2;
	v0 =	vmul.f32 v0, v10  }
0x4d: {  	v2 =	vld [tilespmem:s14+$0x5250];
	[tilespmem:s11+$0x260] =	vst v1  }
0x4e: {  	v1 =	vld [tilespmem:s14+$0x5260];
	[tilespmem:s11+$0x270] =	vst v0;
	s11 =	smov.u32 s14  }
0x4f: {  	v0 =	vld [tilespmem:s11+$0x5270]  }
0x50: {  	v6 =	vld [tilespmem:s11+$0x200]  }
0x51: {  	v7 =	vld [tilespmem:s11+$0x210]  }
.Ltmp0:
0x52: {  	v10 =	vld [tilespmem:s11+$0x220];
	(pc) =	sbr.rel @p2 .LBB2_3-.Ltmp0, $4  }
0x53: {  	v9 =	vld [tilespmem:s11+$0x230]  }
0x54: {  	v8 =	vld [tilespmem:s11+$0x240]  }
0x55: {  	v12 =	vmul.f32 v12, v6;
	v6 =	vld [tilespmem:s11+$0x250]  }
0x56: {  	s13 =	sadd.s32 $0x200, s13;
	v11 =	vmul.f32 v11, v7;
	v7 =	vld [tilespmem:s11+$0x260]  }
0x57: {  	[tilespmem:s11+$0x200] =	vst v12;
	v5 =	vmul.f32 v5, v10;
	v10 =	vld [tilespmem:s11+$0x270]  }
0x58: {  	[tilespmem:s11+$0x210] =	vst v11;
	v4 =	vmul.f32 v4, v9  }
0x59: {  	[tilespmem:s11+$0x220] =	vst v5;
	v3 =	vmul.f32 v3, v8  }
0x5a: {  	[tilespmem:s11+$0x230] =	vst v4;
	v2 =	vmul.f32 v2, v6  }
0x5b: {  	[tilespmem:s11+$0x240] =	vst v3;
	v1 =	vmul.f32 v1, v7  }
0x5c: {  	[tilespmem:s11+$0x250] =	vst v2;
	v0 =	vmul.f32 v0, v10  }
0x5d: {  	[tilespmem:s11+$0x260] =	vst v1  }
0x5e: {  	[tilespmem:s11+$0x270] =	vst v0;
	s11 =	simm.s32 @!p1 $0x3  }
0x5f: {  	[spmem:s1] =	stream.indirect.scatter.add.f32 [tilespmem:s23], [sflag:$0x2], $0x80, s21, s22, $0xb8;
	[tilespmem:$0x1B280] =	vst v63  }
0x60: {  	s10 =	sadd.s32 s12, s10;
	_ =	swait.ge @!p1 [sflag:s11], $0x2800  }
0x61: {  	s13 =	sshrl.u32 s10, $0x3;
	[sflag:s11] =	ssyncset.done @!p1 $0x0  }
0x62: {  	s14 =	simm.s32 $0x0;
	[sflag:s11] =	ssyncadd.s32 @!p1 $0xFFFFD800;
	s11 =	sadd.s32 s5, s13  }
0x63: {  	[tilespmem:s26], [sflag:$0x4] =	stream.linear.gather [hbm4b:s11+s14], $0x50, $0x38;
	[tilespmem:$0x1B280] =	vst v63  }
0x64: {  	_ =	swait.ge [sflag:s20], $0x50  }
0x65: {  	[sflag:s20] =	ssyncset.done $0x0  }
0x66: {  	s13 =	sadd.s32 s6, s13;
	[sflag:s20] =	ssyncadd.s32 $0xFFFFFFB0  }
0x67: {  	[tilespmem:s28], [sflag:$0x4] =	stream.linear.gather [hbm4b:s13+s14], $0x50, $0x38;
	[tilespmem:$0x1B280] =	vst v63  }
0x68: {  	_ =	swait.ge [sflag:s20], $0x50  }
0x69: {  	[sflag:s20] =	ssyncset.done $0x0  }
0x6a: {  	s10 =	sshll.u32 s10, $0x4;
	[sflag:s20] =	ssyncadd.s32 $0xFFFFFFB0  }
0x6b: {  	[tilespmem:s29], [sflag:$0x1] =	stream.indirect.gather [hbm4b:s3+s22], $0x80, s26, s22, $0xb8;
	[tilespmem:$0x1B280] =	vst v63  }
0x6c: {  	s10 =	sadd.s32 s4, s10  }
0x6d: {  	[tilespmem:s24], [sflag:$0x4] =	stream.linear.gather [hbm4b:s10+s14], $0x2800, $0x38;
	[tilespmem:$0x1B280] =	vst v63  }
0x6e: {  	_ =	swait.ge [sflag:s20], $0x2800  }
0x6f: {  	[sflag:s20] =	ssyncset.done $0x0  }
0x70: {  	[sflag:s20] =	ssyncadd.s32 $0xFFFFD800  }
0x71: {  	_ =	swait.ge [sflag:s25], $0x2800  }
0x72: {  	[sflag:s25] =	ssyncset.done $0x0  }
0x73: {  	s10 =	simm.s32 $0x0;
	[sflag:s25] =	ssyncadd.s32 $0xFFFFD800  }
0x74: {  	v7 =	vld [tilespmem:s10+$0x5200]  }
0x75: {  	v11 =	vld [tilespmem:s10+$0x5210]  }
0x76: {  	v5 =	vld [tilespmem:s10+$0x5220]  }
0x77: {  	v4 =	vld [tilespmem:s10+$0x5230]  }
0x78: {  	v3 =	vld [tilespmem:s10+$0x5240]  }
0x79: {  	v2 =	vld [tilespmem:s10+$0x5250]  }
0x7a: {  	v1 =	vld [tilespmem:s10+$0x5260]  }
0x7b: {  	v0 =	vld [tilespmem:s10+$0x5270]  }
0x7c: {  	v12 =	vld [tilespmem:s10+$0x2A00]  }
0x7d: {  	v13 =	vld [tilespmem:s10+$0x2A10]  }
0x7e: {  	v10 =	vld [tilespmem:s10+$0x2A20]  }
0x7f: {  	v9 =	vld [tilespmem:s10+$0x2A30]  }
0x80: {  	v8 =	vld [tilespmem:s10+$0x2A40]  }
0x81: {  	v6 =	vld [tilespmem:s10+$0x2A50];
	v12 =	vmul.f32 v7, v12  }
0x82: {  	s11 =	simm.s32 $0x200;
	v11 =	vmul.f32 v11, v13;
	v7 =	vld [tilespmem:s10+$0x2A60]  }
.LBB2_5:
0x83: {  	s13 =	sshra.s32 s11, $0x2;
	p1 =	sne.s32 s11, $0x9E00;
	[tilespmem:s10+$0x2A00] =	vst v12;
	v5 =	vmul.f32 v5, v10;
	v10 =	vld [tilespmem:s10+$0x2A70]  }
0x84: {  	v12 =	vld [tilespmem:s13+$0x5200];
	[tilespmem:s10+$0x2A10] =	vst v11;
	v4 =	vmul.f32 v4, v9  }
0x85: {  	v11 =	vld [tilespmem:s13+$0x5210];
	[tilespmem:s10+$0x2A20] =	vst v5;
	v3 =	vmul.f32 v3, v8  }
0x86: {  	v5 =	vld [tilespmem:s13+$0x5220];
	[tilespmem:s10+$0x2A30] =	vst v4;
	v2 =	vmul.f32 v2, v6  }
0x87: {  	v4 =	vld [tilespmem:s13+$0x5230];
	[tilespmem:s10+$0x2A40] =	vst v3;
	v1 =	vmul.f32 v1, v7  }
0x88: {  	v3 =	vld [tilespmem:s13+$0x5240];
	[tilespmem:s10+$0x2A50] =	vst v2;
	v0 =	vmul.f32 v0, v10  }
0x89: {  	v2 =	vld [tilespmem:s13+$0x5250];
	[tilespmem:s10+$0x2A60] =	vst v1  }
0x8a: {  	v1 =	vld [tilespmem:s13+$0x5260];
	[tilespmem:s10+$0x2A70] =	vst v0;
	s10 =	smov.u32 s13  }
0x8b: {  	v0 =	vld [tilespmem:s10+$0x5270]  }
0x8c: {  	v6 =	vld [tilespmem:s10+$0x2A00]  }
0x8d: {  	v7 =	vld [tilespmem:s10+$0x2A10]  }
.Ltmp1:
0x8e: {  	v10 =	vld [tilespmem:s10+$0x2A20];
	(pc) =	sbr.rel @p1 .LBB2_5-.Ltmp1, $4  }
0x8f: {  	v9 =	vld [tilespmem:s10+$0x2A30]  }
0x90: {  	v8 =	vld [tilespmem:s10+$0x2A40]  }
0x91: {  	v12 =	vmul.f32 v12, v6;
	v6 =	vld [tilespmem:s10+$0x2A50]  }
0x92: {  	s11 =	sadd.s32 $0x200, s11;
	v11 =	vmul.f32 v11, v7;
	v7 =	vld [tilespmem:s10+$0x2A60]  }
0x93: {  	[tilespmem:s10+$0x2A00] =	vst v12;
	v5 =	vmul.f32 v5, v10;
	v63 =	vld [tilespmem:s10+$0x2A70]  }
0x94: {  	[tilespmem:s10+$0x2A10] =	vst v11;
	v4 =	vmul.f32 v4, v9  }
0x95: {  	s8 =	sadd.s32 $0x1, s8;
	[tilespmem:s10+$0x2A20] =	vst v5;
	v3 =	vmul.f32 v3, v8  }
0x96: {  	p1 =	sne.s32 s8, $0x3E;
	[tilespmem:s10+$0x2A30] =	vst v4;
	v2 =	vmul.f32 v2, v6  }
.Ltmp2:
0x97: {  	[tilespmem:s10+$0x2A40] =	vst v3;
	v1 =	vmul.f32 v1, v7;
	(pc) =	sbr.rel @p1 .LBB2_2-.Ltmp2, $4  }
0x98: {  	[tilespmem:s10+$0x2A50] =	vst v2;
	v0 =	vmul.f32 v0, v63  }
0x99: {  	[tilespmem:s10+$0x2A60] =	vst v1  }
0x9a: {  	[tilespmem:s10+$0x2A70] =	vst v0  }
0x9b: {  	[spmem:s1] =	stream.indirect.scatter.add.f32 [tilespmem:s29], [sflag:$0x3], $0x80, s28, s22, $0xb8;
	[tilespmem:$0x1B280] =	vst v63  }
0x9c: {  	_ =	swait.ge [sflag:s30], $0x2800  }
0x9d: {  	[sflag:s30] =	ssyncset.done $0x0  }
0x9e: {  	s8 =	simm.s32 $0x0;
	s10 =	rddreg [dreg:$0x6];
	[sflag:s30] =	ssyncadd.s32 $0xFFFFD800  }
0x9f: {  	[tilespmem:s8], [sflag:$0x4] =	stream.linear.gather [hbm4b:s10+s8], $0x50, $0x38;
	[tilespmem:$0x1B280] =	vst v63  }
0xa0: {  	_ =	swait.ge [sflag:s20], $0x50  }
0xa1: {  	[sflag:s20] =	ssyncset.done $0x0  }
0xa2: {  	s13 =	rddreg [dreg:$0x7];
	[sflag:s20] =	ssyncadd.s32 $0xFFFFFFB0  }
0xa3: {  	[tilespmem:s21], [sflag:$0x4] =	stream.linear.gather [hbm4b:s13+s8], $0x50, $0x38;
	[tilespmem:$0x1B280] =	vst v63  }
0xa4: {  	_ =	swait.ge [sflag:s20], $0x50  }
0xa5: {  	[sflag:s20] =	ssyncset.done $0x0  }
0xa6: {  	[sflag:s20] =	ssyncadd.s32 $0xFFFFFFB0  }
0xa7: {  	[tilespmem:s23], [sflag:$0x1] =	stream.indirect.gather [hbm4b:s3+s22], $0x80, s8, s22, $0xb8;
	[tilespmem:$0x1B280] =	vst v63  }
0xa8: {  	s14 =	rddreg [dreg:$0x8]  }
0xa9: {  	[tilespmem:s24], [sflag:$0x4] =	stream.linear.gather [hbm4b:s14+s8], $0x2800, $0x38;
	[tilespmem:$0x1B280] =	vst v63  }
0xaa: {  	_ =	swait.ge [sflag:s20], $0x2800  }
0xab: {  	[sflag:s20] =	ssyncset.done $0x0  }
0xac: {  	[sflag:s20] =	ssyncadd.s32 $0xFFFFD800  }
0xad: {  	_ =	swait.ge [sflag:s25], $0x2800  }
0xae: {  	[sflag:s25] =	ssyncset.done $0x0  }
0xaf: {  	s8 =	simm.s32 $0x0;
	[sflag:s25] =	ssyncadd.s32 $0xFFFFD800  }
0xb0: {  	v7 =	vld [tilespmem:s8+$0x5200]  }
0xb1: {  	v11 =	vld [tilespmem:s8+$0x5210]  }
0xb2: {  	v5 =	vld [tilespmem:s8+$0x5220]  }
0xb3: {  	v4 =	vld [tilespmem:s8+$0x5230]  }
0xb4: {  	v3 =	vld [tilespmem:s8+$0x5240]  }
0xb5: {  	v2 =	vld [tilespmem:s8+$0x5250]  }
0xb6: {  	v1 =	vld [tilespmem:s8+$0x5260]  }
0xb7: {  	v0 =	vld [tilespmem:s8+$0x5270]  }
0xb8: {  	v12 =	vld [tilespmem:s8+$0x200]  }
0xb9: {  	v13 =	vld [tilespmem:s8+$0x210]  }
0xba: {  	v10 =	vld [tilespmem:s8+$0x220]  }
0xbb: {  	v9 =	vld [tilespmem:s8+$0x230]  }
0xbc: {  	v8 =	vld [tilespmem:s8+$0x240]  }
0xbd: {  	v6 =	vld [tilespmem:s8+$0x250];
	v12 =	vmul.f32 v7, v12  }
0xbe: {  	s10 =	simm.s32 $0x200;
	v11 =	vmul.f32 v11, v13;
	v7 =	vld [tilespmem:s8+$0x260]  }
.LBB2_8:
0xbf: {  	s11 =	sshra.s32 s10, $0x2;
	p1 =	sne.s32 s10, $0x9E00;
	[tilespmem:s8+$0x200] =	vst v12;
	v5 =	vmul.f32 v5, v10;
	v10 =	vld [tilespmem:s8+$0x270]  }
0xc0: {  	v12 =	vld [tilespmem:s11+$0x5200];
	[tilespmem:s8+$0x210] =	vst v11;
	v4 =	vmul.f32 v4, v9  }
0xc1: {  	v11 =	vld [tilespmem:s11+$0x5210];
	[tilespmem:s8+$0x220] =	vst v5;
	v3 =	vmul.f32 v3, v8  }
0xc2: {  	v5 =	vld [tilespmem:s11+$0x5220];
	[tilespmem:s8+$0x230] =	vst v4;
	v2 =	vmul.f32 v2, v6  }
0xc3: {  	v4 =	vld [tilespmem:s11+$0x5230];
	[tilespmem:s8+$0x240] =	vst v3;
	v1 =	vmul.f32 v1, v7  }
0xc4: {  	v3 =	vld [tilespmem:s11+$0x5240];
	[tilespmem:s8+$0x250] =	vst v2;
	v0 =	vmul.f32 v0, v10  }
0xc5: {  	v2 =	vld [tilespmem:s11+$0x5250];
	[tilespmem:s8+$0x260] =	vst v1  }
0xc6: {  	v1 =	vld [tilespmem:s11+$0x5260];
	[tilespmem:s8+$0x270] =	vst v0;
	s8 =	smov.u32 s11  }
0xc7: {  	v0 =	vld [tilespmem:s8+$0x5270]  }
0xc8: {  	v6 =	vld [tilespmem:s8+$0x200]  }
0xc9: {  	v7 =	vld [tilespmem:s8+$0x210]  }
.Ltmp3:
0xca: {  	v10 =	vld [tilespmem:s8+$0x220];
	(pc) =	sbr.rel @p1 .LBB2_8-.Ltmp3, $4  }
0xcb: {  	v9 =	vld [tilespmem:s8+$0x230]  }
0xcc: {  	v8 =	vld [tilespmem:s8+$0x240]  }
0xcd: {  	v12 =	vmul.f32 v12, v6;
	v6 =	vld [tilespmem:s8+$0x250]  }
0xce: {  	s10 =	sadd.s32 $0x200, s10;
	v11 =	vmul.f32 v11, v7;
	v7 =	vld [tilespmem:s8+$0x260]  }
0xcf: {  	[tilespmem:s8+$0x200] =	vst v12;
	v5 =	vmul.f32 v5, v10;
	v63 =	vld [tilespmem:s8+$0x270]  }
0xd0: {  	[tilespmem:s8+$0x210] =	vst v11;
	v4 =	vmul.f32 v4, v9  }
0xd1: {  	[tilespmem:s8+$0x220] =	vst v5;
	v3 =	vmul.f32 v3, v8  }
0xd2: {  	[tilespmem:s8+$0x230] =	vst v4;
	v2 =	vmul.f32 v2, v6  }
0xd3: {  	[tilespmem:s8+$0x240] =	vst v3;
	v1 =	vmul.f32 v1, v7  }
0xd4: {  	[tilespmem:s8+$0x250] =	vst v2;
	v0 =	vmul.f32 v0, v63  }
0xd5: {  	[tilespmem:s8+$0x260] =	vst v1  }
0xd6: {  	[tilespmem:s8+$0x270] =	vst v0  }
0xd7: {  	[spmem:s1] =	stream.indirect.scatter.add.f32 [tilespmem:s23], [sflag:$0x2], $0x80, s21, s22, $0xb8;
	[tilespmem:$0x1B280] =	vst v63  }
0xd8: {  	_ =	swait.ge [sflag:s30], $0x2800  }
0xd9: {  	[sflag:s30] =	ssyncset.done $0x0  }
0xda: {  	[sflag:s30] =	ssyncadd.s32 $0xFFFFD800  }
0xdb: {  	_ =	swait.ge [sflag:s31], $0x2800  }
0xdc: {  	[sflag:s31] =	ssyncset.done $0x0  }
0xdd: {  	[sflag:s31] =	ssyncadd.s32 $0xFFFFD800  }
0xde: {  	[bflag:$0x0] =	sbarrier.arrive $0xFFFF  }
0xdf: {  	[hbm:s16], [sflag:s9] =	dma.local [spmem:s19], $0x2700  }
0xe0: {  	_ =	swait.ge [sflag:s20], $0x2700  }
0xe1: {  	s2 =	sadd.s32 $0x1, s2;
	[sflag:s20] =	ssyncset.done $0x0  }
0xe2: {  	p1 =	sne.s32 s2, s18;
	[sflag:s20] =	ssyncadd.s32 $0xFFFFD900  }
0xe3: {  	[hbm:s17], [sflag:s9] =	dma.local @!p0 [spmem:s0], $0x100  }
.Ltmp4:
0xe4: {  	_ = 	snop;
	(pc) =	sbr.rel @p1 .LBB2_1-.Ltmp4, $4  }
0xe5: {  	s0 =	simm.s32 @!p0 $0x4  }
0xe6: {  	_ =	swait.ge @!p0 [sflag:s0], $0x100  }
0xe7: {  	[sflag:s0] =	ssyncset.done @!p0 $0x0  }
0xe8: {  	[sflag:s0] =	ssyncadd.s32 @!p0 $0xFFFFFF00  }
0xe9: {  	_ =	sfence.sel $0x180000  }
0xea: {  	[bflag:$0x0] =	sbarrier.arrive $0xFFFF  }
0xeb: {  	_ =	strace $0x90000047  }
0xec: {  	[bflag:$0x2] =	sbarrier.arrive $0xFFFF  }
0xed: {  	s0 =	rddreg [dreg:$0x2]  }
0xee: {  	s0 =	sadd.s32 @!p0 $0x100000, s0  }
0xef: {  	[sflag:s0] =	ssyncadd.tile.s32 @!p0 $0x1;
	_ =	shalt  }
.Lfunc_end2:
_tile_overlayer_lowered:
.L_overlay_start_2:
0xf0: {  	(tag) =	ssettag $0x2  }
0xf1: {  	s0 =	rddreg [dreg:$0x0];
	s2 =	stileid.u32  }
0xf2: {  	s1 =	rddreg [dreg:$0x1];
	p0 =	sne.s32 s2, $0x0  }
0xf3: {  	s3 =	rddreg [dreg:$0x2];
	[bflag:$0x3] =	sbarrier.arrive $0xFFFF;
	s2 =	simm.s32 @!p0 $0x1C04  }
0xf4: {  	[timem:s3], [sflag:s2] =	dma.local @!p0 [hbm:s0], s1  }
0xf5: {  	s0 =	simm.s32 @!p0 $0x4  }
0xf6: {  	_ =	swait.ge @!p0 [sflag:s0], s1  }
0xf7: {  	s1 =	ssub.s32 @!p0 $0x0, s1;
	[sflag:s0] =	ssyncset.done @!p0 $0x0  }
0xf8: {  	[sflag:s0] =	ssyncadd.s32 @!p0 s1  }
0xf9: {  	[bflag:$0x3] =	sbarrier.arrive $0xFFFF  }
0xfa: {  	_ =	shalt  }

</sc_bundles>
